<compile_context>
chip_gen: v7x
topology: tpu7x:2x2x1
jax: 0.10.2.dev20260603
libtpu: 0.0.44.dev20260713+nightly
codegen_flags: <defaults>
</compile_context>

<pallas_src>
import jax
import jax.numpy as jnp
from jax import lax
from jax.experimental import pallas as pl
from jax.experimental.pallas import tpu as pltpu
from jax.experimental.pallas import tpu_sc as plsc

_NC, _NS = 2, 16
_NW = _NC * _NS
_L = 16


def kernel(input_tensor, indices):
    B, N, D = input_tensor.shape
    S = indices.shape[1]
    assert indices.shape[0] == B

    chunk = 128
    idx_rows = (B * S) // chunk
    rpw = idx_rows // _NW
    rows_per_batch = S // chunk
    assert S % chunk == 0 and idx_rows % _NW == 0 and rpw % rows_per_batch == 0
    assert chunk % _L == 0 and D % _L == 0

    tbl = input_tensor.reshape(B * N, D)
    idxr = indices.astype(jnp.int32).reshape(idx_rows, chunk)

    nbuf = 7

    def body(tbl, idxr, out, idx_v, *rest):
        bufs, gsems, osems = rest[:nbuf], rest[nbuf:2 * nbuf], rest[2 * nbuf:]
        wid = lax.axis_index("s") * _NC + lax.axis_index("c")
        r0 = wid * rpw
        head = min(8, rpw)
        pltpu.sync_copy(idxr.at[pl.ds(r0, head)], idx_v.at[pl.ds(0, head)])

        def rebase(j):
            base = (wid * (rpw // rows_per_batch) + j // rows_per_batch) * N
            for k in range(chunk // _L):
                sl = pl.ds(k * _L, _L)
                idx_v[j, sl] = idx_v[j, sl] + base

        def gather(j):
            b = j % nbuf
            cp = pltpu.make_async_copy(tbl.at[idx_v.at[j]], bufs[b], gsems[b])
            cp.start()
            return cp

        def out_copy(j):
            b = j % nbuf
            cp = pltpu.make_async_copy(
                bufs[b], out.at[pl.ds((r0 + j) * chunk, chunk)], osems[b])
            cp.start()
            return cp

        depth = 5
        assert depth <= head
        gcps = []
        for j in range(min(depth, rpw)):
            rebase(j)
            gcps.append(gather(j))
        if rpw > head:
            pltpu.sync_copy(idxr.at[pl.ds(r0 + head, rpw - head)],
                            idx_v.at[pl.ds(head, rpw - head)])
        ocps = []
        owaited = [False] * rpw
        for j in range(rpw):
            if j + depth < rpw:
                rebase(j + depth)
            gcps[j].wait()
            ocps.append(out_copy(j))
            if j + depth < rpw:
                if j + depth - nbuf >= 0:
                    ocps[j + depth - nbuf].wait()
                    owaited[j + depth - nbuf] = True
                gcps.append(gather(j + depth))
        for j in range(rpw):
            if not owaited[j]:
                ocps[j].wait()

    mesh = plsc.VectorSubcoreMesh(
        core_axis_name="c", subcore_axis_name="s",
        num_cores=_NC, num_subcores=_NS)
    out = pl.kernel(
        body,
        out_type=jax.ShapeDtypeStruct((B * S, D), jnp.float32),
        mesh=mesh,
        scratch_types=(
            [pltpu.VMEM((rpw, chunk), jnp.int32)]
            + [pltpu.VMEM((chunk, D), jnp.float32)] * nbuf
            + [pltpu.SemaphoreType.DMA] * (2 * nbuf)
        ),
    )(tbl, idxr)
    return out.reshape(B, S, D)

# --- scband reference (transcript-rebuilt; emitter-appended) ---
"""Pipeline reference for scband-gather-86337432584491 (READ-ONLY COPY).

The authoritative reference and input builder live on the scoring server;
editing this copy changes nothing except your own understanding.
"""

import jax, jax.numpy as jnp
import numpy as np

def setup_inputs(seed: int = 0) -> dict:
    key = jax.random.key(seed)
    k1, k2 = jax.random.split(key)
    input_tensor = jax.random.normal(k1, (128, 4096, 128), dtype=jnp.float32)
    indices = jax.random.randint(k2, (128, 512), 0, 4096, dtype=jnp.int64)
    return {"input_tensor": input_tensor, "indices": indices}

def reference(input_tensor, indices):
    # Faithful translation of:
    #   torch.stack([torch.index_select(input_tensor[i], 0, indices[i]) for i in range(B)])
    # i.e. per-batch row gather along axis 0 of each input_tensor[i].
    assert input_tensor.shape[0] == indices.shape[0]
    # Batched gather: take_along_axis on axis=1 with indices broadcast over feature dim.
    gathered = jnp.take_along_axis(input_tensor, indices[:, :, None], axis=1)
    return gathered

if __name__ == "__main__":
    import jax
    _d = setup_inputs()
    print(jax.jit(kernel)(*tuple(_d.values())))

</pallas_src>

<mosaic_0001>
#map = affine_map<(d0, d1) -> (0, 0)>
module attributes {stable_mosaic.version = 14 : i64} {
  func.func @body(%arg0: i32, %arg1: i32, %arg2: memref<524288x128xf32, #tpu.memory_space<hbm>>, %arg3: memref<512x128xi32, #tpu.memory_space<hbm>>, %arg4: memref<65536x128xf32, #tpu.memory_space<hbm>>, %arg5: memref<16x128xi32, #tpu.memory_space<vmem>>, %arg6: memref<128x128xf32, #tpu.memory_space<vmem>>, %arg7: memref<128x128xf32, #tpu.memory_space<vmem>>, %arg8: memref<128x128xf32, #tpu.memory_space<vmem>>, %arg9: memref<128x128xf32, #tpu.memory_space<vmem>>, %arg10: memref<128x128xf32, #tpu.memory_space<vmem>>, %arg11: memref<128x128xf32, #tpu.memory_space<vmem>>, %arg12: memref<128x128xf32, #tpu.memory_space<vmem>>, %arg13: memref<!tpu.dma_semaphore, #tpu.memory_space<semaphore_mem>>, %arg14: memref<!tpu.dma_semaphore, #tpu.memory_space<semaphore_mem>>, %arg15: memref<!tpu.dma_semaphore, #tpu.memory_space<semaphore_mem>>, %arg16: memref<!tpu.dma_semaphore, #tpu.memory_space<semaphore_mem>>, %arg17: memref<!tpu.dma_semaphore, #tpu.memory_space<semaphore_mem>>, %arg18: memref<!tpu.dma_semaphore, #tpu.memory_space<semaphore_mem>>, %arg19: memref<!tpu.dma_semaphore, #tpu.memory_space<semaphore_mem>>, %arg20: memref<!tpu.dma_semaphore, #tpu.memory_space<semaphore_mem>>, %arg21: memref<!tpu.dma_semaphore, #tpu.memory_space<semaphore_mem>>, %arg22: memref<!tpu.dma_semaphore, #tpu.memory_space<semaphore_mem>>, %arg23: memref<!tpu.dma_semaphore, #tpu.memory_space<semaphore_mem>>, %arg24: memref<!tpu.dma_semaphore, #tpu.memory_space<semaphore_mem>>, %arg25: memref<!tpu.dma_semaphore, #tpu.memory_space<semaphore_mem>>, %arg26: memref<!tpu.dma_semaphore, #tpu.memory_space<semaphore_mem>>) attributes {dimension_semantics = [#tpu.dimension_semantics<core_parallel>, #tpu.dimension_semantics<subcore_parallel>], iteration_bounds = array<i64: 2, 16>, scalar_prefetch = 0 : i64, scratch_operands = 22 : i64, tpu.core_type = #tpu.core_type<sc_vector_subcore>, window_params = [{transform_indices = #map}, {transform_indices = #map}, {transform_indices = #map}]} {
    %mul3A = arith.constant 2 : i32
    %mul3A_0 = arith.muli %arg1, %mul3A : i32
    %add3A = arith.addi %mul3A_0, %arg0 : i32
    %mul3A_1 = arith.constant 16 : i32
    %mul3A_2 = arith.muli %add3A, %mul3A_1 : i32
    "tpu.region"() ({
      %run_scoped3A = tpu.sem_alloc : memref<!tpu.dma_semaphore, #tpu.memory_space<semaphore_mem>>
      %dma_start3A_2177 = arith.constant 0 : i32
      %dma_start3A_2178 = arith.constant 0 : i32
      %dma_start3A_2179 = tpu.memref_slice %arg5[%dma_start3A_2177, %dma_start3A_2178] : memref<16x128xi32, #tpu.memory_space<vmem>> -> memref<8x128xi32, #tpu.memory_space<vmem>>
      %dma_start3A_2180 = arith.constant 0 : i32
      %dma_start3A_2181 = tpu.memref_slice %arg3[%mul3A_2, %dma_start3A_2180] : memref<512x128xi32, #tpu.memory_space<hbm>> -> memref<8x128xi32, #tpu.memory_space<hbm>>
      %dma_start3A_2182 = arith.constant 0 : i32
      %dma_start3A_2183 = arith.constant 0 : i32
      %dma_start3A_2184 = tpu.memref_slice %arg5[%dma_start3A_2182, %dma_start3A_2183] : memref<16x128xi32, #tpu.memory_space<vmem>> -> memref<8x128xi32, #tpu.memory_space<vmem>>
      %dma_start3A_2185 = arith.constant 0 : i32
      %dma_start3A_2186 = tpu.memref_slice %arg3[%mul3A_2, %dma_start3A_2185] : memref<512x128xi32, #tpu.memory_space<hbm>> -> memref<8x128xi32, #tpu.memory_space<hbm>>
      tpu.enqueue_dma source(%dma_start3A_2186 : memref<8x128xi32, #tpu.memory_space<hbm>>) target(%dma_start3A_2184 : memref<8x128xi32, #tpu.memory_space<vmem>>) target_semaphore(%run_scoped3A : memref<!tpu.dma_semaphore, #tpu.memory_space<semaphore_mem>>)
      %dma_wait3A_2187 = arith.constant 0 : i32
      %dma_wait3A_2188 = arith.constant 0 : i32
      %dma_wait3A_2189 = tpu.memref_slice %arg5[%dma_wait3A_2187, %dma_wait3A_2188] : memref<16x128xi32, #tpu.memory_space<vmem>> -> memref<8x128xi32, #tpu.memory_space<vmem>>
      %dma_wait3A_2190 = arith.constant 0 : i32
      %dma_wait3A_2191 = tpu.memref_slice %arg3[%mul3A_2, %dma_wait3A_2190] : memref<512x128xi32, #tpu.memory_space<hbm>> -> memref<8x128xi32, #tpu.memory_space<hbm>>
      %dma_wait3A_2192 = arith.constant 0 : i32
      %dma_wait3A_2193 = arith.constant 0 : i32
      %dma_wait3A_2194 = tpu.memref_slice %arg5[%dma_wait3A_2192, %dma_wait3A_2193] : memref<16x128xi32, #tpu.memory_space<vmem>> -> memref<8x128xi32, #tpu.memory_space<vmem>>
      %dma_wait3A_2195 = arith.constant 0 : i32
      %dma_wait3A_2196 = tpu.memref_slice %arg3[%mul3A_2, %dma_wait3A_2195] : memref<512x128xi32, #tpu.memory_space<hbm>> -> memref<8x128xi32, #tpu.memory_space<hbm>>
      tpu.wait_dma2 semaphore(%run_scoped3A : memref<!tpu.dma_semaphore, #tpu.memory_space<semaphore_mem>>) src(%dma_wait3A_2196 : memref<8x128xi32, #tpu.memory_space<hbm>>) dst(%dma_wait3A_2194 : memref<8x128xi32, #tpu.memory_space<vmem>>)
      tpu.yield
    }) : () -> ()
    %mul3A_3 = arith.constant 4 : i32
    %mul3A_4 = arith.muli %add3A, %mul3A_3 : i32
    %add3A_5 = arith.constant 0 : i32
    %add3A_6 = arith.addi %mul3A_4, %add3A_5 : i32
    %mul3A_7 = arith.constant 4096 : i32
    %mul3A_8 = arith.muli %add3A_6, %mul3A_7 : i32
    %get3A = arith.constant 0 : i32
    %get3A_9 = arith.index_cast %get3A : i32 to index
    %get3A_10 = arith.constant 0 : index
    %get3A_11 = tpu.vector_load %arg5[%get3A_9, %get3A_10] {strides = array<i32>} : memref<16x128xi32, #tpu.memory_space<vmem>>, vector<1x16xi32>,
    %get3A_12 = vector.shape_cast %get3A_11 : vector<1x16xi32> to vector<16xi32>
    %add3A_13 = vector.broadcast %mul3A_8 : i32 to vector<16xi32>
    %add3A_14 = arith.addi %get3A_12, %add3A_13 : vector<16xi32>
    %swap3A = arith.constant 0 : i32
    %swap3A_15 = arith.index_cast %swap3A : i32 to index
    %swap3A_16 = arith.constant 0 : index
    %swap3A_17 = tpu.vector_load %arg5[%swap3A_15, %swap3A_16] {strides = array<i32>} : memref<16x128xi32, #tpu.memory_space<vmem>>, vector<1x16xi32>,
    %swap3A_18 = vector.shape_cast %swap3A_17 : vector<1x16xi32> to vector<16xi32>
    %swap3A_19 = vector.shape_cast %add3A_14 : vector<16xi32> to vector<1x16xi32>
    tpu.vector_store %arg5[%swap3A_15, %swap3A_16], %swap3A_19 {strides = array<i32>} : memref<16x128xi32, #tpu.memory_space<vmem>>, vector<1x16xi32>,
    %get3A_20 = arith.constant 0 : i32
    %get3A_21 = arith.index_cast %get3A_20 : i32 to index
    %get3A_22 = arith.constant 16 : index
    %get3A_23 = tpu.vector_load %arg5[%get3A_21, %get3A_22] {strides = array<i32>} : memref<16x128xi32, #tpu.memory_space<vmem>>, vector<1x16xi32>,
    %get3A_24 = vector.shape_cast %get3A_23 : vector<1x16xi32> to vector<16xi32>
    %add3A_25 = vector.broadcast %mul3A_8 : i32 to vector<16xi32>
    %add3A_26 = arith.addi %get3A_24, %add3A_25 : vector<16xi32>
    %swap3A_27 = arith.constant 0 : i32
    %swap3A_28 = arith.index_cast %swap3A_27 : i32 to index
    %swap3A_29 = arith.constant 16 : index
    %swap3A_30 = tpu.vector_load %arg5[%swap3A_28, %swap3A_29] {strides = array<i32>} : memref<16x128xi32, #tpu.memory_space<vmem>>, vector<1x16xi32>,
    %swap3A_31 = vector.shape_cast %swap3A_30 : vector<1x16xi32> to vector<16xi32>
    %swap3A_32 = vector.shape_cast %add3A_26 : vector<16xi32> to vector<1x16xi32>
    tpu.vector_store %arg5[%swap3A_28, %swap3A_29], %swap3A_32 {strides = array<i32>} : memref<16x128xi32, #tpu.memory_space<vmem>>, vector<1x16xi32>,
    %get3A_33 = arith.constant 0 : i32
    %get3A_34 = arith.index_cast %get3A_33 : i32 to index
    %get3A_35 = arith.constant 32 : index
    %get3A_36 = tpu.vector_load %arg5[%get3A_34, %get3A_35] {strides = array<i32>} : memref<16x128xi32, #tpu.memory_space<vmem>>, vector<1x16xi32>,
    %get3A_37 = vector.shape_cast %get3A_36 : vector<1x16xi32> to vector<16xi32>
    %add3A_38 = vector.broadcast %mul3A_8 : i32 to vector<16xi32>
    %add3A_39 = arith.addi %get3A_37, %add3A_38 : vector<16xi32>
    %swap3A_40 = arith.constant 0 : i32
    %swap3A_41 = arith.index_cast %swap3A_40 : i32 to index
    %swap3A_42 = arith.constant 32 : index
    %swap3A_43 = tpu.vector_load %arg5[%swap3A_41, %swap3A_42] {strides = array<i32>} : memref<16x128xi32, #tpu.memory_space<vmem>>, vector<1x16xi32>,
    %swap3A_44 = vector.shape_cast %swap3A_43 : vector<1x16xi32> to vector<16xi32>
    %swap3A_45 = vector.shape_cast %add3A_39 : vector<16xi32> to vector<1x16xi32>
    tpu.vector_store %arg5[%swap3A_41, %swap3A_42], %swap3A_45 {strides = array<i32>} : memref<16x128xi32, #tpu.memory_space<vmem>>, vector<1x16xi32>,
    %get3A_46 = arith.constant 0 : i32
    %get3A_47 = arith.index_cast %get3A_46 : i32 to index
    %get3A_48 = arith.constant 48 : index
    %get3A_49 = tpu.vector_load %arg5[%get3A_47, %get3A_48] {strides = array<i32>} : memref<16x128xi32, #tpu.memory_space<vmem>>, vector<1x16xi32>,
    %get3A_50 = vector.shape_cast %get3A_49 : vector<1x16xi32> to vector<16xi32>
    %add3A_51 = vector.broadcast %mul3A_8 : i32 to vector<16xi32>
    %add3A_52 = arith.addi %get3A_50, %add3A_51 : vector<16xi32>
    %swap3A_53 = arith.constant 0 : i32
    %swap3A_54 = arith.index_cast %swap3A_53 : i32 to index
    %swap3A_55 = arith.constant 48 : index
    %swap3A_56 = tpu.vector_load %arg5[%swap3A_54, %swap3A_55] {strides = array<i32>} : memref<16x128xi32, #tpu.memory_space<vmem>>, vector<1x16xi32>,
    %swap3A_57 = vector.shape_cast %swap3A_56 : vector<1x16xi32> to vector<16xi32>
    %swap3A_58 = vector.shape_cast %add3A_52 : vector<16xi32> to vector<1x16xi32>
    tpu.vector_store %arg5[%swap3A_54, %swap3A_55], %swap3A_58 {strides = array<i32>} : memref<16x128xi32, #tpu.memory_space<vmem>>, vector<1x16xi32>,
    %get3A_59 = arith.constant 0 : i32
    %get3A_60 = arith.index_cast %get3A_59 : i32 to index
    %get3A_61 = arith.constant 64 : index
    %get3A_62 = tpu.vector_load %arg5[%get3A_60, %get3A_61] {strides = array<i32>} : memref<16x128xi32, #tpu.memory_space<vmem>>, vector<1x16xi32>,
    %get3A_63 = vector.shape_cast %get3A_62 : vector<1x16xi32> to vector<16xi32>
    %add3A_64 = vector.broadcast %mul3A_8 : i32 to vector<16xi32>
    %add3A_65 = arith.addi %get3A_63, %add3A_64 : vector<16xi32>
    %swap3A_66 = arith.constant 0 : i32
    %swap3A_67 = arith.index_cast %swap3A_66 : i32 to index
    %swap3A_68 = arith.constant 64 : index
    %swap3A_69 = tpu.vector_load %arg5[%swap3A_67, %swap3A_68] {strides = array<i32>} : memref<16x128xi32, #tpu.memory_space<vmem>>, vector<1x16xi32>,
    %swap3A_70 = vector.shape_cast %swap3A_69 : vector<1x16xi32> to vector<16xi32>
    %swap3A_71 = vector.shape_cast %add3A_65 : vector<16xi32> to vector<1x16xi32>
    tpu.vector_store %arg5[%swap3A_67, %swap3A_68], %swap3A_71 {strides = array<i32>} : memref<16x128xi32, #tpu.memory_space<vmem>>, vector<1x16xi32>,
    %get3A_72 = arith.constant 0 : i32
    %get3A_73 = arith.index_cast %get3A_72 : i32 to index
    %get3A_74 = arith.constant 80 : index
    %get3A_75 = tpu.vector_load %arg5[%get3A_73, %get3A_74] {strides = array<i32>} : memref<16x128xi32, #tpu.memory_space<vmem>>, vector<1x16xi32>,
    %get3A_76 = vector.shape_cast %get3A_75 : vector<1x16xi32> to vector<16xi32>
    %add3A_77 = vector.broadcast %mul3A_8 : i32 to vector<16xi32>
    %add3A_78 = arith.addi %get3A_76, %add3A_77 : vector<16xi32>
    %swap3A_79 = arith.constant 0 : i32
    %swap3A_80 = arith.index_cast %swap3A_79 : i32 to index
    %swap3A_81 = arith.constant 80 : index
    %swap3A_82 = tpu.vector_load %arg5[%swap3A_80, %swap3A_81] {strides = array<i32>} : memref<16x128xi32, #tpu.memory_space<vmem>>, vector<1x16xi32>,
    %swap3A_83 = vector.shape_cast %swap3A_82 : vector<1x16xi32> to vector<16xi32>
    %swap3A_84 = vector.shape_cast %add3A_78 : vector<16xi32> to vector<1x16xi32>
    tpu.vector_store %arg5[%swap3A_80, %swap3A_81], %swap3A_84 {strides = array<i32>} : memref<16x128xi32, #tpu.memory_space<vmem>>, vector<1x16xi32>,
    %get3A_85 = arith.constant 0 : i32
    %get3A_86 = arith.index_cast %get3A_85 : i32 to index
    %get3A_87 = arith.constant 96 : index
    %get3A_88 = tpu.vector_load %arg5[%get3A_86, %get3A_87] {strides = array<i32>} : memref<16x128xi32, #tpu.memory_space<vmem>>, vector<1x16xi32>,
    %get3A_89 = vector.shape_cast %get3A_88 : vector<1x16xi32> to vector<16xi32>
    %add3A_90 = vector.broadcast %mul3A_8 : i32 to vector<16xi32>
    %add3A_91 = arith.addi %get3A_89, %add3A_90 : vector<16xi32>
    %swap3A_92 = arith.constant 0 : i32
    %swap3A_93 = arith.index_cast %swap3A_92 : i32 to index
    %swap3A_94 = arith.constant 96 : index
    %swap3A_95 = tpu.vector_load %arg5[%swap3A_93, %swap3A_94] {strides = array<i32>} : memref<16x128xi32, #tpu.memory_space<vmem>>, vector<1x16xi32>,
    %swap3A_96 = vector.shape_cast %swap3A_95 : vector<1x16xi32> to vector<16xi32>
    %swap3A_97 = vector.shape_cast %add3A_91 : vector<16xi32> to vector<1x16xi32>
    tpu.vector_store %arg5[%swap3A_93, %swap3A_94], %swap3A_97 {strides = array<i32>} : memref<16x128xi32, #tpu.memory_space<vmem>>, vector<1x16xi32>,
    %get3A_98 = arith.constant 0 : i32
    %get3A_99 = arith.index_cast %get3A_98 : i32 to index
    %get3A_100 = arith.constant 112 : index
    %get3A_101 = tpu.vector_load %arg5[%get3A_99, %get3A_100] {strides = array<i32>} : memref<16x128xi32, #tpu.memory_space<vmem>>, vector<1x16xi32>,
    %get3A_102 = vector.shape_cast %get3A_101 : vector<1x16xi32> to vector<16xi32>
    %add3A_103 = vector.broadcast %mul3A_8 : i32 to vector<16xi32>
    %add3A_104 = arith.addi %get3A_102, %add3A_103 : vector<16xi32>
    %swap3A_105 = arith.constant 0 : i32
    %swap3A_106 = arith.index_cast %swap3A_105 : i32 to index
    %swap3A_107 = arith.constant 112 : index
    %swap3A_108 = tpu.vector_load %arg5[%swap3A_106, %swap3A_107] {strides = array<i32>} : memref<16x128xi32, #tpu.memory_space<vmem>>, vector<1x16xi32>,
    %swap3A_109 = vector.shape_cast %swap3A_108 : vector<1x16xi32> to vector<16xi32>
    %swap3A_110 = vector.shape_cast %add3A_104 : vector<16xi32> to vector<1x16xi32>
    tpu.vector_store %arg5[%swap3A_106, %swap3A_107], %swap3A_110 {strides = array<i32>} : memref<16x128xi32, #tpu.memory_space<vmem>>, vector<1x16xi32>,
    %dma_start3A = arith.constant 0 : i32
    %dma_start3A_111 = arith.constant 0 : i32
    %dma_start3A_112 = tpu.memref_slice %arg5[%dma_start3A, %dma_start3A_111] : memref<16x128xi32, #tpu.memory_space<vmem>> -> memref<1x128xi32, #tpu.memory_space<vmem>>
    %dma_start3A_113 = tpu.memref_squeeze %dma_start3A_112 : memref<1x128xi32, #tpu.memory_space<vmem>> -> memref<128xi32, #tpu.memory_space<vmem>>
    %dma_start3A_114 = arith.constant 0 : i32
    %dma_start3A_115 = arith.constant 0 : i32
    %dma_start3A_116 = tpu.memref_slice %arg2[%dma_start3A_114, %dma_start3A_115] : memref<524288x128xf32, #tpu.memory_space<hbm>> -> memref<524288x128xf32, #tpu.memory_space<hbm>>
    tpu.enqueue_indirect_dma source(%dma_start3A_116 : memref<524288x128xf32, #tpu.memory_space<hbm>>) target(%arg6 : memref<128x128xf32, #tpu.memory_space<vmem>>) offsets(%dma_start3A_113 : memref<128xi32, #tpu.memory_space<vmem>>) semaphore(%arg13 : memref<!tpu.dma_semaphore, #tpu.memory_space<semaphore_mem>>)
    %mul3A_117 = arith.constant 4 : i32
    %mul3A_118 = arith.muli %add3A, %mul3A_117 : i32
    %add3A_119 = arith.constant 0 : i32
    %add3A_120 = arith.addi %mul3A_118, %add3A_119 : i32
    %mul3A_121 = arith.constant 4096 : i32
    %mul3A_122 = arith.muli %add3A_120, %mul3A_121 : i32
    %get3A_123 = arith.constant 1 : i32
    %get3A_124 = arith.index_cast %get3A_123 : i32 to index
    %get3A_125 = arith.constant 0 : index
    %get3A_126 = tpu.vector_load %arg5[%get3A_124, %get3A_125] {strides = array<i32>} : memref<16x128xi32, #tpu.memory_space<vmem>>, vector<1x16xi32>,
    %get3A_127 = vector.shape_cast %get3A_126 : vector<1x16xi32> to vector<16xi32>
    %add3A_128 = vector.broadcast %mul3A_122 : i32 to vector<16xi32>
    %add3A_129 = arith.addi %get3A_127, %add3A_128 : vector<16xi32>
    %swap3A_130 = arith.constant 1 : i32
    %swap3A_131 = arith.index_cast %swap3A_130 : i32 to index
    %swap3A_132 = arith.constant 0 : index
    %swap3A_133 = tpu.vector_load %arg5[%swap3A_131, %swap3A_132] {strides = array<i32>} : memref<16x128xi32, #tpu.memory_space<vmem>>, vector<1x16xi32>,
    %swap3A_134 = vector.shape_cast %swap3A_133 : vector<1x16xi32> to vector<16xi32>
    %swap3A_135 = vector.shape_cast %add3A_129 : vector<16xi32> to vector<1x16xi32>
    tpu.vector_store %arg5[%swap3A_131, %swap3A_132], %swap3A_135 {strides = array<i32>} : memref<16x128xi32, #tpu.memory_space<vmem>>, vector<1x16xi32>,
    %get3A_136 = arith.constant 1 : i32
    %get3A_137 = arith.index_cast %get3A_136 : i32 to index
    %get3A_138 = arith.constant 16 : index
    %get3A_139 = tpu.vector_load %arg5[%get3A_137, %get3A_138] {strides = array<i32>} : memref<16x128xi32, #tpu.memory_space<vmem>>, vector<1x16xi32>,
    %get3A_140 = vector.shape_cast %get3A_139 : vector<1x16xi32> to vector<16xi32>
    %add3A_141 = vector.broadcast %mul3A_122 : i32 to vector<16xi32>
    %add3A_142 = arith.addi %get3A_140, %add3A_141 : vector<16xi32>
    %swap3A_143 = arith.constant 1 : i32
    %swap3A_144 = arith.index_cast %swap3A_143 : i32 to index
    %swap3A_145 = arith.constant 16 : index
    %swap3A_146 = tpu.vector_load %arg5[%swap3A_144, %swap3A_145] {strides = array<i32>} : memref<16x128xi32, #tpu.memory_space<vmem>>, vector<1x16xi32>,
    %swap3A_147 = vector.shape_cast %swap3A_146 : vector<1x16xi32> to vector<16xi32>
    %swap3A_148 = vector.shape_cast %add3A_142 : vector<16xi32> to vector<1x16xi32>
    tpu.vector_store %arg5[%swap3A_144, %swap3A_145], %swap3A_148 {strides = array<i32>} : memref<16x128xi32, #tpu.memory_space<vmem>>, vector<1x16xi32>,
    %get3A_149 = arith.constant 1 : i32
    %get3A_150 = arith.index_cast %get3A_149 : i32 to index
    %get3A_151 = arith.constant 32 : index
    %get3A_152 = tpu.vector_load %arg5[%get3A_150, %get3A_151] {strides = array<i32>} : memref<16x128xi32, #tpu.memory_space<vmem>>, vector<1x16xi32>,
    %get3A_153 = vector.shape_cast %get3A_152 : vector<1x16xi32> to vector<16xi32>
    %add3A_154 = vector.broadcast %mul3A_122 : i32 to vector<16xi32>
    %add3A_155 = arith.addi %get3A_153, %add3A_154 : vector<16xi32>
    %swap3A_156 = arith.constant 1 : i32
    %swap3A_157 = arith.index_cast %swap3A_156 : i32 to index
    %swap3A_158 = arith.constant 32 : index
    %swap3A_159 = tpu.vector_load %arg5[%swap3A_157, %swap3A_158] {strides = array<i32>} : memref<16x128xi32, #tpu.memory_space<vmem>>, vector<1x16xi32>,
    %swap3A_160 = vector.shape_cast %swap3A_159 : vector<1x16xi32> to vector<16xi32>
    %swap3A_161 = vector.shape_cast %add3A_155 : vector<16xi32> to vector<1x16xi32>
    tpu.vector_store %arg5[%swap3A_157, %swap3A_158], %swap3A_161 {strides = array<i32>} : memref<16x128xi32, #tpu.memory_space<vmem>>, vector<1x16xi32>,
    %get3A_162 = arith.constant 1 : i32
    %get3A_163 = arith.index_cast %get3A_162 : i32 to index
    %get3A_164 = arith.constant 48 : index
    %get3A_165 = tpu.vector_load %arg5[%get3A_163, %get3A_164] {strides = array<i32>} : memref<16x128xi32, #tpu.memory_space<vmem>>, vector<1x16xi32>,
    %get3A_166 = vector.shape_cast %get3A_165 : vector<1x16xi32> to vector<16xi32>
    %add3A_167 = vector.broadcast %mul3A_122 : i32 to vector<16xi32>
    %add3A_168 = arith.addi %get3A_166, %add3A_167 : vector<16xi32>
    %swap3A_169 = arith.constant 1 : i32
    %swap3A_170 = arith.index_cast %swap3A_169 : i32 to index
    %swap3A_171 = arith.constant 48 : index
    %swap3A_172 = tpu.vector_load %arg5[%swap3A_170, %swap3A_171] {strides = array<i32>} : memref<16x128xi32, #tpu.memory_space<vmem>>, vector<1x16xi32>,
    %swap3A_173 = vector.shape_cast %swap3A_172 : vector<1x16xi32> to vector<16xi32>
    %swap3A_174 = vector.shape_cast %add3A_168 : vector<16xi32> to vector<1x16xi32>
    tpu.vector_store %arg5[%swap3A_170, %swap3A_171], %swap3A_174 {strides = array<i32>} : memref<16x128xi32, #tpu.memory_space<vmem>>, vector<1x16xi32>,
    %get3A_175 = arith.constant 1 : i32
    %get3A_176 = arith.index_cast %get3A_175 : i32 to index
    %get3A_177 = arith.constant 64 : index
    %get3A_178 = tpu.vector_load %arg5[%get3A_176, %get3A_177] {strides = array<i32>} : memref<16x128xi32, #tpu.memory_space<vmem>>, vector<1x16xi32>,
    %get3A_179 = vector.shape_cast %get3A_178 : vector<1x16xi32> to vector<16xi32>
    %add3A_180 = vector.broadcast %mul3A_122 : i32 to vector<16xi32>
    %add3A_181 = arith.addi %get3A_179, %add3A_180 : vector<16xi32>
    %swap3A_182 = arith.constant 1 : i32
    %swap3A_183 = arith.index_cast %swap3A_182 : i32 to index
    %swap3A_184 = arith.constant 64 : index
    %swap3A_185 = tpu.vector_load %arg5[%swap3A_183, %swap3A_184] {strides = array<i32>} : memref<16x128xi32, #tpu.memory_space<vmem>>, vector<1x16xi32>,
    %swap3A_186 = vector.shape_cast %swap3A_185 : vector<1x16xi32> to vector<16xi32>
    %swap3A_187 = vector.shape_cast %add3A_181 : vector<16xi32> to vector<1x16xi32>
    tpu.vector_store %arg5[%swap3A_183, %swap3A_184], %swap3A_187 {strides = array<i32>} : memref<16x128xi32, #tpu.memory_space<vmem>>, vector<1x16xi32>,
    %get3A_188 = arith.constant 1 : i32
    %get3A_189 = arith.index_cast %get3A_188 : i32 to index
    %get3A_190 = arith.constant 80 : index
    %get3A_191 = tpu.vector_load %arg5[%get3A_189, %get3A_190] {strides = array<i32>} : memref<16x128xi32, #tpu.memory_space<vmem>>, vector<1x16xi32>,
    %get3A_192 = vector.shape_cast %get3A_191 : vector<1x16xi32> to vector<16xi32>
    %add3A_193 = vector.broadcast %mul3A_122 : i32 to vector<16xi32>
    %add3A_194 = arith.addi %get3A_192, %add3A_193 : vector<16xi32>
    %swap3A_195 = arith.constant 1 : i32
    %swap3A_196 = arith.index_cast %swap3A_195 : i32 to index
    %swap3A_197 = arith.constant 80 : index
    %swap3A_198 = tpu.vector_load %arg5[%swap3A_196, %swap3A_197] {strides = array<i32>} : memref<16x128xi32, #tpu.memory_space<vmem>>, vector<1x16xi32>,
    %swap3A_199 = vector.shape_cast %swap3A_198 : vector<1x16xi32> to vector<16xi32>
    %swap3A_200 = vector.shape_cast %add3A_194 : vector<16xi32> to vector<1x16xi32>
    tpu.vector_store %arg5[%swap3A_196, %swap3A_197], %swap3A_200 {strides = array<i32>} : memref<16x128xi32, #tpu.memory_space<vmem>>, vector<1x16xi32>,
    %get3A_201 = arith.constant 1 : i32
    %get3A_202 = arith.index_cast %get3A_201 : i32 to index
    %get3A_203 = arith.constant 96 : index
    %get3A_204 = tpu.vector_load %arg5[%get3A_202, %get3A_203] {strides = array<i32>} : memref<16x128xi32, #tpu.memory_space<vmem>>, vector<1x16xi32>,
    %get3A_205 = vector.shape_cast %get3A_204 : vector<1x16xi32> to vector<16xi32>
    %add3A_206 = vector.broadcast %mul3A_122 : i32 to vector<16xi32>
    %add3A_207 = arith.addi %get3A_205, %add3A_206 : vector<16xi32>
    %swap3A_208 = arith.constant 1 : i32
    %swap3A_209 = arith.index_cast %swap3A_208 : i32 to index
    %swap3A_210 = arith.constant 96 : index
    %swap3A_211 = tpu.vector_load %arg5[%swap3A_209, %swap3A_210] {strides = array<i32>} : memref<16x128xi32, #tpu.memory_space<vmem>>, vector<1x16xi32>,
    %swap3A_212 = vector.shape_cast %swap3A_211 : vector<1x16xi32> to vector<16xi32>
    %swap3A_213 = vector.shape_cast %add3A_207 : vector<16xi32> to vector<1x16xi32>
    tpu.vector_store %arg5[%swap3A_209, %swap3A_210], %swap3A_213 {strides = array<i32>} : memref<16x128xi32, #tpu.memory_space<vmem>>, vector<1x16xi32>,
    %get3A_214 = arith.constant 1 : i32
    %get3A_215 = arith.index_cast %get3A_214 : i32 to index
    %get3A_216 = arith.constant 112 : index
    %get3A_217 = tpu.vector_load %arg5[%get3A_215, %get3A_216] {strides = array<i32>} : memref<16x128xi32, #tpu.memory_space<vmem>>, vector<1x16xi32>,
    %get3A_218 = vector.shape_cast %get3A_217 : vector<1x16xi32> to vector<16xi32>
    %add3A_219 = vector.broadcast %mul3A_122 : i32 to vector<16xi32>
    %add3A_220 = arith.addi %get3A_218, %add3A_219 : vector<16xi32>
    %swap3A_221 = arith.constant 1 : i32
    %swap3A_222 = arith.index_cast %swap3A_221 : i32 to index
    %swap3A_223 = arith.constant 112 : index
    %swap3A_224 = tpu.vector_load %arg5[%swap3A_222, %swap3A_223] {strides = array<i32>} : memref<16x128xi32, #tpu.memory_space<vmem>>, vector<1x16xi32>,
    %swap3A_225 = vector.shape_cast %swap3A_224 : vector<1x16xi32> to vector<16xi32>
    %swap3A_226 = vector.shape_cast %add3A_220 : vector<16xi32> to vector<1x16xi32>
    tpu.vector_store %arg5[%swap3A_222, %swap3A_223], %swap3A_226 {strides = array<i32>} : memref<16x128xi32, #tpu.memory_space<vmem>>, vector<1x16xi32>,
    %dma_start3A_227 = arith.constant 1 : i32
    %dma_start3A_228 = arith.constant 0 : i32
    %dma_start3A_229 = tpu.memref_slice %arg5[%dma_start3A_227, %dma_start3A_228] : memref<16x128xi32, #tpu.memory_space<vmem>> -> memref<1x128xi32, #tpu.memory_space<vmem>>
    %dma_start3A_230 = tpu.memref_squeeze %dma_start3A_229 : memref<1x128xi32, #tpu.memory_space<vmem>> -> memref<128xi32, #tpu.memory_space<vmem>>
    %dma_start3A_231 = arith.constant 0 : i32
    %dma_start3A_232 = arith.constant 0 : i32
    %dma_start3A_233 = tpu.memref_slice %arg2[%dma_start3A_231, %dma_start3A_232] : memref<524288x128xf32, #tpu.memory_space<hbm>> -> memref<524288x128xf32, #tpu.memory_space<hbm>>
    tpu.enqueue_indirect_dma source(%dma_start3A_233 : memref<524288x128xf32, #tpu.memory_space<hbm>>) target(%arg7 : memref<128x128xf32, #tpu.memory_space<vmem>>) offsets(%dma_start3A_230 : memref<128xi32, #tpu.memory_space<vmem>>) semaphore(%arg14 : memref<!tpu.dma_semaphore, #tpu.memory_space<semaphore_mem>>)
    %mul3A_234 = arith.constant 4 : i32
    %mul3A_235 = arith.muli %add3A, %mul3A_234 : i32
    %add3A_236 = arith.constant 0 : i32
    %add3A_237 = arith.addi %mul3A_235, %add3A_236 : i32
    %mul3A_238 = arith.constant 4096 : i32
    %mul3A_239 = arith.muli %add3A_237, %mul3A_238 : i32
    %get3A_240 = arith.constant 2 : i32
    %get3A_241 = arith.index_cast %get3A_240 : i32 to index
    %get3A_242 = arith.constant 0 : index
    %get3A_243 = tpu.vector_load %arg5[%get3A_241, %get3A_242] {strides = array<i32>} : memref<16x128xi32, #tpu.memory_space<vmem>>, vector<1x16xi32>,
    %get3A_244 = vector.shape_cast %get3A_243 : vector<1x16xi32> to vector<16xi32>
    %add3A_245 = vector.broadcast %mul3A_239 : i32 to vector<16xi32>
    %add3A_246 = arith.addi %get3A_244, %add3A_245 : vector<16xi32>
    %swap3A_247 = arith.constant 2 : i32
    %swap3A_248 = arith.index_cast %swap3A_247 : i32 to index
    %swap3A_249 = arith.constant 0 : index
    %swap3A_250 = tpu.vector_load %arg5[%swap3A_248, %swap3A_249] {strides = array<i32>} : memref<16x128xi32, #tpu.memory_space<vmem>>, vector<1x16xi32>,
    %swap3A_251 = vector.shape_cast %swap3A_250 : vector<1x16xi32> to vector<16xi32>
    %swap3A_252 = vector.shape_cast %add3A_246 : vector<16xi32> to vector<1x16xi32>
    tpu.vector_store %arg5[%swap3A_248, %swap3A_249], %swap3A_252 {strides = array<i32>} : memref<16x128xi32, #tpu.memory_space<vmem>>, vector<1x16xi32>,
    %get3A_253 = arith.constant 2 : i32
    %get3A_254 = arith.index_cast %get3A_253 : i32 to index
    %get3A_255 = arith.constant 16 : index
    %get3A_256 = tpu.vector_load %arg5[%get3A_254, %get3A_255] {strides = array<i32>} : memref<16x128xi32, #tpu.memory_space<vmem>>, vector<1x16xi32>,
    %get3A_257 = vector.shape_cast %get3A_256 : vector<1x16xi32> to vector<16xi32>
    %add3A_258 = vector.broadcast %mul3A_239 : i32 to vector<16xi32>
    %add3A_259 = arith.addi %get3A_257, %add3A_258 : vector<16xi32>
    %swap3A_260 = arith.constant 2 : i32
    %swap3A_261 = arith.index_cast %swap3A_260 : i32 to index
    %swap3A_262 = arith.constant 16 : index
    %swap3A_263 = tpu.vector_load %arg5[%swap3A_261, %swap3A_262] {strides = array<i32>} : memref<16x128xi32, #tpu.memory_space<vmem>>, vector<1x16xi32>,
    %swap3A_264 = vector.shape_cast %swap3A_263 : vector<1x16xi32> to vector<16xi32>
    %swap3A_265 = vector.shape_cast %add3A_259 : vector<16xi32> to vector<1x16xi32>
    tpu.vector_store %arg5[%swap3A_261, %swap3A_262], %swap3A_265 {strides = array<i32>} : memref<16x128xi32, #tpu.memory_space<vmem>>, vector<1x16xi32>,
    %get3A_266 = arith.constant 2 : i32
    %get3A_267 = arith.index_cast %get3A_266 : i32 to index
    %get3A_268 = arith.constant 32 : index
    %get3A_269 = tpu.vector_load %arg5[%get3A_267, %get3A_268] {strides = array<i32>} : memref<16x128xi32, #tpu.memory_space<vmem>>, vector<1x16xi32>,
    %get3A_270 = vector.shape_cast %get3A_269 : vector<1x16xi32> to vector<16xi32>
    %add3A_271 = vector.broadcast %mul3A_239 : i32 to vector<16xi32>
    %add3A_272 = arith.addi %get3A_270, %add3A_271 : vector<16xi32>
    %swap3A_273 = arith.constant 2 : i32
    %swap3A_274 = arith.index_cast %swap3A_273 : i32 to index
    %swap3A_275 = arith.constant 32 : index
    %swap3A_276 = tpu.vector_load %arg5[%swap3A_274, %swap3A_275] {strides = array<i32>} : memref<16x128xi32, #tpu.memory_space<vmem>>, vector<1x16xi32>,
    %swap3A_277 = vector.shape_cast %swap3A_276 : vector<1x16xi32> to vector<16xi32>
    %swap3A_278 = vector.shape_cast %add3A_272 : vector<16xi32> to vector<1x16xi32>
    tpu.vector_store %arg5[%swap3A_274, %swap3A_275], %swap3A_278 {strides = array<i32>} : memref<16x128xi32, #tpu.memory_space<vmem>>, vector<1x16xi32>,
    %get3A_279 = arith.constant 2 : i32
    %get3A_280 = arith.index_cast %get3A_279 : i32 to index
    %get3A_281 = arith.constant 48 : index
    %get3A_282 = tpu.vector_load %arg5[%get3A_280, %get3A_281] {strides = array<i32>} : memref<16x128xi32, #tpu.memory_space<vmem>>, vector<1x16xi32>,
    %get3A_283 = vector.shape_cast %get3A_282 : vector<1x16xi32> to vector<16xi32>
    %add3A_284 = vector.broadcast %mul3A_239 : i32 to vector<16xi32>
    %add3A_285 = arith.addi %get3A_283, %add3A_284 : vector<16xi32>
    %swap3A_286 = arith.constant 2 : i32
    %swap3A_287 = arith.index_cast %swap3A_286 : i32 to index
    %swap3A_288 = arith.constant 48 : index
    %swap3A_289 = tpu.vector_load %arg5[%swap3A_287, %swap3A_288] {strides = array<i32>} : memref<16x128xi32, #tpu.memory_space<vmem>>, vector<1x16xi32>,
    %swap3A_290 = vector.shape_cast %swap3A_289 : vector<1x16xi32> to vector<16xi32>
    %swap3A_291 = vector.shape_cast %add3A_285 : vector<16xi32> to vector<1x16xi32>
    tpu.vector_store %arg5[%swap3A_287, %swap3A_288], %swap3A_291 {strides = array<i32>} : memref<16x128xi32, #tpu.memory_space<vmem>>, vector<1x16xi32>,
    %get3A_292 = arith.constant 2 : i32
    %get3A_293 = arith.index_cast %get3A_292 : i32 to index
    %get3A_294 = arith.constant 64 : index
    %get3A_295 = tpu.vector_load %arg5[%get3A_293, %get3A_294] {strides = array<i32>} : memref<16x128xi32, #tpu.memory_space<vmem>>, vector<1x16xi32>,
    %get3A_296 = vector.shape_cast %get3A_295 : vector<1x16xi32> to vector<16xi32>
    %add3A_297 = vector.broadcast %mul3A_239 : i32 to vector<16xi32>
    %add3A_298 = arith.addi %get3A_296, %add3A_297 : vector<16xi32>
    %swap3A_299 = arith.constant 2 : i32
    %swap3A_300 = arith.index_cast %swap3A_299 : i32 to index
    %swap3A_301 = arith.constant 64 : index
    %swap3A_302 = tpu.vector_load %arg5[%swap3A_300, %swap3A_301] {strides = array<i32>} : memref<16x128xi32, #tpu.memory_space<vmem>>, vector<1x16xi32>,
    %swap3A_303 = vector.shape_cast %swap3A_302 : vector<1x16xi32> to vector<16xi32>
    %swap3A_304 = vector.shape_cast %add3A_298 : vector<16xi32> to vector<1x16xi32>
    tpu.vector_store %arg5[%swap3A_300, %swap3A_301], %swap3A_304 {strides = array<i32>} : memref<16x128xi32, #tpu.memory_space<vmem>>, vector<1x16xi32>,
    %get3A_305 = arith.constant 2 : i32
    %get3A_306 = arith.index_cast %get3A_305 : i32 to index
    %get3A_307 = arith.constant 80 : index
    %get3A_308 = tpu.vector_load %arg5[%get3A_306, %get3A_307] {strides = array<i32>} : memref<16x128xi32, #tpu.memory_space<vmem>>, vector<1x16xi32>,
    %get3A_309 = vector.shape_cast %get3A_308 : vector<1x16xi32> to vector<16xi32>
    %add3A_310 = vector.broadcast %mul3A_239 : i32 to vector<16xi32>
    %add3A_311 = arith.addi %get3A_309, %add3A_310 : vector<16xi32>
    %swap3A_312 = arith.constant 2 : i32
    %swap3A_313 = arith.index_cast %swap3A_312 : i32 to index
    %swap3A_314 = arith.constant 80 : index
    %swap3A_315 = tpu.vector_load %arg5[%swap3A_313, %swap3A_314] {strides = array<i32>} : memref<16x128xi32, #tpu.memory_space<vmem>>, vector<1x16xi32>,
    %swap3A_316 = vector.shape_cast %swap3A_315 : vector<1x16xi32> to vector<16xi32>
    %swap3A_317 = vector.shape_cast %add3A_311 : vector<16xi32> to vector<1x16xi32>
    tpu.vector_store %arg5[%swap3A_313, %swap3A_314], %swap3A_317 {strides = array<i32>} : memref<16x128xi32, #tpu.memory_space<vmem>>, vector<1x16xi32>,
    %get3A_318 = arith.constant 2 : i32
    %get3A_319 = arith.index_cast %get3A_318 : i32 to index
    %get3A_320 = arith.constant 96 : index
    %get3A_321 = tpu.vector_load %arg5[%get3A_319, %get3A_320] {strides = array<i32>} : memref<16x128xi32, #tpu.memory_space<vmem>>, vector<1x16xi32>,
    %get3A_322 = vector.shape_cast %get3A_321 : vector<1x16xi32> to vector<16xi32>
    %add3A_323 = vector.broadcast %mul3A_239 : i32 to vector<16xi32>
    %add3A_324 = arith.addi %get3A_322, %add3A_323 : vector<16xi32>
    %swap3A_325 = arith.constant 2 : i32
    %swap3A_326 = arith.index_cast %swap3A_325 : i32 to index
    %swap3A_327 = arith.constant 96 : index
    %swap3A_328 = tpu.vector_load %arg5[%swap3A_326, %swap3A_327] {strides = array<i32>} : memref<16x128xi32, #tpu.memory_space<vmem>>, vector<1x16xi32>,
    %swap3A_329 = vector.shape_cast %swap3A_328 : vector<1x16xi32> to vector<16xi32>
    %swap3A_330 = vector.shape_cast %add3A_324 : vector<16xi32> to vector<1x16xi32>
    tpu.vector_store %arg5[%swap3A_326, %swap3A_327], %swap3A_330 {strides = array<i32>} : memref<16x128xi32, #tpu.memory_space<vmem>>, vector<1x16xi32>,
    %get3A_331 = arith.constant 2 : i32
    %get3A_332 = arith.index_cast %get3A_331 : i32 to index
    %get3A_333 = arith.constant 112 : index
    %get3A_334 = tpu.vector_load %arg5[%get3A_332, %get3A_333] {strides = array<i32>} : memref<16x128xi32, #tpu.memory_space<vmem>>, vector<1x16xi32>,
    %get3A_335 = vector.shape_cast %get3A_334 : vector<1x16xi32> to vector<16xi32>
    %add3A_336 = vector.broadcast %mul3A_239 : i32 to vector<16xi32>
    %add3A_337 = arith.addi %get3A_335, %add3A_336 : vector<16xi32>
    %swap3A_338 = arith.constant 2 : i32
    %swap3A_339 = arith.index_cast %swap3A_338 : i32 to index
    %swap3A_340 = arith.constant 112 : index
    %swap3A_341 = tpu.vector_load %arg5[%swap3A_339, %swap3A_340] {strides = array<i32>} : memref<16x128xi32, #tpu.memory_space<vmem>>, vector<1x16xi32>,
    %swap3A_342 = vector.shape_cast %swap3A_341 : vector<1x16xi32> to vector<16xi32>
    %swap3A_343 = vector.shape_cast %add3A_337 : vector<16xi32> to vector<1x16xi32>
    tpu.vector_store %arg5[%swap3A_339, %swap3A_340], %swap3A_343 {strides = array<i32>} : memref<16x128xi32, #tpu.memory_space<vmem>>, vector<1x16xi32>,
    %dma_start3A_344 = arith.constant 2 : i32
    %dma_start3A_345 = arith.constant 0 : i32
    %dma_start3A_346 = tpu.memref_slice %arg5[%dma_start3A_344, %dma_start3A_345] : memref<16x128xi32, #tpu.memory_space<vmem>> -> memref<1x128xi32, #tpu.memory_space<vmem>>
    %dma_start3A_347 = tpu.memref_squeeze %dma_start3A_346 : memref<1x128xi32, #tpu.memory_space<vmem>> -> memref<128xi32, #tpu.memory_space<vmem>>
    %dma_start3A_348 = arith.constant 0 : i32
    %dma_start3A_349 = arith.constant 0 : i32
    %dma_start3A_350 = tpu.memref_slice %arg2[%dma_start3A_348, %dma_start3A_349] : memref<524288x128xf32, #tpu.memory_space<hbm>> -> memref<524288x128xf32, #tpu.memory_space<hbm>>
    tpu.enqueue_indirect_dma source(%dma_start3A_350 : memref<524288x128xf32, #tpu.memory_space<hbm>>) target(%arg8 : memref<128x128xf32, #tpu.memory_space<vmem>>) offsets(%dma_start3A_347 : memref<128xi32, #tpu.memory_space<vmem>>) semaphore(%arg15 : memref<!tpu.dma_semaphore, #tpu.memory_space<semaphore_mem>>)
    %mul3A_351 = arith.constant 4 : i32
    %mul3A_352 = arith.muli %add3A, %mul3A_351 : i32
    %add3A_353 = arith.constant 0 : i32
    %add3A_354 = arith.addi %mul3A_352, %add3A_353 : i32
    %mul3A_355 = arith.constant 4096 : i32
    %mul3A_356 = arith.muli %add3A_354, %mul3A_355 : i32
    %get3A_357 = arith.constant 3 : i32
    %get3A_358 = arith.index_cast %get3A_357 : i32 to index
    %get3A_359 = arith.constant 0 : index
    %get3A_360 = tpu.vector_load %arg5[%get3A_358, %get3A_359] {strides = array<i32>} : memref<16x128xi32, #tpu.memory_space<vmem>>, vector<1x16xi32>,
    %get3A_361 = vector.shape_cast %get3A_360 : vector<1x16xi32> to vector<16xi32>
    %add3A_362 = vector.broadcast %mul3A_356 : i32 to vector<16xi32>
    %add3A_363 = arith.addi %get3A_361, %add3A_362 : vector<16xi32>
    %swap3A_364 = arith.constant 3 : i32
    %swap3A_365 = arith.index_cast %swap3A_364 : i32 to index
    %swap3A_366 = arith.constant 0 : index
    %swap3A_367 = tpu.vector_load %arg5[%swap3A_365, %swap3A_366] {strides = array<i32>} : memref<16x128xi32, #tpu.memory_space<vmem>>, vector<1x16xi32>,
    %swap3A_368 = vector.shape_cast %swap3A_367 : vector<1x16xi32> to vector<16xi32>
    %swap3A_369 = vector.shape_cast %add3A_363 : vector<16xi32> to vector<1x16xi32>
    tpu.vector_store %arg5[%swap3A_365, %swap3A_366], %swap3A_369 {strides = array<i32>} : memref<16x128xi32, #tpu.memory_space<vmem>>, vector<1x16xi32>,
    %get3A_370 = arith.constant 3 : i32
    %get3A_371 = arith.index_cast %get3A_370 : i32 to index
    %get3A_372 = arith.constant 16 : index
    %get3A_373 = tpu.vector_load %arg5[%get3A_371, %get3A_372] {strides = array<i32>} : memref<16x128xi32, #tpu.memory_space<vmem>>, vector<1x16xi32>,
    %get3A_374 = vector.shape_cast %get3A_373 : vector<1x16xi32> to vector<16xi32>
    %add3A_375 = vector.broadcast %mul3A_356 : i32 to vector<16xi32>
    %add3A_376 = arith.addi %get3A_374, %add3A_375 : vector<16xi32>
    %swap3A_377 = arith.constant 3 : i32
    %swap3A_378 = arith.index_cast %swap3A_377 : i32 to index
    %swap3A_379 = arith.constant 16 : index
    %swap3A_380 = tpu.vector_load %arg5[%swap3A_378, %swap3A_379] {strides = array<i32>} : memref<16x128xi32, #tpu.memory_space<vmem>>, vector<1x16xi32>,
    %swap3A_381 = vector.shape_cast %swap3A_380 : vector<1x16xi32> to vector<16xi32>
    %swap3A_382 = vector.shape_cast %add3A_376 : vector<16xi32> to vector<1x16xi32>
    tpu.vector_store %arg5[%swap3A_378, %swap3A_379], %swap3A_382 {strides = array<i32>} : memref<16x128xi32, #tpu.memory_space<vmem>>, vector<1x16xi32>,
    %get3A_383 = arith.constant 3 : i32
    %get3A_384 = arith.index_cast %get3A_383 : i32 to index
    %get3A_385 = arith.constant 32 : index
    %get3A_386 = tpu.vector_load %arg5[%get3A_384, %get3A_385] {strides = array<i32>} : memref<16x128xi32, #tpu.memory_space<vmem>>, vector<1x16xi32>,
    %get3A_387 = vector.shape_cast %get3A_386 : vector<1x16xi32> to vector<16xi32>
    %add3A_388 = vector.broadcast %mul3A_356 : i32 to vector<16xi32>
    %add3A_389 = arith.addi %get3A_387, %add3A_388 : vector<16xi32>
    %swap3A_390 = arith.constant 3 : i32
    %swap3A_391 = arith.index_cast %swap3A_390 : i32 to index
    %swap3A_392 = arith.constant 32 : index
    %swap3A_393 = tpu.vector_load %arg5[%swap3A_391, %swap3A_392] {strides = array<i32>} : memref<16x128xi32, #tpu.memory_space<vmem>>, vector<1x16xi32>,
    %swap3A_394 = vector.shape_cast %swap3A_393 : vector<1x16xi32> to vector<16xi32>
    %swap3A_395 = vector.shape_cast %add3A_389 : vector<16xi32> to vector<1x16xi32>
    tpu.vector_store %arg5[%swap3A_391, %swap3A_392], %swap3A_395 {strides = array<i32>} : memref<16x128xi32, #tpu.memory_space<vmem>>, vector<1x16xi32>,
    %get3A_396 = arith.constant 3 : i32
    %get3A_397 = arith.index_cast %get3A_396 : i32 to index
    %get3A_398 = arith.constant 48 : index
    %get3A_399 = tpu.vector_load %arg5[%get3A_397, %get3A_398] {strides = array<i32>} : memref<16x128xi32, #tpu.memory_space<vmem>>, vector<1x16xi32>,
    %get3A_400 = vector.shape_cast %get3A_399 : vector<1x16xi32> to vector<16xi32>
    %add3A_401 = vector.broadcast %mul3A_356 : i32 to vector<16xi32>
    %add3A_402 = arith.addi %get3A_400, %add3A_401 : vector<16xi32>
    %swap3A_403 = arith.constant 3 : i32
    %swap3A_404 = arith.index_cast %swap3A_403 : i32 to index
    %swap3A_405 = arith.constant 48 : index
    %swap3A_406 = tpu.vector_load %arg5[%swap3A_404, %swap3A_405] {strides = array<i32>} : memref<16x128xi32, #tpu.memory_space<vmem>>, vector<1x16xi32>,
    %swap3A_407 = vector.shape_cast %swap3A_406 : vector<1x16xi32> to vector<16xi32>
    %swap3A_408 = vector.shape_cast %add3A_402 : vector<16xi32> to vector<1x16xi32>
    tpu.vector_store %arg5[%swap3A_404, %swap3A_405], %swap3A_408 {strides = array<i32>} : memref<16x128xi32, #tpu.memory_space<vmem>>, vector<1x16xi32>,
    %get3A_409 = arith.constant 3 : i32
    %get3A_410 = arith.index_cast %get3A_409 : i32 to index
    %get3A_411 = arith.constant 64 : index
    %get3A_412 = tpu.vector_load %arg5[%get3A_410, %get3A_411] {strides = array<i32>} : memref<16x128xi32, #tpu.memory_space<vmem>>, vector<1x16xi32>,
    %get3A_413 = vector.shape_cast %get3A_412 : vector<1x16xi32> to vector<16xi32>
    %add3A_414 = vector.broadcast %mul3A_356 : i32 to vector<16xi32>
    %add3A_415 = arith.addi %get3A_413, %add3A_414 : vector<16xi32>
    %swap3A_416 = arith.constant 3 : i32
    %swap3A_417 = arith.index_cast %swap3A_416 : i32 to index
    %swap3A_418 = arith.constant 64 : index
    %swap3A_419 = tpu.vector_load %arg5[%swap3A_417, %swap3A_418] {strides = array<i32>} : memref<16x128xi32, #tpu.memory_space<vmem>>, vector<1x16xi32>,
    %swap3A_420 = vector.shape_cast %swap3A_419 : vector<1x16xi32> to vector<16xi32>
    %swap3A_421 = vector.shape_cast %add3A_415 : vector<16xi32> to vector<1x16xi32>
    tpu.vector_store %arg5[%swap3A_417, %swap3A_418], %swap3A_421 {strides = array<i32>} : memref<16x128xi32, #tpu.memory_space<vmem>>, vector<1x16xi32>,
    %get3A_422 = arith.constant 3 : i32
    %get3A_423 = arith.index_cast %get3A_422 : i32 to index
    %get3A_424 = arith.constant 80 : index
    %get3A_425 = tpu.vector_load %arg5[%get3A_423, %get3A_424] {strides = array<i32>} : memref<16x128xi32, #tpu.memory_space<vmem>>, vector<1x16xi32>,
    %get3A_426 = vector.shape_cast %get3A_425 : vector<1x16xi32> to vector<16xi32>
    %add3A_427 = vector.broadcast %mul3A_356 : i32 to vector<16xi32>
    %add3A_428 = arith.addi %get3A_426, %add3A_427 : vector<16xi32>
    %swap3A_429 = arith.constant 3 : i32
    %swap3A_430 = arith.index_cast %swap3A_429 : i32 to index
    %swap3A_431 = arith.constant 80 : index
    %swap3A_432 = tpu.vector_load %arg5[%swap3A_430, %swap3A_431] {strides = array<i32>} : memref<16x128xi32, #tpu.memory_space<vmem>>, vector<1x16xi32>,
    %swap3A_433 = vector.shape_cast %swap3A_432 : vector<1x16xi32> to vector<16xi32>
    %swap3A_434 = vector.shape_cast %add3A_428 : vector<16xi32> to vector<1x16xi32>
    tpu.vector_store %arg5[%swap3A_430, %swap3A_431], %swap3A_434 {strides = array<i32>} : memref<16x128xi32, #tpu.memory_space<vmem>>, vector<1x16xi32>,
    %get3A_435 = arith.constant 3 : i32
    %get3A_436 = arith.index_cast %get3A_435 : i32 to index
    %get3A_437 = arith.constant 96 : index
    %get3A_438 = tpu.vector_load %arg5[%get3A_436, %get3A_437] {strides = array<i32>} : memref<16x128xi32, #tpu.memory_space<vmem>>, vector<1x16xi32>,
    %get3A_439 = vector.shape_cast %get3A_438 : vector<1x16xi32> to vector<16xi32>
    %add3A_440 = vector.broadcast %mul3A_356 : i32 to vector<16xi32>
    %add3A_441 = arith.addi %get3A_439, %add3A_440 : vector<16xi32>
    %swap3A_442 = arith.constant 3 : i32
    %swap3A_443 = arith.index_cast %swap3A_442 : i32 to index
    %swap3A_444 = arith.constant 96 : index
    %swap3A_445 = tpu.vector_load %arg5[%swap3A_443, %swap3A_444] {strides = array<i32>} : memref<16x128xi32, #tpu.memory_space<vmem>>, vector<1x16xi32>,
    %swap3A_446 = vector.shape_cast %swap3A_445 : vector<1x16xi32> to vector<16xi32>
    %swap3A_447 = vector.shape_cast %add3A_441 : vector<16xi32> to vector<1x16xi32>
    tpu.vector_store %arg5[%swap3A_443, %swap3A_444], %swap3A_447 {strides = array<i32>} : memref<16x128xi32, #tpu.memory_space<vmem>>, vector<1x16xi32>,
    %get3A_448 = arith.constant 3 : i32
    %get3A_449 = arith.index_cast %get3A_448 : i32 to index
    %get3A_450 = arith.constant 112 : index
    %get3A_451 = tpu.vector_load %arg5[%get3A_449, %get3A_450] {strides = array<i32>} : memref<16x128xi32, #tpu.memory_space<vmem>>, vector<1x16xi32>,
    %get3A_452 = vector.shape_cast %get3A_451 : vector<1x16xi32> to vector<16xi32>
    %add3A_453 = vector.broadcast %mul3A_356 : i32 to vector<16xi32>
    %add3A_454 = arith.addi %get3A_452, %add3A_453 : vector<16xi32>
    %swap3A_455 = arith.constant 3 : i32
    %swap3A_456 = arith.index_cast %swap3A_455 : i32 to index
    %swap3A_457 = arith.constant 112 : index
    %swap3A_458 = tpu.vector_load %arg5[%swap3A_456, %swap3A_457] {strides = array<i32>} : memref<16x128xi32, #tpu.memory_space<vmem>>, vector<1x16xi32>,
    %swap3A_459 = vector.shape_cast %swap3A_458 : vector<1x16xi32> to vector<16xi32>
    %swap3A_460 = vector.shape_cast %add3A_454 : vector<16xi32> to vector<1x16xi32>
    tpu.vector_store %arg5[%swap3A_456, %swap3A_457], %swap3A_460 {strides = array<i32>} : memref<16x128xi32, #tpu.memory_space<vmem>>, vector<1x16xi32>,
    %dma_start3A_461 = arith.constant 3 : i32
    %dma_start3A_462 = arith.constant 0 : i32
    %dma_start3A_463 = tpu.memref_slice %arg5[%dma_start3A_461, %dma_start3A_462] : memref<16x128xi32, #tpu.memory_space<vmem>> -> memref<1x128xi32, #tpu.memory_space<vmem>>
    %dma_start3A_464 = tpu.memref_squeeze %dma_start3A_463 : memref<1x128xi32, #tpu.memory_space<vmem>> -> memref<128xi32, #tpu.memory_space<vmem>>
    %dma_start3A_465 = arith.constant 0 : i32
    %dma_start3A_466 = arith.constant 0 : i32
    %dma_start3A_467 = tpu.memref_slice %arg2[%dma_start3A_465, %dma_start3A_466] : memref<524288x128xf32, #tpu.memory_space<hbm>> -> memref<524288x128xf32, #tpu.memory_space<hbm>>
    tpu.enqueue_indirect_dma source(%dma_start3A_467 : memref<524288x128xf32, #tpu.memory_space<hbm>>) target(%arg9 : memref<128x128xf32, #tpu.memory_space<vmem>>) offsets(%dma_start3A_464 : memref<128xi32, #tpu.memory_space<vmem>>) semaphore(%arg16 : memref<!tpu.dma_semaphore, #tpu.memory_space<semaphore_mem>>)
    %mul3A_468 = arith.constant 4 : i32
    %mul3A_469 = arith.muli %add3A, %mul3A_468 : i32
    %add3A_470 = arith.constant 1 : i32
    %add3A_471 = arith.addi %mul3A_469, %add3A_470 : i32
    %mul3A_472 = arith.constant 4096 : i32
    %mul3A_473 = arith.muli %add3A_471, %mul3A_472 : i32
    %get3A_474 = arith.constant 4 : i32
    %get3A_475 = arith.index_cast %get3A_474 : i32 to index
    %get3A_476 = arith.constant 0 : index
    %get3A_477 = tpu.vector_load %arg5[%get3A_475, %get3A_476] {strides = array<i32>} : memref<16x128xi32, #tpu.memory_space<vmem>>, vector<1x16xi32>,
    %get3A_478 = vector.shape_cast %get3A_477 : vector<1x16xi32> to vector<16xi32>
    %add3A_479 = vector.broadcast %mul3A_473 : i32 to vector<16xi32>
    %add3A_480 = arith.addi %get3A_478, %add3A_479 : vector<16xi32>
    %swap3A_481 = arith.constant 4 : i32
    %swap3A_482 = arith.index_cast %swap3A_481 : i32 to index
    %swap3A_483 = arith.constant 0 : index
    %swap3A_484 = tpu.vector_load %arg5[%swap3A_482, %swap3A_483] {strides = array<i32>} : memref<16x128xi32, #tpu.memory_space<vmem>>, vector<1x16xi32>,
    %swap3A_485 = vector.shape_cast %swap3A_484 : vector<1x16xi32> to vector<16xi32>
    %swap3A_486 = vector.shape_cast %add3A_480 : vector<16xi32> to vector<1x16xi32>
    tpu.vector_store %arg5[%swap3A_482, %swap3A_483], %swap3A_486 {strides = array<i32>} : memref<16x128xi32, #tpu.memory_space<vmem>>, vector<1x16xi32>,
    %get3A_487 = arith.constant 4 : i32
    %get3A_488 = arith.index_cast %get3A_487 : i32 to index
    %get3A_489 = arith.constant 16 : index
    %get3A_490 = tpu.vector_load %arg5[%get3A_488, %get3A_489] {strides = array<i32>} : memref<16x128xi32, #tpu.memory_space<vmem>>, vector<1x16xi32>,
    %get3A_491 = vector.shape_cast %get3A_490 : vector<1x16xi32> to vector<16xi32>
    %add3A_492 = vector.broadcast %mul3A_473 : i32 to vector<16xi32>
    %add3A_493 = arith.addi %get3A_491, %add3A_492 : vector<16xi32>
    %swap3A_494 = arith.constant 4 : i32
    %swap3A_495 = arith.index_cast %swap3A_494 : i32 to index
    %swap3A_496 = arith.constant 16 : index
    %swap3A_497 = tpu.vector_load %arg5[%swap3A_495, %swap3A_496] {strides = array<i32>} : memref<16x128xi32, #tpu.memory_space<vmem>>, vector<1x16xi32>,
    %swap3A_498 = vector.shape_cast %swap3A_497 : vector<1x16xi32> to vector<16xi32>
    %swap3A_499 = vector.shape_cast %add3A_493 : vector<16xi32> to vector<1x16xi32>
    tpu.vector_store %arg5[%swap3A_495, %swap3A_496], %swap3A_499 {strides = array<i32>} : memref<16x128xi32, #tpu.memory_space<vmem>>, vector<1x16xi32>,
    %get3A_500 = arith.constant 4 : i32
    %get3A_501 = arith.index_cast %get3A_500 : i32 to index
    %get3A_502 = arith.constant 32 : index
    %get3A_503 = tpu.vector_load %arg5[%get3A_501, %get3A_502] {strides = array<i32>} : memref<16x128xi32, #tpu.memory_space<vmem>>, vector<1x16xi32>,
    %get3A_504 = vector.shape_cast %get3A_503 : vector<1x16xi32> to vector<16xi32>
    %add3A_505 = vector.broadcast %mul3A_473 : i32 to vector<16xi32>
    %add3A_506 = arith.addi %get3A_504, %add3A_505 : vector<16xi32>
    %swap3A_507 = arith.constant 4 : i32
    %swap3A_508 = arith.index_cast %swap3A_507 : i32 to index
    %swap3A_509 = arith.constant 32 : index
    %swap3A_510 = tpu.vector_load %arg5[%swap3A_508, %swap3A_509] {strides = array<i32>} : memref<16x128xi32, #tpu.memory_space<vmem>>, vector<1x16xi32>,
    %swap3A_511 = vector.shape_cast %swap3A_510 : vector<1x16xi32> to vector<16xi32>
    %swap3A_512 = vector.shape_cast %add3A_506 : vector<16xi32> to vector<1x16xi32>
    tpu.vector_store %arg5[%swap3A_508, %swap3A_509], %swap3A_512 {strides = array<i32>} : memref<16x128xi32, #tpu.memory_space<vmem>>, vector<1x16xi32>,
    %get3A_513 = arith.constant 4 : i32
    %get3A_514 = arith.index_cast %get3A_513 : i32 to index
    %get3A_515 = arith.constant 48 : index
    %get3A_516 = tpu.vector_load %arg5[%get3A_514, %get3A_515] {strides = array<i32>} : memref<16x128xi32, #tpu.memory_space<vmem>>, vector<1x16xi32>,
    %get3A_517 = vector.shape_cast %get3A_516 : vector<1x16xi32> to vector<16xi32>
    %add3A_518 = vector.broadcast %mul3A_473 : i32 to vector<16xi32>
    %add3A_519 = arith.addi %get3A_517, %add3A_518 : vector<16xi32>
    %swap3A_520 = arith.constant 4 : i32
    %swap3A_521 = arith.index_cast %swap3A_520 : i32 to index
    %swap3A_522 = arith.constant 48 : index
    %swap3A_523 = tpu.vector_load %arg5[%swap3A_521, %swap3A_522] {strides = array<i32>} : memref<16x128xi32, #tpu.memory_space<vmem>>, vector<1x16xi32>,
    %swap3A_524 = vector.shape_cast %swap3A_523 : vector<1x16xi32> to vector<16xi32>
    %swap3A_525 = vector.shape_cast %add3A_519 : vector<16xi32> to vector<1x16xi32>
    tpu.vector_store %arg5[%swap3A_521, %swap3A_522], %swap3A_525 {strides = array<i32>} : memref<16x128xi32, #tpu.memory_space<vmem>>, vector<1x16xi32>,
    %get3A_526 = arith.constant 4 : i32
    %get3A_527 = arith.index_cast %get3A_526 : i32 to index
    %get3A_528 = arith.constant 64 : index
    %get3A_529 = tpu.vector_load %arg5[%get3A_527, %get3A_528] {strides = array<i32>} : memref<16x128xi32, #tpu.memory_space<vmem>>, vector<1x16xi32>,
    %get3A_530 = vector.shape_cast %get3A_529 : vector<1x16xi32> to vector<16xi32>
    %add3A_531 = vector.broadcast %mul3A_473 : i32 to vector<16xi32>
    %add3A_532 = arith.addi %get3A_530, %add3A_531 : vector<16xi32>
    %swap3A_533 = arith.constant 4 : i32
    %swap3A_534 = arith.index_cast %swap3A_533 : i32 to index
    %swap3A_535 = arith.constant 64 : index
    %swap3A_536 = tpu.vector_load %arg5[%swap3A_534, %swap3A_535] {strides = array<i32>} : memref<16x128xi32, #tpu.memory_space<vmem>>, vector<1x16xi32>,
    %swap3A_537 = vector.shape_cast %swap3A_536 : vector<1x16xi32> to vector<16xi32>
    %swap3A_538 = vector.shape_cast %add3A_532 : vector<16xi32> to vector<1x16xi32>
    tpu.vector_store %arg5[%swap3A_534, %swap3A_535], %swap3A_538 {strides = array<i32>} : memref<16x128xi32, #tpu.memory_space<vmem>>, vector<1x16xi32>,
    %get3A_539 = arith.constant 4 : i32
    %get3A_540 = arith.index_cast %get3A_539 : i32 to index
    %get3A_541 = arith.constant 80 : index
    %get3A_542 = tpu.vector_load %arg5[%get3A_540, %get3A_541] {strides = array<i32>} : memref<16x128xi32, #tpu.memory_space<vmem>>, vector<1x16xi32>,
    %get3A_543 = vector.shape_cast %get3A_542 : vector<1x16xi32> to vector<16xi32>
    %add3A_544 = vector.broadcast %mul3A_473 : i32 to vector<16xi32>
    %add3A_545 = arith.addi %get3A_543, %add3A_544 : vector<16xi32>
    %swap3A_546 = arith.constant 4 : i32
    %swap3A_547 = arith.index_cast %swap3A_546 : i32 to index
    %swap3A_548 = arith.constant 80 : index
    %swap3A_549 = tpu.vector_load %arg5[%swap3A_547, %swap3A_548] {strides = array<i32>} : memref<16x128xi32, #tpu.memory_space<vmem>>, vector<1x16xi32>,
    %swap3A_550 = vector.shape_cast %swap3A_549 : vector<1x16xi32> to vector<16xi32>
    %swap3A_551 = vector.shape_cast %add3A_545 : vector<16xi32> to vector<1x16xi32>
    tpu.vector_store %arg5[%swap3A_547, %swap3A_548], %swap3A_551 {strides = array<i32>} : memref<16x128xi32, #tpu.memory_space<vmem>>, vector<1x16xi32>,
    %get3A_552 = arith.constant 4 : i32
    %get3A_553 = arith.index_cast %get3A_552 : i32 to index
    %get3A_554 = arith.constant 96 : index
    %get3A_555 = tpu.vector_load %arg5[%get3A_553, %get3A_554] {strides = array<i32>} : memref<16x128xi32, #tpu.memory_space<vmem>>, vector<1x16xi32>,
    %get3A_556 = vector.shape_cast %get3A_555 : vector<1x16xi32> to vector<16xi32>
    %add3A_557 = vector.broadcast %mul3A_473 : i32 to vector<16xi32>
    %add3A_558 = arith.addi %get3A_556, %add3A_557 : vector<16xi32>
    %swap3A_559 = arith.constant 4 : i32
    %swap3A_560 = arith.index_cast %swap3A_559 : i32 to index
    %swap3A_561 = arith.constant 96 : index
    %swap3A_562 = tpu.vector_load %arg5[%swap3A_560, %swap3A_561] {strides = array<i32>} : memref<16x128xi32, #tpu.memory_space<vmem>>, vector<1x16xi32>,
    %swap3A_563 = vector.shape_cast %swap3A_562 : vector<1x16xi32> to vector<16xi32>
    %swap3A_564 = vector.shape_cast %add3A_558 : vector<16xi32> to vector<1x16xi32>
    tpu.vector_store %arg5[%swap3A_560, %swap3A_561], %swap3A_564 {strides = array<i32>} : memref<16x128xi32, #tpu.memory_space<vmem>>, vector<1x16xi32>,
    %get3A_565 = arith.constant 4 : i32
    %get3A_566 = arith.index_cast %get3A_565 : i32 to index
    %get3A_567 = arith.constant 112 : index
    %get3A_568 = tpu.vector_load %arg5[%get3A_566, %get3A_567] {strides = array<i32>} : memref<16x128xi32, #tpu.memory_space<vmem>>, vector<1x16xi32>,
    %get3A_569 = vector.shape_cast %get3A_568 : vector<1x16xi32> to vector<16xi32>
    %add3A_570 = vector.broadcast %mul3A_473 : i32 to vector<16xi32>
    %add3A_571 = arith.addi %get3A_569, %add3A_570 : vector<16xi32>
    %swap3A_572 = arith.constant 4 : i32
    %swap3A_573 = arith.index_cast %swap3A_572 : i32 to index
    %swap3A_574 = arith.constant 112 : index
    %swap3A_575 = tpu.vector_load %arg5[%swap3A_573, %swap3A_574] {strides = array<i32>} : memref<16x128xi32, #tpu.memory_space<vmem>>, vector<1x16xi32>,
    %swap3A_576 = vector.shape_cast %swap3A_575 : vector<1x16xi32> to vector<16xi32>
    %swap3A_577 = vector.shape_cast %add3A_571 : vector<16xi32> to vector<1x16xi32>
    tpu.vector_store %arg5[%swap3A_573, %swap3A_574], %swap3A_577 {strides = array<i32>} : memref<16x128xi32, #tpu.memory_space<vmem>>, vector<1x16xi32>,
    %dma_start3A_578 = arith.constant 4 : i32
    %dma_start3A_579 = arith.constant 0 : i32
    %dma_start3A_580 = tpu.memref_slice %arg5[%dma_start3A_578, %dma_start3A_579] : memref<16x128xi32, #tpu.memory_space<vmem>> -> memref<1x128xi32, #tpu.memory_space<vmem>>
    %dma_start3A_581 = tpu.memref_squeeze %dma_start3A_580 : memref<1x128xi32, #tpu.memory_space<vmem>> -> memref<128xi32, #tpu.memory_space<vmem>>
    %dma_start3A_582 = arith.constant 0 : i32
    %dma_start3A_583 = arith.constant 0 : i32
    %dma_start3A_584 = tpu.memref_slice %arg2[%dma_start3A_582, %dma_start3A_583] : memref<524288x128xf32, #tpu.memory_space<hbm>> -> memref<524288x128xf32, #tpu.memory_space<hbm>>
    tpu.enqueue_indirect_dma source(%dma_start3A_584 : memref<524288x128xf32, #tpu.memory_space<hbm>>) target(%arg10 : memref<128x128xf32, #tpu.memory_space<vmem>>) offsets(%dma_start3A_581 : memref<128xi32, #tpu.memory_space<vmem>>) semaphore(%arg17 : memref<!tpu.dma_semaphore, #tpu.memory_space<semaphore_mem>>)
    %add3A_585 = arith.constant 8 : i32
    %add3A_586 = arith.addi %mul3A_2, %add3A_585 : i32
    "tpu.region"() ({
      %run_scoped3A = tpu.sem_alloc : memref<!tpu.dma_semaphore, #tpu.memory_space<semaphore_mem>>
      %dma_start3A_2177 = arith.constant 8 : i32
      %dma_start3A_2178 = arith.constant 0 : i32
      %dma_start3A_2179 = tpu.memref_slice %arg5[%dma_start3A_2177, %dma_start3A_2178] : memref<16x128xi32, #tpu.memory_space<vmem>> -> memref<8x128xi32, #tpu.memory_space<vmem>>
      %dma_start3A_2180 = arith.constant 0 : i32
      %dma_start3A_2181 = tpu.memref_slice %arg3[%add3A_586, %dma_start3A_2180] : memref<512x128xi32, #tpu.memory_space<hbm>> -> memref<8x128xi32, #tpu.memory_space<hbm>>
      %dma_start3A_2182 = arith.constant 8 : i32
      %dma_start3A_2183 = arith.constant 0 : i32
      %dma_start3A_2184 = tpu.memref_slice %arg5[%dma_start3A_2182, %dma_start3A_2183] : memref<16x128xi32, #tpu.memory_space<vmem>> -> memref<8x128xi32, #tpu.memory_space<vmem>>
      %dma_start3A_2185 = arith.constant 0 : i32
      %dma_start3A_2186 = tpu.memref_slice %arg3[%add3A_586, %dma_start3A_2185] : memref<512x128xi32, #tpu.memory_space<hbm>> -> memref<8x128xi32, #tpu.memory_space<hbm>>
      tpu.enqueue_dma source(%dma_start3A_2186 : memref<8x128xi32, #tpu.memory_space<hbm>>) target(%dma_start3A_2184 : memref<8x128xi32, #tpu.memory_space<vmem>>) target_semaphore(%run_scoped3A : memref<!tpu.dma_semaphore, #tpu.memory_space<semaphore_mem>>)
      %dma_wait3A_2187 = arith.constant 8 : i32
      %dma_wait3A_2188 = arith.constant 0 : i32
      %dma_wait3A_2189 = tpu.memref_slice %arg5[%dma_wait3A_2187, %dma_wait3A_2188] : memref<16x128xi32, #tpu.memory_space<vmem>> -> memref<8x128xi32, #tpu.memory_space<vmem>>
      %dma_wait3A_2190 = arith.constant 0 : i32
      %dma_wait3A_2191 = tpu.memref_slice %arg3[%add3A_586, %dma_wait3A_2190] : memref<512x128xi32, #tpu.memory_space<hbm>> -> memref<8x128xi32, #tpu.memory_space<hbm>>
      %dma_wait3A_2192 = arith.constant 8 : i32
      %dma_wait3A_2193 = arith.constant 0 : i32
      %dma_wait3A_2194 = tpu.memref_slice %arg5[%dma_wait3A_2192, %dma_wait3A_2193] : memref<16x128xi32, #tpu.memory_space<vmem>> -> memref<8x128xi32, #tpu.memory_space<vmem>>
      %dma_wait3A_2195 = arith.constant 0 : i32
      %dma_wait3A_2196 = tpu.memref_slice %arg3[%add3A_586, %dma_wait3A_2195] : memref<512x128xi32, #tpu.memory_space<hbm>> -> memref<8x128xi32, #tpu.memory_space<hbm>>
      tpu.wait_dma2 semaphore(%run_scoped3A : memref<!tpu.dma_semaphore, #tpu.memory_space<semaphore_mem>>) src(%dma_wait3A_2196 : memref<8x128xi32, #tpu.memory_space<hbm>>) dst(%dma_wait3A_2194 : memref<8x128xi32, #tpu.memory_space<vmem>>)
      tpu.yield
    }) : () -> ()
    %mul3A_587 = arith.constant 4 : i32
    %mul3A_588 = arith.muli %add3A, %mul3A_587 : i32
    %add3A_589 = arith.constant 1 : i32
    %add3A_590 = arith.addi %mul3A_588, %add3A_589 : i32
    %mul3A_591 = arith.constant 4096 : i32
    %mul3A_592 = arith.muli %add3A_590, %mul3A_591 : i32
    %get3A_593 = arith.constant 5 : i32
    %get3A_594 = arith.index_cast %get3A_593 : i32 to index
    %get3A_595 = arith.constant 0 : index
    %get3A_596 = tpu.vector_load %arg5[%get3A_594, %get3A_595] {strides = array<i32>} : memref<16x128xi32, #tpu.memory_space<vmem>>, vector<1x16xi32>,
    %get3A_597 = vector.shape_cast %get3A_596 : vector<1x16xi32> to vector<16xi32>
    %add3A_598 = vector.broadcast %mul3A_592 : i32 to vector<16xi32>
    %add3A_599 = arith.addi %get3A_597, %add3A_598 : vector<16xi32>
    %swap3A_600 = arith.constant 5 : i32
    %swap3A_601 = arith.index_cast %swap3A_600 : i32 to index
    %swap3A_602 = arith.constant 0 : index
    %swap3A_603 = tpu.vector_load %arg5[%swap3A_601, %swap3A_602] {strides = array<i32>} : memref<16x128xi32, #tpu.memory_space<vmem>>, vector<1x16xi32>,
    %swap3A_604 = vector.shape_cast %swap3A_603 : vector<1x16xi32> to vector<16xi32>
    %swap3A_605 = vector.shape_cast %add3A_599 : vector<16xi32> to vector<1x16xi32>
    tpu.vector_store %arg5[%swap3A_601, %swap3A_602], %swap3A_605 {strides = array<i32>} : memref<16x128xi32, #tpu.memory_space<vmem>>, vector<1x16xi32>,
    %get3A_606 = arith.constant 5 : i32
    %get3A_607 = arith.index_cast %get3A_606 : i32 to index
    %get3A_608 = arith.constant 16 : index
    %get3A_609 = tpu.vector_load %arg5[%get3A_607, %get3A_608] {strides = array<i32>} : memref<16x128xi32, #tpu.memory_space<vmem>>, vector<1x16xi32>,
    %get3A_610 = vector.shape_cast %get3A_609 : vector<1x16xi32> to vector<16xi32>
    %add3A_611 = vector.broadcast %mul3A_592 : i32 to vector<16xi32>
    %add3A_612 = arith.addi %get3A_610, %add3A_611 : vector<16xi32>
    %swap3A_613 = arith.constant 5 : i32
    %swap3A_614 = arith.index_cast %swap3A_613 : i32 to index
    %swap3A_615 = arith.constant 16 : index
    %swap3A_616 = tpu.vector_load %arg5[%swap3A_614, %swap3A_615] {strides = array<i32>} : memref<16x128xi32, #tpu.memory_space<vmem>>, vector<1x16xi32>,
    %swap3A_617 = vector.shape_cast %swap3A_616 : vector<1x16xi32> to vector<16xi32>
    %swap3A_618 = vector.shape_cast %add3A_612 : vector<16xi32> to vector<1x16xi32>
    tpu.vector_store %arg5[%swap3A_614, %swap3A_615], %swap3A_618 {strides = array<i32>} : memref<16x128xi32, #tpu.memory_space<vmem>>, vector<1x16xi32>,
    %get3A_619 = arith.constant 5 : i32
    %get3A_620 = arith.index_cast %get3A_619 : i32 to index
    %get3A_621 = arith.constant 32 : index
    %get3A_622 = tpu.vector_load %arg5[%get3A_620, %get3A_621] {strides = array<i32>} : memref<16x128xi32, #tpu.memory_space<vmem>>, vector<1x16xi32>,
    %get3A_623 = vector.shape_cast %get3A_622 : vector<1x16xi32> to vector<16xi32>
    %add3A_624 = vector.broadcast %mul3A_592 : i32 to vector<16xi32>
    %add3A_625 = arith.addi %get3A_623, %add3A_624 : vector<16xi32>
    %swap3A_626 = arith.constant 5 : i32
    %swap3A_627 = arith.index_cast %swap3A_626 : i32 to index
    %swap3A_628 = arith.constant 32 : index
    %swap3A_629 = tpu.vector_load %arg5[%swap3A_627, %swap3A_628] {strides = array<i32>} : memref<16x128xi32, #tpu.memory_space<vmem>>, vector<1x16xi32>,
    %swap3A_630 = vector.shape_cast %swap3A_629 : vector<1x16xi32> to vector<16xi32>
    %swap3A_631 = vector.shape_cast %add3A_625 : vector<16xi32> to vector<1x16xi32>
    tpu.vector_store %arg5[%swap3A_627, %swap3A_628], %swap3A_631 {strides = array<i32>} : memref<16x128xi32, #tpu.memory_space<vmem>>, vector<1x16xi32>,
    %get3A_632 = arith.constant 5 : i32
    %get3A_633 = arith.index_cast %get3A_632 : i32 to index
    %get3A_634 = arith.constant 48 : index
    %get3A_635 = tpu.vector_load %arg5[%get3A_633, %get3A_634] {strides = array<i32>} : memref<16x128xi32, #tpu.memory_space<vmem>>, vector<1x16xi32>,
    %get3A_636 = vector.shape_cast %get3A_635 : vector<1x16xi32> to vector<16xi32>
    %add3A_637 = vector.broadcast %mul3A_592 : i32 to vector<16xi32>
    %add3A_638 = arith.addi %get3A_636, %add3A_637 : vector<16xi32>
    %swap3A_639 = arith.constant 5 : i32
    %swap3A_640 = arith.index_cast %swap3A_639 : i32 to index
    %swap3A_641 = arith.constant 48 : index
    %swap3A_642 = tpu.vector_load %arg5[%swap3A_640, %swap3A_641] {strides = array<i32>} : memref<16x128xi32, #tpu.memory_space<vmem>>, vector<1x16xi32>,
    %swap3A_643 = vector.shape_cast %swap3A_642 : vector<1x16xi32> to vector<16xi32>
    %swap3A_644 = vector.shape_cast %add3A_638 : vector<16xi32> to vector<1x16xi32>
    tpu.vector_store %arg5[%swap3A_640, %swap3A_641], %swap3A_644 {strides = array<i32>} : memref<16x128xi32, #tpu.memory_space<vmem>>, vector<1x16xi32>,
    %get3A_645 = arith.constant 5 : i32
    %get3A_646 = arith.index_cast %get3A_645 : i32 to index
    %get3A_647 = arith.constant 64 : index
    %get3A_648 = tpu.vector_load %arg5[%get3A_646, %get3A_647] {strides = array<i32>} : memref<16x128xi32, #tpu.memory_space<vmem>>, vector<1x16xi32>,
    %get3A_649 = vector.shape_cast %get3A_648 : vector<1x16xi32> to vector<16xi32>
    %add3A_650 = vector.broadcast %mul3A_592 : i32 to vector<16xi32>
    %add3A_651 = arith.addi %get3A_649, %add3A_650 : vector<16xi32>
    %swap3A_652 = arith.constant 5 : i32
    %swap3A_653 = arith.index_cast %swap3A_652 : i32 to index
    %swap3A_654 = arith.constant 64 : index
    %swap3A_655 = tpu.vector_load %arg5[%swap3A_653, %swap3A_654] {strides = array<i32>} : memref<16x128xi32, #tpu.memory_space<vmem>>, vector<1x16xi32>,
    %swap3A_656 = vector.shape_cast %swap3A_655 : vector<1x16xi32> to vector<16xi32>
    %swap3A_657 = vector.shape_cast %add3A_651 : vector<16xi32> to vector<1x16xi32>
    tpu.vector_store %arg5[%swap3A_653, %swap3A_654], %swap3A_657 {strides = array<i32>} : memref<16x128xi32, #tpu.memory_space<vmem>>, vector<1x16xi32>,
    %get3A_658 = arith.constant 5 : i32
    %get3A_659 = arith.index_cast %get3A_658 : i32 to index
    %get3A_660 = arith.constant 80 : index
    %get3A_661 = tpu.vector_load %arg5[%get3A_659, %get3A_660] {strides = array<i32>} : memref<16x128xi32, #tpu.memory_space<vmem>>, vector<1x16xi32>,
    %get3A_662 = vector.shape_cast %get3A_661 : vector<1x16xi32> to vector<16xi32>
    %add3A_663 = vector.broadcast %mul3A_592 : i32 to vector<16xi32>
    %add3A_664 = arith.addi %get3A_662, %add3A_663 : vector<16xi32>
    %swap3A_665 = arith.constant 5 : i32
    %swap3A_666 = arith.index_cast %swap3A_665 : i32 to index
    %swap3A_667 = arith.constant 80 : index
    %swap3A_668 = tpu.vector_load %arg5[%swap3A_666, %swap3A_667] {strides = array<i32>} : memref<16x128xi32, #tpu.memory_space<vmem>>, vector<1x16xi32>,
    %swap3A_669 = vector.shape_cast %swap3A_668 : vector<1x16xi32> to vector<16xi32>
    %swap3A_670 = vector.shape_cast %add3A_664 : vector<16xi32> to vector<1x16xi32>
    tpu.vector_store %arg5[%swap3A_666, %swap3A_667], %swap3A_670 {strides = array<i32>} : memref<16x128xi32, #tpu.memory_space<vmem>>, vector<1x16xi32>,
    %get3A_671 = arith.constant 5 : i32
    %get3A_672 = arith.index_cast %get3A_671 : i32 to index
    %get3A_673 = arith.constant 96 : index
    %get3A_674 = tpu.vector_load %arg5[%get3A_672, %get3A_673] {strides = array<i32>} : memref<16x128xi32, #tpu.memory_space<vmem>>, vector<1x16xi32>,
    %get3A_675 = vector.shape_cast %get3A_674 : vector<1x16xi32> to vector<16xi32>
    %add3A_676 = vector.broadcast %mul3A_592 : i32 to vector<16xi32>
    %add3A_677 = arith.addi %get3A_675, %add3A_676 : vector<16xi32>
    %swap3A_678 = arith.constant 5 : i32
    %swap3A_679 = arith.index_cast %swap3A_678 : i32 to index
    %swap3A_680 = arith.constant 96 : index
    %swap3A_681 = tpu.vector_load %arg5[%swap3A_679, %swap3A_680] {strides = array<i32>} : memref<16x128xi32, #tpu.memory_space<vmem>>, vector<1x16xi32>,
    %swap3A_682 = vector.shape_cast %swap3A_681 : vector<1x16xi32> to vector<16xi32>
    %swap3A_683 = vector.shape_cast %add3A_677 : vector<16xi32> to vector<1x16xi32>
    tpu.vector_store %arg5[%swap3A_679, %swap3A_680], %swap3A_683 {strides = array<i32>} : memref<16x128xi32, #tpu.memory_space<vmem>>, vector<1x16xi32>,
    %get3A_684 = arith.constant 5 : i32
    %get3A_685 = arith.index_cast %get3A_684 : i32 to index
    %get3A_686 = arith.constant 112 : index
    %get3A_687 = tpu.vector_load %arg5[%get3A_685, %get3A_686] {strides = array<i32>} : memref<16x128xi32, #tpu.memory_space<vmem>>, vector<1x16xi32>,
    %get3A_688 = vector.shape_cast %get3A_687 : vector<1x16xi32> to vector<16xi32>
    %add3A_689 = vector.broadcast %mul3A_592 : i32 to vector<16xi32>
    %add3A_690 = arith.addi %get3A_688, %add3A_689 : vector<16xi32>
    %swap3A_691 = arith.constant 5 : i32
    %swap3A_692 = arith.index_cast %swap3A_691 : i32 to index
    %swap3A_693 = arith.constant 112 : index
    %swap3A_694 = tpu.vector_load %arg5[%swap3A_692, %swap3A_693] {strides = array<i32>} : memref<16x128xi32, #tpu.memory_space<vmem>>, vector<1x16xi32>,
    %swap3A_695 = vector.shape_cast %swap3A_694 : vector<1x16xi32> to vector<16xi32>
    %swap3A_696 = vector.shape_cast %add3A_690 : vector<16xi32> to vector<1x16xi32>
    tpu.vector_store %arg5[%swap3A_692, %swap3A_693], %swap3A_696 {strides = array<i32>} : memref<16x128xi32, #tpu.memory_space<vmem>>, vector<1x16xi32>,
    %dma_wait3A = arith.constant 0 : i32
    %dma_wait3A_697 = arith.constant 0 : i32
    %dma_wait3A_698 = tpu.memref_slice %arg5[%dma_wait3A, %dma_wait3A_697] : memref<16x128xi32, #tpu.memory_space<vmem>> -> memref<1x128xi32, #tpu.memory_space<vmem>>
    %dma_wait3A_699 = tpu.memref_squeeze %dma_wait3A_698 : memref<1x128xi32, #tpu.memory_space<vmem>> -> memref<128xi32, #tpu.memory_space<vmem>>
    %dma_wait3A_700 = arith.constant 0 : i32
    %dma_wait3A_701 = arith.constant 0 : i32
    %dma_wait3A_702 = tpu.memref_slice %arg2[%dma_wait3A_700, %dma_wait3A_701] : memref<524288x128xf32, #tpu.memory_space<hbm>> -> memref<524288x128xf32, #tpu.memory_space<hbm>>
    tpu.wait_indirect_dma semaphore(%arg13 : memref<!tpu.dma_semaphore, #tpu.memory_space<semaphore_mem>>) src(%dma_wait3A_702 : memref<524288x128xf32, #tpu.memory_space<hbm>>) dst(%arg6 : memref<128x128xf32, #tpu.memory_space<vmem>>)
    %add3A_703 = arith.constant 0 : i32
    %add3A_704 = arith.addi %mul3A_2, %add3A_703 : i32
    %mul3A_705 = arith.constant 128 : i32
    %mul3A_706 = arith.muli %add3A_704, %mul3A_705 : i32
    %dma_start3A_707 = arith.constant 0 : i32
    %dma_start3A_708 = tpu.memref_slice %arg4[%mul3A_706, %dma_start3A_707] : memref<65536x128xf32, #tpu.memory_space<hbm>> -> memref<128x128xf32, #tpu.memory_space<hbm>>
    %dma_start3A_709 = arith.constant 0 : i32
    %dma_start3A_710 = tpu.memref_slice %arg4[%mul3A_706, %dma_start3A_709] : memref<65536x128xf32, #tpu.memory_space<hbm>> -> memref<128x128xf32, #tpu.memory_space<hbm>>
    tpu.enqueue_dma source(%arg6 : memref<128x128xf32, #tpu.memory_space<vmem>>) target(%dma_start3A_710 : memref<128x128xf32, #tpu.memory_space<hbm>>) target_semaphore(%arg20 : memref<!tpu.dma_semaphore, #tpu.memory_space<semaphore_mem>>)
    %dma_start3A_711 = arith.constant 5 : i32
    %dma_start3A_712 = arith.constant 0 : i32
    %dma_start3A_713 = tpu.memref_slice %arg5[%dma_start3A_711, %dma_start3A_712] : memref<16x128xi32, #tpu.memory_space<vmem>> -> memref<1x128xi32, #tpu.memory_space<vmem>>
    %dma_start3A_714 = tpu.memref_squeeze %dma_start3A_713 : memref<1x128xi32, #tpu.memory_space<vmem>> -> memref<128xi32, #tpu.memory_space<vmem>>
    %dma_start3A_715 = arith.constant 0 : i32
    %dma_start3A_716 = arith.constant 0 : i32
    %dma_start3A_717 = tpu.memref_slice %arg2[%dma_start3A_715, %dma_start3A_716] : memref<524288x128xf32, #tpu.memory_space<hbm>> -> memref<524288x128xf32, #tpu.memory_space<hbm>>
    tpu.enqueue_indirect_dma source(%dma_start3A_717 : memref<524288x128xf32, #tpu.memory_space<hbm>>) target(%arg11 : memref<128x128xf32, #tpu.memory_space<vmem>>) offsets(%dma_start3A_714 : memref<128xi32, #tpu.memory_space<vmem>>) semaphore(%arg18 : memref<!tpu.dma_semaphore, #tpu.memory_space<semaphore_mem>>)
    %mul3A_718 = arith.constant 4 : i32
    %mul3A_719 = arith.muli %add3A, %mul3A_718 : i32
    %add3A_720 = arith.constant 1 : i32
    %add3A_721 = arith.addi %mul3A_719, %add3A_720 : i32
    %mul3A_722 = arith.constant 4096 : i32
    %mul3A_723 = arith.muli %add3A_721, %mul3A_722 : i32
    %get3A_724 = arith.constant 6 : i32
    %get3A_725 = arith.index_cast %get3A_724 : i32 to index
    %get3A_726 = arith.constant 0 : index
    %get3A_727 = tpu.vector_load %arg5[%get3A_725, %get3A_726] {strides = array<i32>} : memref<16x128xi32, #tpu.memory_space<vmem>>, vector<1x16xi32>,
    %get3A_728 = vector.shape_cast %get3A_727 : vector<1x16xi32> to vector<16xi32>
    %add3A_729 = vector.broadcast %mul3A_723 : i32 to vector<16xi32>
    %add3A_730 = arith.addi %get3A_728, %add3A_729 : vector<16xi32>
    %swap3A_731 = arith.constant 6 : i32
    %swap3A_732 = arith.index_cast %swap3A_731 : i32 to index
    %swap3A_733 = arith.constant 0 : index
    %swap3A_734 = tpu.vector_load %arg5[%swap3A_732, %swap3A_733] {strides = array<i32>} : memref<16x128xi32, #tpu.memory_space<vmem>>, vector<1x16xi32>,
    %swap3A_735 = vector.shape_cast %swap3A_734 : vector<1x16xi32> to vector<16xi32>
    %swap3A_736 = vector.shape_cast %add3A_730 : vector<16xi32> to vector<1x16xi32>
    tpu.vector_store %arg5[%swap3A_732, %swap3A_733], %swap3A_736 {strides = array<i32>} : memref<16x128xi32, #tpu.memory_space<vmem>>, vector<1x16xi32>,
    %get3A_737 = arith.constant 6 : i32
    %get3A_738 = arith.index_cast %get3A_737 : i32 to index
    %get3A_739 = arith.constant 16 : index
    %get3A_740 = tpu.vector_load %arg5[%get3A_738, %get3A_739] {strides = array<i32>} : memref<16x128xi32, #tpu.memory_space<vmem>>, vector<1x16xi32>,
    %get3A_741 = vector.shape_cast %get3A_740 : vector<1x16xi32> to vector<16xi32>
    %add3A_742 = vector.broadcast %mul3A_723 : i32 to vector<16xi32>
    %add3A_743 = arith.addi %get3A_741, %add3A_742 : vector<16xi32>
    %swap3A_744 = arith.constant 6 : i32
    %swap3A_745 = arith.index_cast %swap3A_744 : i32 to index
    %swap3A_746 = arith.constant 16 : index
    %swap3A_747 = tpu.vector_load %arg5[%swap3A_745, %swap3A_746] {strides = array<i32>} : memref<16x128xi32, #tpu.memory_space<vmem>>, vector<1x16xi32>,
    %swap3A_748 = vector.shape_cast %swap3A_747 : vector<1x16xi32> to vector<16xi32>
    %swap3A_749 = vector.shape_cast %add3A_743 : vector<16xi32> to vector<1x16xi32>
    tpu.vector_store %arg5[%swap3A_745, %swap3A_746], %swap3A_749 {strides = array<i32>} : memref<16x128xi32, #tpu.memory_space<vmem>>, vector<1x16xi32>,
    %get3A_750 = arith.constant 6 : i32
    %get3A_751 = arith.index_cast %get3A_750 : i32 to index
    %get3A_752 = arith.constant 32 : index
    %get3A_753 = tpu.vector_load %arg5[%get3A_751, %get3A_752] {strides = array<i32>} : memref<16x128xi32, #tpu.memory_space<vmem>>, vector<1x16xi32>,
    %get3A_754 = vector.shape_cast %get3A_753 : vector<1x16xi32> to vector<16xi32>
    %add3A_755 = vector.broadcast %mul3A_723 : i32 to vector<16xi32>
    %add3A_756 = arith.addi %get3A_754, %add3A_755 : vector<16xi32>
    %swap3A_757 = arith.constant 6 : i32
    %swap3A_758 = arith.index_cast %swap3A_757 : i32 to index
    %swap3A_759 = arith.constant 32 : index
    %swap3A_760 = tpu.vector_load %arg5[%swap3A_758, %swap3A_759] {strides = array<i32>} : memref<16x128xi32, #tpu.memory_space<vmem>>, vector<1x16xi32>,
    %swap3A_761 = vector.shape_cast %swap3A_760 : vector<1x16xi32> to vector<16xi32>
    %swap3A_762 = vector.shape_cast %add3A_756 : vector<16xi32> to vector<1x16xi32>
    tpu.vector_store %arg5[%swap3A_758, %swap3A_759], %swap3A_762 {strides = array<i32>} : memref<16x128xi32, #tpu.memory_space<vmem>>, vector<1x16xi32>,
    %get3A_763 = arith.constant 6 : i32
    %get3A_764 = arith.index_cast %get3A_763 : i32 to index
    %get3A_765 = arith.constant 48 : index
    %get3A_766 = tpu.vector_load %arg5[%get3A_764, %get3A_765] {strides = array<i32>} : memref<16x128xi32, #tpu.memory_space<vmem>>, vector<1x16xi32>,
    %get3A_767 = vector.shape_cast %get3A_766 : vector<1x16xi32> to vector<16xi32>
    %add3A_768 = vector.broadcast %mul3A_723 : i32 to vector<16xi32>
    %add3A_769 = arith.addi %get3A_767, %add3A_768 : vector<16xi32>
    %swap3A_770 = arith.constant 6 : i32
    %swap3A_771 = arith.index_cast %swap3A_770 : i32 to index
    %swap3A_772 = arith.constant 48 : index
    %swap3A_773 = tpu.vector_load %arg5[%swap3A_771, %swap3A_772] {strides = array<i32>} : memref<16x128xi32, #tpu.memory_space<vmem>>, vector<1x16xi32>,
    %swap3A_774 = vector.shape_cast %swap3A_773 : vector<1x16xi32> to vector<16xi32>
    %swap3A_775 = vector.shape_cast %add3A_769 : vector<16xi32> to vector<1x16xi32>
    tpu.vector_store %arg5[%swap3A_771, %swap3A_772], %swap3A_775 {strides = array<i32>} : memref<16x128xi32, #tpu.memory_space<vmem>>, vector<1x16xi32>,
    %get3A_776 = arith.constant 6 : i32
    %get3A_777 = arith.index_cast %get3A_776 : i32 to index
    %get3A_778 = arith.constant 64 : index
    %get3A_779 = tpu.vector_load %arg5[%get3A_777, %get3A_778] {strides = array<i32>} : memref<16x128xi32, #tpu.memory_space<vmem>>, vector<1x16xi32>,
    %get3A_780 = vector.shape_cast %get3A_779 : vector<1x16xi32> to vector<16xi32>
    %add3A_781 = vector.broadcast %mul3A_723 : i32 to vector<16xi32>
    %add3A_782 = arith.addi %get3A_780, %add3A_781 : vector<16xi32>
    %swap3A_783 = arith.constant 6 : i32
    %swap3A_784 = arith.index_cast %swap3A_783 : i32 to index
    %swap3A_785 = arith.constant 64 : index
    %swap3A_786 = tpu.vector_load %arg5[%swap3A_784, %swap3A_785] {strides = array<i32>} : memref<16x128xi32, #tpu.memory_space<vmem>>, vector<1x16xi32>,
    %swap3A_787 = vector.shape_cast %swap3A_786 : vector<1x16xi32> to vector<16xi32>
    %swap3A_788 = vector.shape_cast %add3A_782 : vector<16xi32> to vector<1x16xi32>
    tpu.vector_store %arg5[%swap3A_784, %swap3A_785], %swap3A_788 {strides = array<i32>} : memref<16x128xi32, #tpu.memory_space<vmem>>, vector<1x16xi32>,
    %get3A_789 = arith.constant 6 : i32
    %get3A_790 = arith.index_cast %get3A_789 : i32 to index
    %get3A_791 = arith.constant 80 : index
    %get3A_792 = tpu.vector_load %arg5[%get3A_790, %get3A_791] {strides = array<i32>} : memref<16x128xi32, #tpu.memory_space<vmem>>, vector<1x16xi32>,
    %get3A_793 = vector.shape_cast %get3A_792 : vector<1x16xi32> to vector<16xi32>
    %add3A_794 = vector.broadcast %mul3A_723 : i32 to vector<16xi32>
    %add3A_795 = arith.addi %get3A_793, %add3A_794 : vector<16xi32>
    %swap3A_796 = arith.constant 6 : i32
    %swap3A_797 = arith.index_cast %swap3A_796 : i32 to index
    %swap3A_798 = arith.constant 80 : index
    %swap3A_799 = tpu.vector_load %arg5[%swap3A_797, %swap3A_798] {strides = array<i32>} : memref<16x128xi32, #tpu.memory_space<vmem>>, vector<1x16xi32>,
    %swap3A_800 = vector.shape_cast %swap3A_799 : vector<1x16xi32> to vector<16xi32>
    %swap3A_801 = vector.shape_cast %add3A_795 : vector<16xi32> to vector<1x16xi32>
    tpu.vector_store %arg5[%swap3A_797, %swap3A_798], %swap3A_801 {strides = array<i32>} : memref<16x128xi32, #tpu.memory_space<vmem>>, vector<1x16xi32>,
    %get3A_802 = arith.constant 6 : i32
    %get3A_803 = arith.index_cast %get3A_802 : i32 to index
    %get3A_804 = arith.constant 96 : index
    %get3A_805 = tpu.vector_load %arg5[%get3A_803, %get3A_804] {strides = array<i32>} : memref<16x128xi32, #tpu.memory_space<vmem>>, vector<1x16xi32>,
    %get3A_806 = vector.shape_cast %get3A_805 : vector<1x16xi32> to vector<16xi32>
    %add3A_807 = vector.broadcast %mul3A_723 : i32 to vector<16xi32>
    %add3A_808 = arith.addi %get3A_806, %add3A_807 : vector<16xi32>
    %swap3A_809 = arith.constant 6 : i32
    %swap3A_810 = arith.index_cast %swap3A_809 : i32 to index
    %swap3A_811 = arith.constant 96 : index
    %swap3A_812 = tpu.vector_load %arg5[%swap3A_810, %swap3A_811] {strides = array<i32>} : memref<16x128xi32, #tpu.memory_space<vmem>>, vector<1x16xi32>,
    %swap3A_813 = vector.shape_cast %swap3A_812 : vector<1x16xi32> to vector<16xi32>
    %swap3A_814 = vector.shape_cast %add3A_808 : vector<16xi32> to vector<1x16xi32>
    tpu.vector_store %arg5[%swap3A_810, %swap3A_811], %swap3A_814 {strides = array<i32>} : memref<16x128xi32, #tpu.memory_space<vmem>>, vector<1x16xi32>,
    %get3A_815 = arith.constant 6 : i32
    %get3A_816 = arith.index_cast %get3A_815 : i32 to index
    %get3A_817 = arith.constant 112 : index
    %get3A_818 = tpu.vector_load %arg5[%get3A_816, %get3A_817] {strides = array<i32>} : memref<16x128xi32, #tpu.memory_space<vmem>>, vector<1x16xi32>,
    %get3A_819 = vector.shape_cast %get3A_818 : vector<1x16xi32> to vector<16xi32>
    %add3A_820 = vector.broadcast %mul3A_723 : i32 to vector<16xi32>
    %add3A_821 = arith.addi %get3A_819, %add3A_820 : vector<16xi32>
    %swap3A_822 = arith.constant 6 : i32
    %swap3A_823 = arith.index_cast %swap3A_822 : i32 to index
    %swap3A_824 = arith.constant 112 : index
    %swap3A_825 = tpu.vector_load %arg5[%swap3A_823, %swap3A_824] {strides = array<i32>} : memref<16x128xi32, #tpu.memory_space<vmem>>, vector<1x16xi32>,
    %swap3A_826 = vector.shape_cast %swap3A_825 : vector<1x16xi32> to vector<16xi32>
    %swap3A_827 = vector.shape_cast %add3A_821 : vector<16xi32> to vector<1x16xi32>
    tpu.vector_store %arg5[%swap3A_823, %swap3A_824], %swap3A_827 {strides = array<i32>} : memref<16x128xi32, #tpu.memory_space<vmem>>, vector<1x16xi32>,
    %dma_wait3A_828 = arith.constant 1 : i32
    %dma_wait3A_829 = arith.constant 0 : i32
    %dma_wait3A_830 = tpu.memref_slice %arg5[%dma_wait3A_828, %dma_wait3A_829] : memref<16x128xi32, #tpu.memory_space<vmem>> -> memref<1x128xi32, #tpu.memory_space<vmem>>
    %dma_wait3A_831 = tpu.memref_squeeze %dma_wait3A_830 : memref<1x128xi32, #tpu.memory_space<vmem>> -> memref<128xi32, #tpu.memory_space<vmem>>
    %dma_wait3A_832 = arith.constant 0 : i32
    %dma_wait3A_833 = arith.constant 0 : i32
    %dma_wait3A_834 = tpu.memref_slice %arg2[%dma_wait3A_832, %dma_wait3A_833] : memref<524288x128xf32, #tpu.memory_space<hbm>> -> memref<524288x128xf32, #tpu.memory_space<hbm>>
    tpu.wait_indirect_dma semaphore(%arg14 : memref<!tpu.dma_semaphore, #tpu.memory_space<semaphore_mem>>) src(%dma_wait3A_834 : memref<524288x128xf32, #tpu.memory_space<hbm>>) dst(%arg7 : memref<128x128xf32, #tpu.memory_space<vmem>>)
    %add3A_835 = arith.constant 1 : i32
    %add3A_836 = arith.addi %mul3A_2, %add3A_835 : i32
    %mul3A_837 = arith.constant 128 : i32
    %mul3A_838 = arith.muli %add3A_836, %mul3A_837 : i32
    %dma_start3A_839 = arith.constant 0 : i32
    %dma_start3A_840 = tpu.memref_slice %arg4[%mul3A_838, %dma_start3A_839] : memref<65536x128xf32, #tpu.memory_space<hbm>> -> memref<128x128xf32, #tpu.memory_space<hbm>>
    %dma_start3A_841 = arith.constant 0 : i32
    %dma_start3A_842 = tpu.memref_slice %arg4[%mul3A_838, %dma_start3A_841] : memref<65536x128xf32, #tpu.memory_space<hbm>> -> memref<128x128xf32, #tpu.memory_space<hbm>>
    tpu.enqueue_dma source(%arg7 : memref<128x128xf32, #tpu.memory_space<vmem>>) target(%dma_start3A_842 : memref<128x128xf32, #tpu.memory_space<hbm>>) target_semaphore(%arg21 : memref<!tpu.dma_semaphore, #tpu.memory_space<semaphore_mem>>)
    %dma_start3A_843 = arith.constant 6 : i32
    %dma_start3A_844 = arith.constant 0 : i32
    %dma_start3A_845 = tpu.memref_slice %arg5[%dma_start3A_843, %dma_start3A_844] : memref<16x128xi32, #tpu.memory_space<vmem>> -> memref<1x128xi32, #tpu.memory_space<vmem>>
    %dma_start3A_846 = tpu.memref_squeeze %dma_start3A_845 : memref<1x128xi32, #tpu.memory_space<vmem>> -> memref<128xi32, #tpu.memory_space<vmem>>
    %dma_start3A_847 = arith.constant 0 : i32
    %dma_start3A_848 = arith.constant 0 : i32
    %dma_start3A_849 = tpu.memref_slice %arg2[%dma_start3A_847, %dma_start3A_848] : memref<524288x128xf32, #tpu.memory_space<hbm>> -> memref<524288x128xf32, #tpu.memory_space<hbm>>
    tpu.enqueue_indirect_dma source(%dma_start3A_849 : memref<524288x128xf32, #tpu.memory_space<hbm>>) target(%arg12 : memref<128x128xf32, #tpu.memory_space<vmem>>) offsets(%dma_start3A_846 : memref<128xi32, #tpu.memory_space<vmem>>) semaphore(%arg19 : memref<!tpu.dma_semaphore, #tpu.memory_space<semaphore_mem>>)
    %mul3A_850 = arith.constant 4 : i32
    %mul3A_851 = arith.muli %add3A, %mul3A_850 : i32
    %add3A_852 = arith.constant 1 : i32
    %add3A_853 = arith.addi %mul3A_851, %add3A_852 : i32
    %mul3A_854 = arith.constant 4096 : i32
    %mul3A_855 = arith.muli %add3A_853, %mul3A_854 : i32
    %get3A_856 = arith.constant 7 : i32
    %get3A_857 = arith.index_cast %get3A_856 : i32 to index
    %get3A_858 = arith.constant 0 : index
    %get3A_859 = tpu.vector_load %arg5[%get3A_857, %get3A_858] {strides = array<i32>} : memref<16x128xi32, #tpu.memory_space<vmem>>, vector<1x16xi32>,
    %get3A_860 = vector.shape_cast %get3A_859 : vector<1x16xi32> to vector<16xi32>
    %add3A_861 = vector.broadcast %mul3A_855 : i32 to vector<16xi32>
    %add3A_862 = arith.addi %get3A_860, %add3A_861 : vector<16xi32>
    %swap3A_863 = arith.constant 7 : i32
    %swap3A_864 = arith.index_cast %swap3A_863 : i32 to index
    %swap3A_865 = arith.constant 0 : index
    %swap3A_866 = tpu.vector_load %arg5[%swap3A_864, %swap3A_865] {strides = array<i32>} : memref<16x128xi32, #tpu.memory_space<vmem>>, vector<1x16xi32>,
    %swap3A_867 = vector.shape_cast %swap3A_866 : vector<1x16xi32> to vector<16xi32>
    %swap3A_868 = vector.shape_cast %add3A_862 : vector<16xi32> to vector<1x16xi32>
    tpu.vector_store %arg5[%swap3A_864, %swap3A_865], %swap3A_868 {strides = array<i32>} : memref<16x128xi32, #tpu.memory_space<vmem>>, vector<1x16xi32>,
    %get3A_869 = arith.constant 7 : i32
    %get3A_870 = arith.index_cast %get3A_869 : i32 to index
    %get3A_871 = arith.constant 16 : index
    %get3A_872 = tpu.vector_load %arg5[%get3A_870, %get3A_871] {strides = array<i32>} : memref<16x128xi32, #tpu.memory_space<vmem>>, vector<1x16xi32>,
    %get3A_873 = vector.shape_cast %get3A_872 : vector<1x16xi32> to vector<16xi32>
    %add3A_874 = vector.broadcast %mul3A_855 : i32 to vector<16xi32>
    %add3A_875 = arith.addi %get3A_873, %add3A_874 : vector<16xi32>
    %swap3A_876 = arith.constant 7 : i32
    %swap3A_877 = arith.index_cast %swap3A_876 : i32 to index
    %swap3A_878 = arith.constant 16 : index
    %swap3A_879 = tpu.vector_load %arg5[%swap3A_877, %swap3A_878] {strides = array<i32>} : memref<16x128xi32, #tpu.memory_space<vmem>>, vector<1x16xi32>,
    %swap3A_880 = vector.shape_cast %swap3A_879 : vector<1x16xi32> to vector<16xi32>
    %swap3A_881 = vector.shape_cast %add3A_875 : vector<16xi32> to vector<1x16xi32>
    tpu.vector_store %arg5[%swap3A_877, %swap3A_878], %swap3A_881 {strides = array<i32>} : memref<16x128xi32, #tpu.memory_space<vmem>>, vector<1x16xi32>,
    %get3A_882 = arith.constant 7 : i32
    %get3A_883 = arith.index_cast %get3A_882 : i32 to index
    %get3A_884 = arith.constant 32 : index
    %get3A_885 = tpu.vector_load %arg5[%get3A_883, %get3A_884] {strides = array<i32>} : memref<16x128xi32, #tpu.memory_space<vmem>>, vector<1x16xi32>,
    %get3A_886 = vector.shape_cast %get3A_885 : vector<1x16xi32> to vector<16xi32>
    %add3A_887 = vector.broadcast %mul3A_855 : i32 to vector<16xi32>
    %add3A_888 = arith.addi %get3A_886, %add3A_887 : vector<16xi32>
    %swap3A_889 = arith.constant 7 : i32
    %swap3A_890 = arith.index_cast %swap3A_889 : i32 to index
    %swap3A_891 = arith.constant 32 : index
    %swap3A_892 = tpu.vector_load %arg5[%swap3A_890, %swap3A_891] {strides = array<i32>} : memref<16x128xi32, #tpu.memory_space<vmem>>, vector<1x16xi32>,
    %swap3A_893 = vector.shape_cast %swap3A_892 : vector<1x16xi32> to vector<16xi32>
    %swap3A_894 = vector.shape_cast %add3A_888 : vector<16xi32> to vector<1x16xi32>
    tpu.vector_store %arg5[%swap3A_890, %swap3A_891], %swap3A_894 {strides = array<i32>} : memref<16x128xi32, #tpu.memory_space<vmem>>, vector<1x16xi32>,
    %get3A_895 = arith.constant 7 : i32
    %get3A_896 = arith.index_cast %get3A_895 : i32 to index
    %get3A_897 = arith.constant 48 : index
    %get3A_898 = tpu.vector_load %arg5[%get3A_896, %get3A_897] {strides = array<i32>} : memref<16x128xi32, #tpu.memory_space<vmem>>, vector<1x16xi32>,
    %get3A_899 = vector.shape_cast %get3A_898 : vector<1x16xi32> to vector<16xi32>
    %add3A_900 = vector.broadcast %mul3A_855 : i32 to vector<16xi32>
    %add3A_901 = arith.addi %get3A_899, %add3A_900 : vector<16xi32>
    %swap3A_902 = arith.constant 7 : i32
    %swap3A_903 = arith.index_cast %swap3A_902 : i32 to index
    %swap3A_904 = arith.constant 48 : index
    %swap3A_905 = tpu.vector_load %arg5[%swap3A_903, %swap3A_904] {strides = array<i32>} : memref<16x128xi32, #tpu.memory_space<vmem>>, vector<1x16xi32>,
    %swap3A_906 = vector.shape_cast %swap3A_905 : vector<1x16xi32> to vector<16xi32>
    %swap3A_907 = vector.shape_cast %add3A_901 : vector<16xi32> to vector<1x16xi32>
    tpu.vector_store %arg5[%swap3A_903, %swap3A_904], %swap3A_907 {strides = array<i32>} : memref<16x128xi32, #tpu.memory_space<vmem>>, vector<1x16xi32>,
    %get3A_908 = arith.constant 7 : i32
    %get3A_909 = arith.index_cast %get3A_908 : i32 to index
    %get3A_910 = arith.constant 64 : index
    %get3A_911 = tpu.vector_load %arg5[%get3A_909, %get3A_910] {strides = array<i32>} : memref<16x128xi32, #tpu.memory_space<vmem>>, vector<1x16xi32>,
    %get3A_912 = vector.shape_cast %get3A_911 : vector<1x16xi32> to vector<16xi32>
    %add3A_913 = vector.broadcast %mul3A_855 : i32 to vector<16xi32>
    %add3A_914 = arith.addi %get3A_912, %add3A_913 : vector<16xi32>
    %swap3A_915 = arith.constant 7 : i32
    %swap3A_916 = arith.index_cast %swap3A_915 : i32 to index
    %swap3A_917 = arith.constant 64 : index
    %swap3A_918 = tpu.vector_load %arg5[%swap3A_916, %swap3A_917] {strides = array<i32>} : memref<16x128xi32, #tpu.memory_space<vmem>>, vector<1x16xi32>,
    %swap3A_919 = vector.shape_cast %swap3A_918 : vector<1x16xi32> to vector<16xi32>
    %swap3A_920 = vector.shape_cast %add3A_914 : vector<16xi32> to vector<1x16xi32>
    tpu.vector_store %arg5[%swap3A_916, %swap3A_917], %swap3A_920 {strides = array<i32>} : memref<16x128xi32, #tpu.memory_space<vmem>>, vector<1x16xi32>,
    %get3A_921 = arith.constant 7 : i32
    %get3A_922 = arith.index_cast %get3A_921 : i32 to index
    %get3A_923 = arith.constant 80 : index
    %get3A_924 = tpu.vector_load %arg5[%get3A_922, %get3A_923] {strides = array<i32>} : memref<16x128xi32, #tpu.memory_space<vmem>>, vector<1x16xi32>,
    %get3A_925 = vector.shape_cast %get3A_924 : vector<1x16xi32> to vector<16xi32>
    %add3A_926 = vector.broadcast %mul3A_855 : i32 to vector<16xi32>
    %add3A_927 = arith.addi %get3A_925, %add3A_926 : vector<16xi32>
    %swap3A_928 = arith.constant 7 : i32
    %swap3A_929 = arith.index_cast %swap3A_928 : i32 to index
    %swap3A_930 = arith.constant 80 : index
    %swap3A_931 = tpu.vector_load %arg5[%swap3A_929, %swap3A_930] {strides = array<i32>} : memref<16x128xi32, #tpu.memory_space<vmem>>, vector<1x16xi32>,
    %swap3A_932 = vector.shape_cast %swap3A_931 : vector<1x16xi32> to vector<16xi32>
    %swap3A_933 = vector.shape_cast %add3A_927 : vector<16xi32> to vector<1x16xi32>
    tpu.vector_store %arg5[%swap3A_929, %swap3A_930], %swap3A_933 {strides = array<i32>} : memref<16x128xi32, #tpu.memory_space<vmem>>, vector<1x16xi32>,
    %get3A_934 = arith.constant 7 : i32
    %get3A_935 = arith.index_cast %get3A_934 : i32 to index
    %get3A_936 = arith.constant 96 : index
    %get3A_937 = tpu.vector_load %arg5[%get3A_935, %get3A_936] {strides = array<i32>} : memref<16x128xi32, #tpu.memory_space<vmem>>, vector<1x16xi32>,
    %get3A_938 = vector.shape_cast %get3A_937 : vector<1x16xi32> to vector<16xi32>
    %add3A_939 = vector.broadcast %mul3A_855 : i32 to vector<16xi32>
    %add3A_940 = arith.addi %get3A_938, %add3A_939 : vector<16xi32>
    %swap3A_941 = arith.constant 7 : i32
    %swap3A_942 = arith.index_cast %swap3A_941 : i32 to index
    %swap3A_943 = arith.constant 96 : index
    %swap3A_944 = tpu.vector_load %arg5[%swap3A_942, %swap3A_943] {strides = array<i32>} : memref<16x128xi32, #tpu.memory_space<vmem>>, vector<1x16xi32>,
    %swap3A_945 = vector.shape_cast %swap3A_944 : vector<1x16xi32> to vector<16xi32>
    %swap3A_946 = vector.shape_cast %add3A_940 : vector<16xi32> to vector<1x16xi32>
    tpu.vector_store %arg5[%swap3A_942, %swap3A_943], %swap3A_946 {strides = array<i32>} : memref<16x128xi32, #tpu.memory_space<vmem>>, vector<1x16xi32>,
    %get3A_947 = arith.constant 7 : i32
    %get3A_948 = arith.index_cast %get3A_947 : i32 to index
    %get3A_949 = arith.constant 112 : index
    %get3A_950 = tpu.vector_load %arg5[%get3A_948, %get3A_949] {strides = array<i32>} : memref<16x128xi32, #tpu.memory_space<vmem>>, vector<1x16xi32>,
    %get3A_951 = vector.shape_cast %get3A_950 : vector<1x16xi32> to vector<16xi32>
    %add3A_952 = vector.broadcast %mul3A_855 : i32 to vector<16xi32>
    %add3A_953 = arith.addi %get3A_951, %add3A_952 : vector<16xi32>
    %swap3A_954 = arith.constant 7 : i32
    %swap3A_955 = arith.index_cast %swap3A_954 : i32 to index
    %swap3A_956 = arith.constant 112 : index
    %swap3A_957 = tpu.vector_load %arg5[%swap3A_955, %swap3A_956] {strides = array<i32>} : memref<16x128xi32, #tpu.memory_space<vmem>>, vector<1x16xi32>,
    %swap3A_958 = vector.shape_cast %swap3A_957 : vector<1x16xi32> to vector<16xi32>
    %swap3A_959 = vector.shape_cast %add3A_953 : vector<16xi32> to vector<1x16xi32>
    tpu.vector_store %arg5[%swap3A_955, %swap3A_956], %swap3A_959 {strides = array<i32>} : memref<16x128xi32, #tpu.memory_space<vmem>>, vector<1x16xi32>,
    %dma_wait3A_960 = arith.constant 2 : i32
    %dma_wait3A_961 = arith.constant 0 : i32
    %dma_wait3A_962 = tpu.memref_slice %arg5[%dma_wait3A_960, %dma_wait3A_961] : memref<16x128xi32, #tpu.memory_space<vmem>> -> memref<1x128xi32, #tpu.memory_space<vmem>>
    %dma_wait3A_963 = tpu.memref_squeeze %dma_wait3A_962 : memref<1x128xi32, #tpu.memory_space<vmem>> -> memref<128xi32, #tpu.memory_space<vmem>>
    %dma_wait3A_964 = arith.constant 0 : i32
    %dma_wait3A_965 = arith.constant 0 : i32
    %dma_wait3A_966 = tpu.memref_slice %arg2[%dma_wait3A_964, %dma_wait3A_965] : memref<524288x128xf32, #tpu.memory_space<hbm>> -> memref<524288x128xf32, #tpu.memory_space<hbm>>
    tpu.wait_indirect_dma semaphore(%arg15 : memref<!tpu.dma_semaphore, #tpu.memory_space<semaphore_mem>>) src(%dma_wait3A_966 : memref<524288x128xf32, #tpu.memory_space<hbm>>) dst(%arg8 : memref<128x128xf32, #tpu.memory_space<vmem>>)
    %add3A_967 = arith.constant 2 : i32
    %add3A_968 = arith.addi %mul3A_2, %add3A_967 : i32
    %mul3A_969 = arith.constant 128 : i32
    %mul3A_970 = arith.muli %add3A_968, %mul3A_969 : i32
    %dma_start3A_971 = arith.constant 0 : i32
    %dma_start3A_972 = tpu.memref_slice %arg4[%mul3A_970, %dma_start3A_971] : memref<65536x128xf32, #tpu.memory_space<hbm>> -> memref<128x128xf32, #tpu.memory_space<hbm>>
    %dma_start3A_973 = arith.constant 0 : i32
    %dma_start3A_974 = tpu.memref_slice %arg4[%mul3A_970, %dma_start3A_973] : memref<65536x128xf32, #tpu.memory_space<hbm>> -> memref<128x128xf32, #tpu.memory_space<hbm>>
    tpu.enqueue_dma source(%arg8 : memref<128x128xf32, #tpu.memory_space<vmem>>) target(%dma_start3A_974 : memref<128x128xf32, #tpu.memory_space<hbm>>) target_semaphore(%arg22 : memref<!tpu.dma_semaphore, #tpu.memory_space<semaphore_mem>>)
    %dma_wait3A_975 = arith.constant 0 : i32
    %dma_wait3A_976 = tpu.memref_slice %arg4[%mul3A_706, %dma_wait3A_975] : memref<65536x128xf32, #tpu.memory_space<hbm>> -> memref<128x128xf32, #tpu.memory_space<hbm>>
    %dma_wait3A_977 = arith.constant 0 : i32
    %dma_wait3A_978 = tpu.memref_slice %arg4[%mul3A_706, %dma_wait3A_977] : memref<65536x128xf32, #tpu.memory_space<hbm>> -> memref<128x128xf32, #tpu.memory_space<hbm>>
    tpu.wait_dma2 semaphore(%arg20 : memref<!tpu.dma_semaphore, #tpu.memory_space<semaphore_mem>>) src(%arg6 : memref<128x128xf32, #tpu.memory_space<vmem>>) dst(%dma_wait3A_978 : memref<128x128xf32, #tpu.memory_space<hbm>>)
    %dma_start3A_979 = arith.constant 7 : i32
    %dma_start3A_980 = arith.constant 0 : i32
    %dma_start3A_981 = tpu.memref_slice %arg5[%dma_start3A_979, %dma_start3A_980] : memref<16x128xi32, #tpu.memory_space<vmem>> -> memref<1x128xi32, #tpu.memory_space<vmem>>
    %dma_start3A_982 = tpu.memref_squeeze %dma_start3A_981 : memref<1x128xi32, #tpu.memory_space<vmem>> -> memref<128xi32, #tpu.memory_space<vmem>>
    %dma_start3A_983 = arith.constant 0 : i32
    %dma_start3A_984 = arith.constant 0 : i32
    %dma_start3A_985 = tpu.memref_slice %arg2[%dma_start3A_983, %dma_start3A_984] : memref<524288x128xf32, #tpu.memory_space<hbm>> -> memref<524288x128xf32, #tpu.memory_space<hbm>>
    tpu.enqueue_indirect_dma source(%dma_start3A_985 : memref<524288x128xf32, #tpu.memory_space<hbm>>) target(%arg6 : memref<128x128xf32, #tpu.memory_space<vmem>>) offsets(%dma_start3A_982 : memref<128xi32, #tpu.memory_space<vmem>>) semaphore(%arg13 : memref<!tpu.dma_semaphore, #tpu.memory_space<semaphore_mem>>)
    %mul3A_986 = arith.constant 4 : i32
    %mul3A_987 = arith.muli %add3A, %mul3A_986 : i32
    %add3A_988 = arith.constant 2 : i32
    %add3A_989 = arith.addi %mul3A_987, %add3A_988 : i32
    %mul3A_990 = arith.constant 4096 : i32
    %mul3A_991 = arith.muli %add3A_989, %mul3A_990 : i32
    %get3A_992 = arith.constant 8 : i32
    %get3A_993 = arith.index_cast %get3A_992 : i32 to index
    %get3A_994 = arith.constant 0 : index
    %get3A_995 = tpu.vector_load %arg5[%get3A_993, %get3A_994] {strides = array<i32>} : memref<16x128xi32, #tpu.memory_space<vmem>>, vector<1x16xi32>,
    %get3A_996 = vector.shape_cast %get3A_995 : vector<1x16xi32> to vector<16xi32>
    %add3A_997 = vector.broadcast %mul3A_991 : i32 to vector<16xi32>
    %add3A_998 = arith.addi %get3A_996, %add3A_997 : vector<16xi32>
    %swap3A_999 = arith.constant 8 : i32
    %swap3A_1000 = arith.index_cast %swap3A_999 : i32 to index
    %swap3A_1001 = arith.constant 0 : index
    %swap3A_1002 = tpu.vector_load %arg5[%swap3A_1000, %swap3A_1001] {strides = array<i32>} : memref<16x128xi32, #tpu.memory_space<vmem>>, vector<1x16xi32>,
    %swap3A_1003 = vector.shape_cast %swap3A_1002 : vector<1x16xi32> to vector<16xi32>
    %swap3A_1004 = vector.shape_cast %add3A_998 : vector<16xi32> to vector<1x16xi32>
    tpu.vector_store %arg5[%swap3A_1000, %swap3A_1001], %swap3A_1004 {strides = array<i32>} : memref<16x128xi32, #tpu.memory_space<vmem>>, vector<1x16xi32>,
    %get3A_1005 = arith.constant 8 : i32
    %get3A_1006 = arith.index_cast %get3A_1005 : i32 to index
    %get3A_1007 = arith.constant 16 : index
    %get3A_1008 = tpu.vector_load %arg5[%get3A_1006, %get3A_1007] {strides = array<i32>} : memref<16x128xi32, #tpu.memory_space<vmem>>, vector<1x16xi32>,
    %get3A_1009 = vector.shape_cast %get3A_1008 : vector<1x16xi32> to vector<16xi32>
    %add3A_1010 = vector.broadcast %mul3A_991 : i32 to vector<16xi32>
    %add3A_1011 = arith.addi %get3A_1009, %add3A_1010 : vector<16xi32>
    %swap3A_1012 = arith.constant 8 : i32
    %swap3A_1013 = arith.index_cast %swap3A_1012 : i32 to index
    %swap3A_1014 = arith.constant 16 : index
    %swap3A_1015 = tpu.vector_load %arg5[%swap3A_1013, %swap3A_1014] {strides = array<i32>} : memref<16x128xi32, #tpu.memory_space<vmem>>, vector<1x16xi32>,
    %swap3A_1016 = vector.shape_cast %swap3A_1015 : vector<1x16xi32> to vector<16xi32>
    %swap3A_1017 = vector.shape_cast %add3A_1011 : vector<16xi32> to vector<1x16xi32>
    tpu.vector_store %arg5[%swap3A_1013, %swap3A_1014], %swap3A_1017 {strides = array<i32>} : memref<16x128xi32, #tpu.memory_space<vmem>>, vector<1x16xi32>,
    %get3A_1018 = arith.constant 8 : i32
    %get3A_1019 = arith.index_cast %get3A_1018 : i32 to index
    %get3A_1020 = arith.constant 32 : index
    %get3A_1021 = tpu.vector_load %arg5[%get3A_1019, %get3A_1020] {strides = array<i32>} : memref<16x128xi32, #tpu.memory_space<vmem>>, vector<1x16xi32>,
    %get3A_1022 = vector.shape_cast %get3A_1021 : vector<1x16xi32> to vector<16xi32>
    %add3A_1023 = vector.broadcast %mul3A_991 : i32 to vector<16xi32>
    %add3A_1024 = arith.addi %get3A_1022, %add3A_1023 : vector<16xi32>
    %swap3A_1025 = arith.constant 8 : i32
    %swap3A_1026 = arith.index_cast %swap3A_1025 : i32 to index
    %swap3A_1027 = arith.constant 32 : index
    %swap3A_1028 = tpu.vector_load %arg5[%swap3A_1026, %swap3A_1027] {strides = array<i32>} : memref<16x128xi32, #tpu.memory_space<vmem>>, vector<1x16xi32>,
    %swap3A_1029 = vector.shape_cast %swap3A_1028 : vector<1x16xi32> to vector<16xi32>
    %swap3A_1030 = vector.shape_cast %add3A_1024 : vector<16xi32> to vector<1x16xi32>
    tpu.vector_store %arg5[%swap3A_1026, %swap3A_1027], %swap3A_1030 {strides = array<i32>} : memref<16x128xi32, #tpu.memory_space<vmem>>, vector<1x16xi32>,
    %get3A_1031 = arith.constant 8 : i32
    %get3A_1032 = arith.index_cast %get3A_1031 : i32 to index
    %get3A_1033 = arith.constant 48 : index
    %get3A_1034 = tpu.vector_load %arg5[%get3A_1032, %get3A_1033] {strides = array<i32>} : memref<16x128xi32, #tpu.memory_space<vmem>>, vector<1x16xi32>,
    %get3A_1035 = vector.shape_cast %get3A_1034 : vector<1x16xi32> to vector<16xi32>
    %add3A_1036 = vector.broadcast %mul3A_991 : i32 to vector<16xi32>
    %add3A_1037 = arith.addi %get3A_1035, %add3A_1036 : vector<16xi32>
    %swap3A_1038 = arith.constant 8 : i32
    %swap3A_1039 = arith.index_cast %swap3A_1038 : i32 to index
    %swap3A_1040 = arith.constant 48 : index
    %swap3A_1041 = tpu.vector_load %arg5[%swap3A_1039, %swap3A_1040] {strides = array<i32>} : memref<16x128xi32, #tpu.memory_space<vmem>>, vector<1x16xi32>,
    %swap3A_1042 = vector.shape_cast %swap3A_1041 : vector<1x16xi32> to vector<16xi32>
    %swap3A_1043 = vector.shape_cast %add3A_1037 : vector<16xi32> to vector<1x16xi32>
    tpu.vector_store %arg5[%swap3A_1039, %swap3A_1040], %swap3A_1043 {strides = array<i32>} : memref<16x128xi32, #tpu.memory_space<vmem>>, vector<1x16xi32>,
    %get3A_1044 = arith.constant 8 : i32
    %get3A_1045 = arith.index_cast %get3A_1044 : i32 to index
    %get3A_1046 = arith.constant 64 : index
    %get3A_1047 = tpu.vector_load %arg5[%get3A_1045, %get3A_1046] {strides = array<i32>} : memref<16x128xi32, #tpu.memory_space<vmem>>, vector<1x16xi32>,
    %get3A_1048 = vector.shape_cast %get3A_1047 : vector<1x16xi32> to vector<16xi32>
    %add3A_1049 = vector.broadcast %mul3A_991 : i32 to vector<16xi32>
    %add3A_1050 = arith.addi %get3A_1048, %add3A_1049 : vector<16xi32>
    %swap3A_1051 = arith.constant 8 : i32
    %swap3A_1052 = arith.index_cast %swap3A_1051 : i32 to index
    %swap3A_1053 = arith.constant 64 : index
    %swap3A_1054 = tpu.vector_load %arg5[%swap3A_1052, %swap3A_1053] {strides = array<i32>} : memref<16x128xi32, #tpu.memory_space<vmem>>, vector<1x16xi32>,
    %swap3A_1055 = vector.shape_cast %swap3A_1054 : vector<1x16xi32> to vector<16xi32>
    %swap3A_1056 = vector.shape_cast %add3A_1050 : vector<16xi32> to vector<1x16xi32>
    tpu.vector_store %arg5[%swap3A_1052, %swap3A_1053], %swap3A_1056 {strides = array<i32>} : memref<16x128xi32, #tpu.memory_space<vmem>>, vector<1x16xi32>,
    %get3A_1057 = arith.constant 8 : i32
    %get3A_1058 = arith.index_cast %get3A_1057 : i32 to index
    %get3A_1059 = arith.constant 80 : index
    %get3A_1060 = tpu.vector_load %arg5[%get3A_1058, %get3A_1059] {strides = array<i32>} : memref<16x128xi32, #tpu.memory_space<vmem>>, vector<1x16xi32>,
    %get3A_1061 = vector.shape_cast %get3A_1060 : vector<1x16xi32> to vector<16xi32>
    %add3A_1062 = vector.broadcast %mul3A_991 : i32 to vector<16xi32>
    %add3A_1063 = arith.addi %get3A_1061, %add3A_1062 : vector<16xi32>
    %swap3A_1064 = arith.constant 8 : i32
    %swap3A_1065 = arith.index_cast %swap3A_1064 : i32 to index
    %swap3A_1066 = arith.constant 80 : index
    %swap3A_1067 = tpu.vector_load %arg5[%swap3A_1065, %swap3A_1066] {strides = array<i32>} : memref<16x128xi32, #tpu.memory_space<vmem>>, vector<1x16xi32>,
    %swap3A_1068 = vector.shape_cast %swap3A_1067 : vector<1x16xi32> to vector<16xi32>
    %swap3A_1069 = vector.shape_cast %add3A_1063 : vector<16xi32> to vector<1x16xi32>
    tpu.vector_store %arg5[%swap3A_1065, %swap3A_1066], %swap3A_1069 {strides = array<i32>} : memref<16x128xi32, #tpu.memory_space<vmem>>, vector<1x16xi32>,
    %get3A_1070 = arith.constant 8 : i32
    %get3A_1071 = arith.index_cast %get3A_1070 : i32 to index
    %get3A_1072 = arith.constant 96 : index
    %get3A_1073 = tpu.vector_load %arg5[%get3A_1071, %get3A_1072] {strides = array<i32>} : memref<16x128xi32, #tpu.memory_space<vmem>>, vector<1x16xi32>,
    %get3A_1074 = vector.shape_cast %get3A_1073 : vector<1x16xi32> to vector<16xi32>
    %add3A_1075 = vector.broadcast %mul3A_991 : i32 to vector<16xi32>
    %add3A_1076 = arith.addi %get3A_1074, %add3A_1075 : vector<16xi32>
    %swap3A_1077 = arith.constant 8 : i32
    %swap3A_1078 = arith.index_cast %swap3A_1077 : i32 to index
    %swap3A_1079 = arith.constant 96 : index
    %swap3A_1080 = tpu.vector_load %arg5[%swap3A_1078, %swap3A_1079] {strides = array<i32>} : memref<16x128xi32, #tpu.memory_space<vmem>>, vector<1x16xi32>,
    %swap3A_1081 = vector.shape_cast %swap3A_1080 : vector<1x16xi32> to vector<16xi32>
    %swap3A_1082 = vector.shape_cast %add3A_1076 : vector<16xi32> to vector<1x16xi32>
    tpu.vector_store %arg5[%swap3A_1078, %swap3A_1079], %swap3A_1082 {strides = array<i32>} : memref<16x128xi32, #tpu.memory_space<vmem>>, vector<1x16xi32>,
    %get3A_1083 = arith.constant 8 : i32
    %get3A_1084 = arith.index_cast %get3A_1083 : i32 to index
    %get3A_1085 = arith.constant 112 : index
    %get3A_1086 = tpu.vector_load %arg5[%get3A_1084, %get3A_1085] {strides = array<i32>} : memref<16x128xi32, #tpu.memory_space<vmem>>, vector<1x16xi32>,
    %get3A_1087 = vector.shape_cast %get3A_1086 : vector<1x16xi32> to vector<16xi32>
    %add3A_1088 = vector.broadcast %mul3A_991 : i32 to vector<16xi32>
    %add3A_1089 = arith.addi %get3A_1087, %add3A_1088 : vector<16xi32>
    %swap3A_1090 = arith.constant 8 : i32
    %swap3A_1091 = arith.index_cast %swap3A_1090 : i32 to index
    %swap3A_1092 = arith.constant 112 : index
    %swap3A_1093 = tpu.vector_load %arg5[%swap3A_1091, %swap3A_1092] {strides = array<i32>} : memref<16x128xi32, #tpu.memory_space<vmem>>, vector<1x16xi32>,
    %swap3A_1094 = vector.shape_cast %swap3A_1093 : vector<1x16xi32> to vector<16xi32>
    %swap3A_1095 = vector.shape_cast %add3A_1089 : vector<16xi32> to vector<1x16xi32>
    tpu.vector_store %arg5[%swap3A_1091, %swap3A_1092], %swap3A_1095 {strides = array<i32>} : memref<16x128xi32, #tpu.memory_space<vmem>>, vector<1x16xi32>,
    %dma_wait3A_1096 = arith.constant 3 : i32
    %dma_wait3A_1097 = arith.constant 0 : i32
    %dma_wait3A_1098 = tpu.memref_slice %arg5[%dma_wait3A_1096, %dma_wait3A_1097] : memref<16x128xi32, #tpu.memory_space<vmem>> -> memref<1x128xi32, #tpu.memory_space<vmem>>
    %dma_wait3A_1099 = tpu.memref_squeeze %dma_wait3A_1098 : memref<1x128xi32, #tpu.memory_space<vmem>> -> memref<128xi32, #tpu.memory_space<vmem>>
    %dma_wait3A_1100 = arith.constant 0 : i32
    %dma_wait3A_1101 = arith.constant 0 : i32
    %dma_wait3A_1102 = tpu.memref_slice %arg2[%dma_wait3A_1100, %dma_wait3A_1101] : memref<524288x128xf32, #tpu.memory_space<hbm>> -> memref<524288x128xf32, #tpu.memory_space<hbm>>
    tpu.wait_indirect_dma semaphore(%arg16 : memref<!tpu.dma_semaphore, #tpu.memory_space<semaphore_mem>>) src(%dma_wait3A_1102 : memref<524288x128xf32, #tpu.memory_space<hbm>>) dst(%arg9 : memref<128x128xf32, #tpu.memory_space<vmem>>)
    %add3A_1103 = arith.constant 3 : i32
    %add3A_1104 = arith.addi %mul3A_2, %add3A_1103 : i32
    %mul3A_1105 = arith.constant 128 : i32
    %mul3A_1106 = arith.muli %add3A_1104, %mul3A_1105 : i32
    %dma_start3A_1107 = arith.constant 0 : i32
    %dma_start3A_1108 = tpu.memref_slice %arg4[%mul3A_1106, %dma_start3A_1107] : memref<65536x128xf32, #tpu.memory_space<hbm>> -> memref<128x128xf32, #tpu.memory_space<hbm>>
    %dma_start3A_1109 = arith.constant 0 : i32
    %dma_start3A_1110 = tpu.memref_slice %arg4[%mul3A_1106, %dma_start3A_1109] : memref<65536x128xf32, #tpu.memory_space<hbm>> -> memref<128x128xf32, #tpu.memory_space<hbm>>
    tpu.enqueue_dma source(%arg9 : memref<128x128xf32, #tpu.memory_space<vmem>>) target(%dma_start3A_1110 : memref<128x128xf32, #tpu.memory_space<hbm>>) target_semaphore(%arg23 : memref<!tpu.dma_semaphore, #tpu.memory_space<semaphore_mem>>)
    %dma_wait3A_1111 = arith.constant 0 : i32
    %dma_wait3A_1112 = tpu.memref_slice %arg4[%mul3A_838, %dma_wait3A_1111] : memref<65536x128xf32, #tpu.memory_space<hbm>> -> memref<128x128xf32, #tpu.memory_space<hbm>>
    %dma_wait3A_1113 = arith.constant 0 : i32
    %dma_wait3A_1114 = tpu.memref_slice %arg4[%mul3A_838, %dma_wait3A_1113] : memref<65536x128xf32, #tpu.memory_space<hbm>> -> memref<128x128xf32, #tpu.memory_space<hbm>>
    tpu.wait_dma2 semaphore(%arg21 : memref<!tpu.dma_semaphore, #tpu.memory_space<semaphore_mem>>) src(%arg7 : memref<128x128xf32, #tpu.memory_space<vmem>>) dst(%dma_wait3A_1114 : memref<128x128xf32, #tpu.memory_space<hbm>>)
    %dma_start3A_1115 = arith.constant 8 : i32
    %dma_start3A_1116 = arith.constant 0 : i32
    %dma_start3A_1117 = tpu.memref_slice %arg5[%dma_start3A_1115, %dma_start3A_1116] : memref<16x128xi32, #tpu.memory_space<vmem>> -> memref<1x128xi32, #tpu.memory_space<vmem>>
    %dma_start3A_1118 = tpu.memref_squeeze %dma_start3A_1117 : memref<1x128xi32, #tpu.memory_space<vmem>> -> memref<128xi32, #tpu.memory_space<vmem>>
    %dma_start3A_1119 = arith.constant 0 : i32
    %dma_start3A_1120 = arith.constant 0 : i32
    %dma_start3A_1121 = tpu.memref_slice %arg2[%dma_start3A_1119, %dma_start3A_1120] : memref<524288x128xf32, #tpu.memory_space<hbm>> -> memref<524288x128xf32, #tpu.memory_space<hbm>>
    tpu.enqueue_indirect_dma source(%dma_start3A_1121 : memref<524288x128xf32, #tpu.memory_space<hbm>>) target(%arg7 : memref<128x128xf32, #tpu.memory_space<vmem>>) offsets(%dma_start3A_1118 : memref<128xi32, #tpu.memory_space<vmem>>) semaphore(%arg14 : memref<!tpu.dma_semaphore, #tpu.memory_space<semaphore_mem>>)
    %mul3A_1122 = arith.constant 4 : i32
    %mul3A_1123 = arith.muli %add3A, %mul3A_1122 : i32
    %add3A_1124 = arith.constant 2 : i32
    %add3A_1125 = arith.addi %mul3A_1123, %add3A_1124 : i32
    %mul3A_1126 = arith.constant 4096 : i32
    %mul3A_1127 = arith.muli %add3A_1125, %mul3A_1126 : i32
    %get3A_1128 = arith.constant 9 : i32
    %get3A_1129 = arith.index_cast %get3A_1128 : i32 to index
    %get3A_1130 = arith.constant 0 : index
    %get3A_1131 = tpu.vector_load %arg5[%get3A_1129, %get3A_1130] {strides = array<i32>} : memref<16x128xi32, #tpu.memory_space<vmem>>, vector<1x16xi32>,
    %get3A_1132 = vector.shape_cast %get3A_1131 : vector<1x16xi32> to vector<16xi32>
    %add3A_1133 = vector.broadcast %mul3A_1127 : i32 to vector<16xi32>
    %add3A_1134 = arith.addi %get3A_1132, %add3A_1133 : vector<16xi32>
    %swap3A_1135 = arith.constant 9 : i32
    %swap3A_1136 = arith.index_cast %swap3A_1135 : i32 to index
    %swap3A_1137 = arith.constant 0 : index
    %swap3A_1138 = tpu.vector_load %arg5[%swap3A_1136, %swap3A_1137] {strides = array<i32>} : memref<16x128xi32, #tpu.memory_space<vmem>>, vector<1x16xi32>,
    %swap3A_1139 = vector.shape_cast %swap3A_1138 : vector<1x16xi32> to vector<16xi32>
    %swap3A_1140 = vector.shape_cast %add3A_1134 : vector<16xi32> to vector<1x16xi32>
    tpu.vector_store %arg5[%swap3A_1136, %swap3A_1137], %swap3A_1140 {strides = array<i32>} : memref<16x128xi32, #tpu.memory_space<vmem>>, vector<1x16xi32>,
    %get3A_1141 = arith.constant 9 : i32
    %get3A_1142 = arith.index_cast %get3A_1141 : i32 to index
    %get3A_1143 = arith.constant 16 : index
    %get3A_1144 = tpu.vector_load %arg5[%get3A_1142, %get3A_1143] {strides = array<i32>} : memref<16x128xi32, #tpu.memory_space<vmem>>, vector<1x16xi32>,
    %get3A_1145 = vector.shape_cast %get3A_1144 : vector<1x16xi32> to vector<16xi32>
    %add3A_1146 = vector.broadcast %mul3A_1127 : i32 to vector<16xi32>
    %add3A_1147 = arith.addi %get3A_1145, %add3A_1146 : vector<16xi32>
    %swap3A_1148 = arith.constant 9 : i32
    %swap3A_1149 = arith.index_cast %swap3A_1148 : i32 to index
    %swap3A_1150 = arith.constant 16 : index
    %swap3A_1151 = tpu.vector_load %arg5[%swap3A_1149, %swap3A_1150] {strides = array<i32>} : memref<16x128xi32, #tpu.memory_space<vmem>>, vector<1x16xi32>,
    %swap3A_1152 = vector.shape_cast %swap3A_1151 : vector<1x16xi32> to vector<16xi32>
    %swap3A_1153 = vector.shape_cast %add3A_1147 : vector<16xi32> to vector<1x16xi32>
    tpu.vector_store %arg5[%swap3A_1149, %swap3A_1150], %swap3A_1153 {strides = array<i32>} : memref<16x128xi32, #tpu.memory_space<vmem>>, vector<1x16xi32>,
    %get3A_1154 = arith.constant 9 : i32
    %get3A_1155 = arith.index_cast %get3A_1154 : i32 to index
    %get3A_1156 = arith.constant 32 : index
    %get3A_1157 = tpu.vector_load %arg5[%get3A_1155, %get3A_1156] {strides = array<i32>} : memref<16x128xi32, #tpu.memory_space<vmem>>, vector<1x16xi32>,
    %get3A_1158 = vector.shape_cast %get3A_1157 : vector<1x16xi32> to vector<16xi32>
    %add3A_1159 = vector.broadcast %mul3A_1127 : i32 to vector<16xi32>
    %add3A_1160 = arith.addi %get3A_1158, %add3A_1159 : vector<16xi32>
    %swap3A_1161 = arith.constant 9 : i32
    %swap3A_1162 = arith.index_cast %swap3A_1161 : i32 to index
    %swap3A_1163 = arith.constant 32 : index
    %swap3A_1164 = tpu.vector_load %arg5[%swap3A_1162, %swap3A_1163] {strides = array<i32>} : memref<16x128xi32, #tpu.memory_space<vmem>>, vector<1x16xi32>,
    %swap3A_1165 = vector.shape_cast %swap3A_1164 : vector<1x16xi32> to vector<16xi32>
    %swap3A_1166 = vector.shape_cast %add3A_1160 : vector<16xi32> to vector<1x16xi32>
    tpu.vector_store %arg5[%swap3A_1162, %swap3A_1163], %swap3A_1166 {strides = array<i32>} : memref<16x128xi32, #tpu.memory_space<vmem>>, vector<1x16xi32>,
    %get3A_1167 = arith.constant 9 : i32
    %get3A_1168 = arith.index_cast %get3A_1167 : i32 to index
    %get3A_1169 = arith.constant 48 : index
    %get3A_1170 = tpu.vector_load %arg5[%get3A_1168, %get3A_1169] {strides = array<i32>} : memref<16x128xi32, #tpu.memory_space<vmem>>, vector<1x16xi32>,
    %get3A_1171 = vector.shape_cast %get3A_1170 : vector<1x16xi32> to vector<16xi32>
    %add3A_1172 = vector.broadcast %mul3A_1127 : i32 to vector<16xi32>
    %add3A_1173 = arith.addi %get3A_1171, %add3A_1172 : vector<16xi32>
    %swap3A_1174 = arith.constant 9 : i32
    %swap3A_1175 = arith.index_cast %swap3A_1174 : i32 to index
    %swap3A_1176 = arith.constant 48 : index
    %swap3A_1177 = tpu.vector_load %arg5[%swap3A_1175, %swap3A_1176] {strides = array<i32>} : memref<16x128xi32, #tpu.memory_space<vmem>>, vector<1x16xi32>,
    %swap3A_1178 = vector.shape_cast %swap3A_1177 : vector<1x16xi32> to vector<16xi32>
    %swap3A_1179 = vector.shape_cast %add3A_1173 : vector<16xi32> to vector<1x16xi32>
    tpu.vector_store %arg5[%swap3A_1175, %swap3A_1176], %swap3A_1179 {strides = array<i32>} : memref<16x128xi32, #tpu.memory_space<vmem>>, vector<1x16xi32>,
    %get3A_1180 = arith.constant 9 : i32
    %get3A_1181 = arith.index_cast %get3A_1180 : i32 to index
    %get3A_1182 = arith.constant 64 : index
    %get3A_1183 = tpu.vector_load %arg5[%get3A_1181, %get3A_1182] {strides = array<i32>} : memref<16x128xi32, #tpu.memory_space<vmem>>, vector<1x16xi32>,
    %get3A_1184 = vector.shape_cast %get3A_1183 : vector<1x16xi32> to vector<16xi32>
    %add3A_1185 = vector.broadcast %mul3A_1127 : i32 to vector<16xi32>
    %add3A_1186 = arith.addi %get3A_1184, %add3A_1185 : vector<16xi32>
    %swap3A_1187 = arith.constant 9 : i32
    %swap3A_1188 = arith.index_cast %swap3A_1187 : i32 to index
    %swap3A_1189 = arith.constant 64 : index
    %swap3A_1190 = tpu.vector_load %arg5[%swap3A_1188, %swap3A_1189] {strides = array<i32>} : memref<16x128xi32, #tpu.memory_space<vmem>>, vector<1x16xi32>,
    %swap3A_1191 = vector.shape_cast %swap3A_1190 : vector<1x16xi32> to vector<16xi32>
    %swap3A_1192 = vector.shape_cast %add3A_1186 : vector<16xi32> to vector<1x16xi32>
    tpu.vector_store %arg5[%swap3A_1188, %swap3A_1189], %swap3A_1192 {strides = array<i32>} : memref<16x128xi32, #tpu.memory_space<vmem>>, vector<1x16xi32>,
    %get3A_1193 = arith.constant 9 : i32
    %get3A_1194 = arith.index_cast %get3A_1193 : i32 to index
    %get3A_1195 = arith.constant 80 : index
    %get3A_1196 = tpu.vector_load %arg5[%get3A_1194, %get3A_1195] {strides = array<i32>} : memref<16x128xi32, #tpu.memory_space<vmem>>, vector<1x16xi32>,
    %get3A_1197 = vector.shape_cast %get3A_1196 : vector<1x16xi32> to vector<16xi32>
    %add3A_1198 = vector.broadcast %mul3A_1127 : i32 to vector<16xi32>
    %add3A_1199 = arith.addi %get3A_1197, %add3A_1198 : vector<16xi32>
    %swap3A_1200 = arith.constant 9 : i32
    %swap3A_1201 = arith.index_cast %swap3A_1200 : i32 to index
    %swap3A_1202 = arith.constant 80 : index
    %swap3A_1203 = tpu.vector_load %arg5[%swap3A_1201, %swap3A_1202] {strides = array<i32>} : memref<16x128xi32, #tpu.memory_space<vmem>>, vector<1x16xi32>,
    %swap3A_1204 = vector.shape_cast %swap3A_1203 : vector<1x16xi32> to vector<16xi32>
    %swap3A_1205 = vector.shape_cast %add3A_1199 : vector<16xi32> to vector<1x16xi32>
    tpu.vector_store %arg5[%swap3A_1201, %swap3A_1202], %swap3A_1205 {strides = array<i32>} : memref<16x128xi32, #tpu.memory_space<vmem>>, vector<1x16xi32>,
    %get3A_1206 = arith.constant 9 : i32
    %get3A_1207 = arith.index_cast %get3A_1206 : i32 to index
    %get3A_1208 = arith.constant 96 : index
    %get3A_1209 = tpu.vector_load %arg5[%get3A_1207, %get3A_1208] {strides = array<i32>} : memref<16x128xi32, #tpu.memory_space<vmem>>, vector<1x16xi32>,
    %get3A_1210 = vector.shape_cast %get3A_1209 : vector<1x16xi32> to vector<16xi32>
    %add3A_1211 = vector.broadcast %mul3A_1127 : i32 to vector<16xi32>
    %add3A_1212 = arith.addi %get3A_1210, %add3A_1211 : vector<16xi32>
    %swap3A_1213 = arith.constant 9 : i32
    %swap3A_1214 = arith.index_cast %swap3A_1213 : i32 to index
    %swap3A_1215 = arith.constant 96 : index
    %swap3A_1216 = tpu.vector_load %arg5[%swap3A_1214, %swap3A_1215] {strides = array<i32>} : memref<16x128xi32, #tpu.memory_space<vmem>>, vector<1x16xi32>,
    %swap3A_1217 = vector.shape_cast %swap3A_1216 : vector<1x16xi32> to vector<16xi32>
    %swap3A_1218 = vector.shape_cast %add3A_1212 : vector<16xi32> to vector<1x16xi32>
    tpu.vector_store %arg5[%swap3A_1214, %swap3A_1215], %swap3A_1218 {strides = array<i32>} : memref<16x128xi32, #tpu.memory_space<vmem>>, vector<1x16xi32>,
    %get3A_1219 = arith.constant 9 : i32
    %get3A_1220 = arith.index_cast %get3A_1219 : i32 to index
    %get3A_1221 = arith.constant 112 : index
    %get3A_1222 = tpu.vector_load %arg5[%get3A_1220, %get3A_1221] {strides = array<i32>} : memref<16x128xi32, #tpu.memory_space<vmem>>, vector<1x16xi32>,
    %get3A_1223 = vector.shape_cast %get3A_1222 : vector<1x16xi32> to vector<16xi32>
    %add3A_1224 = vector.broadcast %mul3A_1127 : i32 to vector<16xi32>
    %add3A_1225 = arith.addi %get3A_1223, %add3A_1224 : vector<16xi32>
    %swap3A_1226 = arith.constant 9 : i32
    %swap3A_1227 = arith.index_cast %swap3A_1226 : i32 to index
    %swap3A_1228 = arith.constant 112 : index
    %swap3A_1229 = tpu.vector_load %arg5[%swap3A_1227, %swap3A_1228] {strides = array<i32>} : memref<16x128xi32, #tpu.memory_space<vmem>>, vector<1x16xi32>,
    %swap3A_1230 = vector.shape_cast %swap3A_1229 : vector<1x16xi32> to vector<16xi32>
    %swap3A_1231 = vector.shape_cast %add3A_1225 : vector<16xi32> to vector<1x16xi32>
    tpu.vector_store %arg5[%swap3A_1227, %swap3A_1228], %swap3A_1231 {strides = array<i32>} : memref<16x128xi32, #tpu.memory_space<vmem>>, vector<1x16xi32>,
    %dma_wait3A_1232 = arith.constant 4 : i32
    %dma_wait3A_1233 = arith.constant 0 : i32
    %dma_wait3A_1234 = tpu.memref_slice %arg5[%dma_wait3A_1232, %dma_wait3A_1233] : memref<16x128xi32, #tpu.memory_space<vmem>> -> memref<1x128xi32, #tpu.memory_space<vmem>>
    %dma_wait3A_1235 = tpu.memref_squeeze %dma_wait3A_1234 : memref<1x128xi32, #tpu.memory_space<vmem>> -> memref<128xi32, #tpu.memory_space<vmem>>
    %dma_wait3A_1236 = arith.constant 0 : i32
    %dma_wait3A_1237 = arith.constant 0 : i32
    %dma_wait3A_1238 = tpu.memref_slice %arg2[%dma_wait3A_1236, %dma_wait3A_1237] : memref<524288x128xf32, #tpu.memory_space<hbm>> -> memref<524288x128xf32, #tpu.memory_space<hbm>>
    tpu.wait_indirect_dma semaphore(%arg17 : memref<!tpu.dma_semaphore, #tpu.memory_space<semaphore_mem>>) src(%dma_wait3A_1238 : memref<524288x128xf32, #tpu.memory_space<hbm>>) dst(%arg10 : memref<128x128xf32, #tpu.memory_space<vmem>>)
    %add3A_1239 = arith.constant 4 : i32
    %add3A_1240 = arith.addi %mul3A_2, %add3A_1239 : i32
    %mul3A_1241 = arith.constant 128 : i32
    %mul3A_1242 = arith.muli %add3A_1240, %mul3A_1241 : i32
    %dma_start3A_1243 = arith.constant 0 : i32
    %dma_start3A_1244 = tpu.memref_slice %arg4[%mul3A_1242, %dma_start3A_1243] : memref<65536x128xf32, #tpu.memory_space<hbm>> -> memref<128x128xf32, #tpu.memory_space<hbm>>
    %dma_start3A_1245 = arith.constant 0 : i32
    %dma_start3A_1246 = tpu.memref_slice %arg4[%mul3A_1242, %dma_start3A_1245] : memref<65536x128xf32, #tpu.memory_space<hbm>> -> memref<128x128xf32, #tpu.memory_space<hbm>>
    tpu.enqueue_dma source(%arg10 : memref<128x128xf32, #tpu.memory_space<vmem>>) target(%dma_start3A_1246 : memref<128x128xf32, #tpu.memory_space<hbm>>) target_semaphore(%arg24 : memref<!tpu.dma_semaphore, #tpu.memory_space<semaphore_mem>>)
    %dma_wait3A_1247 = arith.constant 0 : i32
    %dma_wait3A_1248 = tpu.memref_slice %arg4[%mul3A_970, %dma_wait3A_1247] : memref<65536x128xf32, #tpu.memory_space<hbm>> -> memref<128x128xf32, #tpu.memory_space<hbm>>
    %dma_wait3A_1249 = arith.constant 0 : i32
    %dma_wait3A_1250 = tpu.memref_slice %arg4[%mul3A_970, %dma_wait3A_1249] : memref<65536x128xf32, #tpu.memory_space<hbm>> -> memref<128x128xf32, #tpu.memory_space<hbm>>
    tpu.wait_dma2 semaphore(%arg22 : memref<!tpu.dma_semaphore, #tpu.memory_space<semaphore_mem>>) src(%arg8 : memref<128x128xf32, #tpu.memory_space<vmem>>) dst(%dma_wait3A_1250 : memref<128x128xf32, #tpu.memory_space<hbm>>)
    %dma_start3A_1251 = arith.constant 9 : i32
    %dma_start3A_1252 = arith.constant 0 : i32
    %dma_start3A_1253 = tpu.memref_slice %arg5[%dma_start3A_1251, %dma_start3A_1252] : memref<16x128xi32, #tpu.memory_space<vmem>> -> memref<1x128xi32, #tpu.memory_space<vmem>>
    %dma_start3A_1254 = tpu.memref_squeeze %dma_start3A_1253 : memref<1x128xi32, #tpu.memory_space<vmem>> -> memref<128xi32, #tpu.memory_space<vmem>>
    %dma_start3A_1255 = arith.constant 0 : i32
    %dma_start3A_1256 = arith.constant 0 : i32
    %dma_start3A_1257 = tpu.memref_slice %arg2[%dma_start3A_1255, %dma_start3A_1256] : memref<524288x128xf32, #tpu.memory_space<hbm>> -> memref<524288x128xf32, #tpu.memory_space<hbm>>
    tpu.enqueue_indirect_dma source(%dma_start3A_1257 : memref<524288x128xf32, #tpu.memory_space<hbm>>) target(%arg8 : memref<128x128xf32, #tpu.memory_space<vmem>>) offsets(%dma_start3A_1254 : memref<128xi32, #tpu.memory_space<vmem>>) semaphore(%arg15 : memref<!tpu.dma_semaphore, #tpu.memory_space<semaphore_mem>>)
    %mul3A_1258 = arith.constant 4 : i32
    %mul3A_1259 = arith.muli %add3A, %mul3A_1258 : i32
    %add3A_1260 = arith.constant 2 : i32
    %add3A_1261 = arith.addi %mul3A_1259, %add3A_1260 : i32
    %mul3A_1262 = arith.constant 4096 : i32
    %mul3A_1263 = arith.muli %add3A_1261, %mul3A_1262 : i32
    %get3A_1264 = arith.constant 10 : i32
    %get3A_1265 = arith.index_cast %get3A_1264 : i32 to index
    %get3A_1266 = arith.constant 0 : index
    %get3A_1267 = tpu.vector_load %arg5[%get3A_1265, %get3A_1266] {strides = array<i32>} : memref<16x128xi32, #tpu.memory_space<vmem>>, vector<1x16xi32>,
    %get3A_1268 = vector.shape_cast %get3A_1267 : vector<1x16xi32> to vector<16xi32>
    %add3A_1269 = vector.broadcast %mul3A_1263 : i32 to vector<16xi32>
    %add3A_1270 = arith.addi %get3A_1268, %add3A_1269 : vector<16xi32>
    %swap3A_1271 = arith.constant 10 : i32
    %swap3A_1272 = arith.index_cast %swap3A_1271 : i32 to index
    %swap3A_1273 = arith.constant 0 : index
    %swap3A_1274 = tpu.vector_load %arg5[%swap3A_1272, %swap3A_1273] {strides = array<i32>} : memref<16x128xi32, #tpu.memory_space<vmem>>, vector<1x16xi32>,
    %swap3A_1275 = vector.shape_cast %swap3A_1274 : vector<1x16xi32> to vector<16xi32>
    %swap3A_1276 = vector.shape_cast %add3A_1270 : vector<16xi32> to vector<1x16xi32>
    tpu.vector_store %arg5[%swap3A_1272, %swap3A_1273], %swap3A_1276 {strides = array<i32>} : memref<16x128xi32, #tpu.memory_space<vmem>>, vector<1x16xi32>,
    %get3A_1277 = arith.constant 10 : i32
    %get3A_1278 = arith.index_cast %get3A_1277 : i32 to index
    %get3A_1279 = arith.constant 16 : index
    %get3A_1280 = tpu.vector_load %arg5[%get3A_1278, %get3A_1279] {strides = array<i32>} : memref<16x128xi32, #tpu.memory_space<vmem>>, vector<1x16xi32>,
    %get3A_1281 = vector.shape_cast %get3A_1280 : vector<1x16xi32> to vector<16xi32>
    %add3A_1282 = vector.broadcast %mul3A_1263 : i32 to vector<16xi32>
    %add3A_1283 = arith.addi %get3A_1281, %add3A_1282 : vector<16xi32>
    %swap3A_1284 = arith.constant 10 : i32
    %swap3A_1285 = arith.index_cast %swap3A_1284 : i32 to index
    %swap3A_1286 = arith.constant 16 : index
    %swap3A_1287 = tpu.vector_load %arg5[%swap3A_1285, %swap3A_1286] {strides = array<i32>} : memref<16x128xi32, #tpu.memory_space<vmem>>, vector<1x16xi32>,
    %swap3A_1288 = vector.shape_cast %swap3A_1287 : vector<1x16xi32> to vector<16xi32>
    %swap3A_1289 = vector.shape_cast %add3A_1283 : vector<16xi32> to vector<1x16xi32>
    tpu.vector_store %arg5[%swap3A_1285, %swap3A_1286], %swap3A_1289 {strides = array<i32>} : memref<16x128xi32, #tpu.memory_space<vmem>>, vector<1x16xi32>,
    %get3A_1290 = arith.constant 10 : i32
    %get3A_1291 = arith.index_cast %get3A_1290 : i32 to index
    %get3A_1292 = arith.constant 32 : index
    %get3A_1293 = tpu.vector_load %arg5[%get3A_1291, %get3A_1292] {strides = array<i32>} : memref<16x128xi32, #tpu.memory_space<vmem>>, vector<1x16xi32>,
    %get3A_1294 = vector.shape_cast %get3A_1293 : vector<1x16xi32> to vector<16xi32>
    %add3A_1295 = vector.broadcast %mul3A_1263 : i32 to vector<16xi32>
    %add3A_1296 = arith.addi %get3A_1294, %add3A_1295 : vector<16xi32>
    %swap3A_1297 = arith.constant 10 : i32
    %swap3A_1298 = arith.index_cast %swap3A_1297 : i32 to index
    %swap3A_1299 = arith.constant 32 : index
    %swap3A_1300 = tpu.vector_load %arg5[%swap3A_1298, %swap3A_1299] {strides = array<i32>} : memref<16x128xi32, #tpu.memory_space<vmem>>, vector<1x16xi32>,
    %swap3A_1301 = vector.shape_cast %swap3A_1300 : vector<1x16xi32> to vector<16xi32>
    %swap3A_1302 = vector.shape_cast %add3A_1296 : vector<16xi32> to vector<1x16xi32>
    tpu.vector_store %arg5[%swap3A_1298, %swap3A_1299], %swap3A_1302 {strides = array<i32>} : memref<16x128xi32, #tpu.memory_space<vmem>>, vector<1x16xi32>,
    %get3A_1303 = arith.constant 10 : i32
    %get3A_1304 = arith.index_cast %get3A_1303 : i32 to index
    %get3A_1305 = arith.constant 48 : index
    %get3A_1306 = tpu.vector_load %arg5[%get3A_1304, %get3A_1305] {strides = array<i32>} : memref<16x128xi32, #tpu.memory_space<vmem>>, vector<1x16xi32>,
    %get3A_1307 = vector.shape_cast %get3A_1306 : vector<1x16xi32> to vector<16xi32>
    %add3A_1308 = vector.broadcast %mul3A_1263 : i32 to vector<16xi32>
    %add3A_1309 = arith.addi %get3A_1307, %add3A_1308 : vector<16xi32>
    %swap3A_1310 = arith.constant 10 : i32
    %swap3A_1311 = arith.index_cast %swap3A_1310 : i32 to index
    %swap3A_1312 = arith.constant 48 : index
    %swap3A_1313 = tpu.vector_load %arg5[%swap3A_1311, %swap3A_1312] {strides = array<i32>} : memref<16x128xi32, #tpu.memory_space<vmem>>, vector<1x16xi32>,
    %swap3A_1314 = vector.shape_cast %swap3A_1313 : vector<1x16xi32> to vector<16xi32>
    %swap3A_1315 = vector.shape_cast %add3A_1309 : vector<16xi32> to vector<1x16xi32>
    tpu.vector_store %arg5[%swap3A_1311, %swap3A_1312], %swap3A_1315 {strides = array<i32>} : memref<16x128xi32, #tpu.memory_space<vmem>>, vector<1x16xi32>,
    %get3A_1316 = arith.constant 10 : i32
    %get3A_1317 = arith.index_cast %get3A_1316 : i32 to index
    %get3A_1318 = arith.constant 64 : index
    %get3A_1319 = tpu.vector_load %arg5[%get3A_1317, %get3A_1318] {strides = array<i32>} : memref<16x128xi32, #tpu.memory_space<vmem>>, vector<1x16xi32>,
    %get3A_1320 = vector.shape_cast %get3A_1319 : vector<1x16xi32> to vector<16xi32>
    %add3A_1321 = vector.broadcast %mul3A_1263 : i32 to vector<16xi32>
    %add3A_1322 = arith.addi %get3A_1320, %add3A_1321 : vector<16xi32>
    %swap3A_1323 = arith.constant 10 : i32
    %swap3A_1324 = arith.index_cast %swap3A_1323 : i32 to index
    %swap3A_1325 = arith.constant 64 : index
    %swap3A_1326 = tpu.vector_load %arg5[%swap3A_1324, %swap3A_1325] {strides = array<i32>} : memref<16x128xi32, #tpu.memory_space<vmem>>, vector<1x16xi32>,
    %swap3A_1327 = vector.shape_cast %swap3A_1326 : vector<1x16xi32> to vector<16xi32>
    %swap3A_1328 = vector.shape_cast %add3A_1322 : vector<16xi32> to vector<1x16xi32>
    tpu.vector_store %arg5[%swap3A_1324, %swap3A_1325], %swap3A_1328 {strides = array<i32>} : memref<16x128xi32, #tpu.memory_space<vmem>>, vector<1x16xi32>,
    %get3A_1329 = arith.constant 10 : i32
    %get3A_1330 = arith.index_cast %get3A_1329 : i32 to index
    %get3A_1331 = arith.constant 80 : index
    %get3A_1332 = tpu.vector_load %arg5[%get3A_1330, %get3A_1331] {strides = array<i32>} : memref<16x128xi32, #tpu.memory_space<vmem>>, vector<1x16xi32>,
    %get3A_1333 = vector.shape_cast %get3A_1332 : vector<1x16xi32> to vector<16xi32>
    %add3A_1334 = vector.broadcast %mul3A_1263 : i32 to vector<16xi32>
    %add3A_1335 = arith.addi %get3A_1333, %add3A_1334 : vector<16xi32>
    %swap3A_1336 = arith.constant 10 : i32
    %swap3A_1337 = arith.index_cast %swap3A_1336 : i32 to index
    %swap3A_1338 = arith.constant 80 : index
    %swap3A_1339 = tpu.vector_load %arg5[%swap3A_1337, %swap3A_1338] {strides = array<i32>} : memref<16x128xi32, #tpu.memory_space<vmem>>, vector<1x16xi32>,
    %swap3A_1340 = vector.shape_cast %swap3A_1339 : vector<1x16xi32> to vector<16xi32>
    %swap3A_1341 = vector.shape_cast %add3A_1335 : vector<16xi32> to vector<1x16xi32>
    tpu.vector_store %arg5[%swap3A_1337, %swap3A_1338], %swap3A_1341 {strides = array<i32>} : memref<16x128xi32, #tpu.memory_space<vmem>>, vector<1x16xi32>,
    %get3A_1342 = arith.constant 10 : i32
    %get3A_1343 = arith.index_cast %get3A_1342 : i32 to index
    %get3A_1344 = arith.constant 96 : index
    %get3A_1345 = tpu.vector_load %arg5[%get3A_1343, %get3A_1344] {strides = array<i32>} : memref<16x128xi32, #tpu.memory_space<vmem>>, vector<1x16xi32>,
    %get3A_1346 = vector.shape_cast %get3A_1345 : vector<1x16xi32> to vector<16xi32>
    %add3A_1347 = vector.broadcast %mul3A_1263 : i32 to vector<16xi32>
    %add3A_1348 = arith.addi %get3A_1346, %add3A_1347 : vector<16xi32>
    %swap3A_1349 = arith.constant 10 : i32
    %swap3A_1350 = arith.index_cast %swap3A_1349 : i32 to index
    %swap3A_1351 = arith.constant 96 : index
    %swap3A_1352 = tpu.vector_load %arg5[%swap3A_1350, %swap3A_1351] {strides = array<i32>} : memref<16x128xi32, #tpu.memory_space<vmem>>, vector<1x16xi32>,
    %swap3A_1353 = vector.shape_cast %swap3A_1352 : vector<1x16xi32> to vector<16xi32>
    %swap3A_1354 = vector.shape_cast %add3A_1348 : vector<16xi32> to vector<1x16xi32>
    tpu.vector_store %arg5[%swap3A_1350, %swap3A_1351], %swap3A_1354 {strides = array<i32>} : memref<16x128xi32, #tpu.memory_space<vmem>>, vector<1x16xi32>,
    %get3A_1355 = arith.constant 10 : i32
    %get3A_1356 = arith.index_cast %get3A_1355 : i32 to index
    %get3A_1357 = arith.constant 112 : index
    %get3A_1358 = tpu.vector_load %arg5[%get3A_1356, %get3A_1357] {strides = array<i32>} : memref<16x128xi32, #tpu.memory_space<vmem>>, vector<1x16xi32>,
    %get3A_1359 = vector.shape_cast %get3A_1358 : vector<1x16xi32> to vector<16xi32>
    %add3A_1360 = vector.broadcast %mul3A_1263 : i32 to vector<16xi32>
    %add3A_1361 = arith.addi %get3A_1359, %add3A_1360 : vector<16xi32>
    %swap3A_1362 = arith.constant 10 : i32
    %swap3A_1363 = arith.index_cast %swap3A_1362 : i32 to index
    %swap3A_1364 = arith.constant 112 : index
    %swap3A_1365 = tpu.vector_load %arg5[%swap3A_1363, %swap3A_1364] {strides = array<i32>} : memref<16x128xi32, #tpu.memory_space<vmem>>, vector<1x16xi32>,
    %swap3A_1366 = vector.shape_cast %swap3A_1365 : vector<1x16xi32> to vector<16xi32>
    %swap3A_1367 = vector.shape_cast %add3A_1361 : vector<16xi32> to vector<1x16xi32>
    tpu.vector_store %arg5[%swap3A_1363, %swap3A_1364], %swap3A_1367 {strides = array<i32>} : memref<16x128xi32, #tpu.memory_space<vmem>>, vector<1x16xi32>,
    %dma_wait3A_1368 = arith.constant 5 : i32
    %dma_wait3A_1369 = arith.constant 0 : i32
    %dma_wait3A_1370 = tpu.memref_slice %arg5[%dma_wait3A_1368, %dma_wait3A_1369] : memref<16x128xi32, #tpu.memory_space<vmem>> -> memref<1x128xi32, #tpu.memory_space<vmem>>
    %dma_wait3A_1371 = tpu.memref_squeeze %dma_wait3A_1370 : memref<1x128xi32, #tpu.memory_space<vmem>> -> memref<128xi32, #tpu.memory_space<vmem>>
    %dma_wait3A_1372 = arith.constant 0 : i32
    %dma_wait3A_1373 = arith.constant 0 : i32
    %dma_wait3A_1374 = tpu.memref_slice %arg2[%dma_wait3A_1372, %dma_wait3A_1373] : memref<524288x128xf32, #tpu.memory_space<hbm>> -> memref<524288x128xf32, #tpu.memory_space<hbm>>
    tpu.wait_indirect_dma semaphore(%arg18 : memref<!tpu.dma_semaphore, #tpu.memory_space<semaphore_mem>>) src(%dma_wait3A_1374 : memref<524288x128xf32, #tpu.memory_space<hbm>>) dst(%arg11 : memref<128x128xf32, #tpu.memory_space<vmem>>)
    %add3A_1375 = arith.constant 5 : i32
    %add3A_1376 = arith.addi %mul3A_2, %add3A_1375 : i32
    %mul3A_1377 = arith.constant 128 : i32
    %mul3A_1378 = arith.muli %add3A_1376, %mul3A_1377 : i32
    %dma_start3A_1379 = arith.constant 0 : i32
    %dma_start3A_1380 = tpu.memref_slice %arg4[%mul3A_1378, %dma_start3A_1379] : memref<65536x128xf32, #tpu.memory_space<hbm>> -> memref<128x128xf32, #tpu.memory_space<hbm>>
    %dma_start3A_1381 = arith.constant 0 : i32
    %dma_start3A_1382 = tpu.memref_slice %arg4[%mul3A_1378, %dma_start3A_1381] : memref<65536x128xf32, #tpu.memory_space<hbm>> -> memref<128x128xf32, #tpu.memory_space<hbm>>
    tpu.enqueue_dma source(%arg11 : memref<128x128xf32, #tpu.memory_space<vmem>>) target(%dma_start3A_1382 : memref<128x128xf32, #tpu.memory_space<hbm>>) target_semaphore(%arg25 : memref<!tpu.dma_semaphore, #tpu.memory_space<semaphore_mem>>)
    %dma_wait3A_1383 = arith.constant 0 : i32
    %dma_wait3A_1384 = tpu.memref_slice %arg4[%mul3A_1106, %dma_wait3A_1383] : memref<65536x128xf32, #tpu.memory_space<hbm>> -> memref<128x128xf32, #tpu.memory_space<hbm>>
    %dma_wait3A_1385 = arith.constant 0 : i32
    %dma_wait3A_1386 = tpu.memref_slice %arg4[%mul3A_1106, %dma_wait3A_1385] : memref<65536x128xf32, #tpu.memory_space<hbm>> -> memref<128x128xf32, #tpu.memory_space<hbm>>
    tpu.wait_dma2 semaphore(%arg23 : memref<!tpu.dma_semaphore, #tpu.memory_space<semaphore_mem>>) src(%arg9 : memref<128x128xf32, #tpu.memory_space<vmem>>) dst(%dma_wait3A_1386 : memref<128x128xf32, #tpu.memory_space<hbm>>)
    %dma_start3A_1387 = arith.constant 10 : i32
    %dma_start3A_1388 = arith.constant 0 : i32
    %dma_start3A_1389 = tpu.memref_slice %arg5[%dma_start3A_1387, %dma_start3A_1388] : memref<16x128xi32, #tpu.memory_space<vmem>> -> memref<1x128xi32, #tpu.memory_space<vmem>>
    %dma_start3A_1390 = tpu.memref_squeeze %dma_start3A_1389 : memref<1x128xi32, #tpu.memory_space<vmem>> -> memref<128xi32, #tpu.memory_space<vmem>>
    %dma_start3A_1391 = arith.constant 0 : i32
    %dma_start3A_1392 = arith.constant 0 : i32
    %dma_start3A_1393 = tpu.memref_slice %arg2[%dma_start3A_1391, %dma_start3A_1392] : memref<524288x128xf32, #tpu.memory_space<hbm>> -> memref<524288x128xf32, #tpu.memory_space<hbm>>
    tpu.enqueue_indirect_dma source(%dma_start3A_1393 : memref<524288x128xf32, #tpu.memory_space<hbm>>) target(%arg9 : memref<128x128xf32, #tpu.memory_space<vmem>>) offsets(%dma_start3A_1390 : memref<128xi32, #tpu.memory_space<vmem>>) semaphore(%arg16 : memref<!tpu.dma_semaphore, #tpu.memory_space<semaphore_mem>>)
    %mul3A_1394 = arith.constant 4 : i32
    %mul3A_1395 = arith.muli %add3A, %mul3A_1394 : i32
    %add3A_1396 = arith.constant 2 : i32
    %add3A_1397 = arith.addi %mul3A_1395, %add3A_1396 : i32
    %mul3A_1398 = arith.constant 4096 : i32
    %mul3A_1399 = arith.muli %add3A_1397, %mul3A_1398 : i32
    %get3A_1400 = arith.constant 11 : i32
    %get3A_1401 = arith.index_cast %get3A_1400 : i32 to index
    %get3A_1402 = arith.constant 0 : index
    %get3A_1403 = tpu.vector_load %arg5[%get3A_1401, %get3A_1402] {strides = array<i32>} : memref<16x128xi32, #tpu.memory_space<vmem>>, vector<1x16xi32>,
    %get3A_1404 = vector.shape_cast %get3A_1403 : vector<1x16xi32> to vector<16xi32>
    %add3A_1405 = vector.broadcast %mul3A_1399 : i32 to vector<16xi32>
    %add3A_1406 = arith.addi %get3A_1404, %add3A_1405 : vector<16xi32>
    %swap3A_1407 = arith.constant 11 : i32
    %swap3A_1408 = arith.index_cast %swap3A_1407 : i32 to index
    %swap3A_1409 = arith.constant 0 : index
    %swap3A_1410 = tpu.vector_load %arg5[%swap3A_1408, %swap3A_1409] {strides = array<i32>} : memref<16x128xi32, #tpu.memory_space<vmem>>, vector<1x16xi32>,
    %swap3A_1411 = vector.shape_cast %swap3A_1410 : vector<1x16xi32> to vector<16xi32>
    %swap3A_1412 = vector.shape_cast %add3A_1406 : vector<16xi32> to vector<1x16xi32>
    tpu.vector_store %arg5[%swap3A_1408, %swap3A_1409], %swap3A_1412 {strides = array<i32>} : memref<16x128xi32, #tpu.memory_space<vmem>>, vector<1x16xi32>,
    %get3A_1413 = arith.constant 11 : i32
    %get3A_1414 = arith.index_cast %get3A_1413 : i32 to index
    %get3A_1415 = arith.constant 16 : index
    %get3A_1416 = tpu.vector_load %arg5[%get3A_1414, %get3A_1415] {strides = array<i32>} : memref<16x128xi32, #tpu.memory_space<vmem>>, vector<1x16xi32>,
    %get3A_1417 = vector.shape_cast %get3A_1416 : vector<1x16xi32> to vector<16xi32>
    %add3A_1418 = vector.broadcast %mul3A_1399 : i32 to vector<16xi32>
    %add3A_1419 = arith.addi %get3A_1417, %add3A_1418 : vector<16xi32>
    %swap3A_1420 = arith.constant 11 : i32
    %swap3A_1421 = arith.index_cast %swap3A_1420 : i32 to index
    %swap3A_1422 = arith.constant 16 : index
    %swap3A_1423 = tpu.vector_load %arg5[%swap3A_1421, %swap3A_1422] {strides = array<i32>} : memref<16x128xi32, #tpu.memory_space<vmem>>, vector<1x16xi32>,
    %swap3A_1424 = vector.shape_cast %swap3A_1423 : vector<1x16xi32> to vector<16xi32>
    %swap3A_1425 = vector.shape_cast %add3A_1419 : vector<16xi32> to vector<1x16xi32>
    tpu.vector_store %arg5[%swap3A_1421, %swap3A_1422], %swap3A_1425 {strides = array<i32>} : memref<16x128xi32, #tpu.memory_space<vmem>>, vector<1x16xi32>,
    %get3A_1426 = arith.constant 11 : i32
    %get3A_1427 = arith.index_cast %get3A_1426 : i32 to index
    %get3A_1428 = arith.constant 32 : index
    %get3A_1429 = tpu.vector_load %arg5[%get3A_1427, %get3A_1428] {strides = array<i32>} : memref<16x128xi32, #tpu.memory_space<vmem>>, vector<1x16xi32>,
    %get3A_1430 = vector.shape_cast %get3A_1429 : vector<1x16xi32> to vector<16xi32>
    %add3A_1431 = vector.broadcast %mul3A_1399 : i32 to vector<16xi32>
    %add3A_1432 = arith.addi %get3A_1430, %add3A_1431 : vector<16xi32>
    %swap3A_1433 = arith.constant 11 : i32
    %swap3A_1434 = arith.index_cast %swap3A_1433 : i32 to index
    %swap3A_1435 = arith.constant 32 : index
    %swap3A_1436 = tpu.vector_load %arg5[%swap3A_1434, %swap3A_1435] {strides = array<i32>} : memref<16x128xi32, #tpu.memory_space<vmem>>, vector<1x16xi32>,
    %swap3A_1437 = vector.shape_cast %swap3A_1436 : vector<1x16xi32> to vector<16xi32>
    %swap3A_1438 = vector.shape_cast %add3A_1432 : vector<16xi32> to vector<1x16xi32>
    tpu.vector_store %arg5[%swap3A_1434, %swap3A_1435], %swap3A_1438 {strides = array<i32>} : memref<16x128xi32, #tpu.memory_space<vmem>>, vector<1x16xi32>,
    %get3A_1439 = arith.constant 11 : i32
    %get3A_1440 = arith.index_cast %get3A_1439 : i32 to index
    %get3A_1441 = arith.constant 48 : index
    %get3A_1442 = tpu.vector_load %arg5[%get3A_1440, %get3A_1441] {strides = array<i32>} : memref<16x128xi32, #tpu.memory_space<vmem>>, vector<1x16xi32>,
    %get3A_1443 = vector.shape_cast %get3A_1442 : vector<1x16xi32> to vector<16xi32>
    %add3A_1444 = vector.broadcast %mul3A_1399 : i32 to vector<16xi32>
    %add3A_1445 = arith.addi %get3A_1443, %add3A_1444 : vector<16xi32>
    %swap3A_1446 = arith.constant 11 : i32
    %swap3A_1447 = arith.index_cast %swap3A_1446 : i32 to index
    %swap3A_1448 = arith.constant 48 : index
    %swap3A_1449 = tpu.vector_load %arg5[%swap3A_1447, %swap3A_1448] {strides = array<i32>} : memref<16x128xi32, #tpu.memory_space<vmem>>, vector<1x16xi32>,
    %swap3A_1450 = vector.shape_cast %swap3A_1449 : vector<1x16xi32> to vector<16xi32>
    %swap3A_1451 = vector.shape_cast %add3A_1445 : vector<16xi32> to vector<1x16xi32>
    tpu.vector_store %arg5[%swap3A_1447, %swap3A_1448], %swap3A_1451 {strides = array<i32>} : memref<16x128xi32, #tpu.memory_space<vmem>>, vector<1x16xi32>,
    %get3A_1452 = arith.constant 11 : i32
    %get3A_1453 = arith.index_cast %get3A_1452 : i32 to index
    %get3A_1454 = arith.constant 64 : index
    %get3A_1455 = tpu.vector_load %arg5[%get3A_1453, %get3A_1454] {strides = array<i32>} : memref<16x128xi32, #tpu.memory_space<vmem>>, vector<1x16xi32>,
    %get3A_1456 = vector.shape_cast %get3A_1455 : vector<1x16xi32> to vector<16xi32>
    %add3A_1457 = vector.broadcast %mul3A_1399 : i32 to vector<16xi32>
    %add3A_1458 = arith.addi %get3A_1456, %add3A_1457 : vector<16xi32>
    %swap3A_1459 = arith.constant 11 : i32
    %swap3A_1460 = arith.index_cast %swap3A_1459 : i32 to index
    %swap3A_1461 = arith.constant 64 : index
    %swap3A_1462 = tpu.vector_load %arg5[%swap3A_1460, %swap3A_1461] {strides = array<i32>} : memref<16x128xi32, #tpu.memory_space<vmem>>, vector<1x16xi32>,
    %swap3A_1463 = vector.shape_cast %swap3A_1462 : vector<1x16xi32> to vector<16xi32>
    %swap3A_1464 = vector.shape_cast %add3A_1458 : vector<16xi32> to vector<1x16xi32>
    tpu.vector_store %arg5[%swap3A_1460, %swap3A_1461], %swap3A_1464 {strides = array<i32>} : memref<16x128xi32, #tpu.memory_space<vmem>>, vector<1x16xi32>,
    %get3A_1465 = arith.constant 11 : i32
    %get3A_1466 = arith.index_cast %get3A_1465 : i32 to index
    %get3A_1467 = arith.constant 80 : index
    %get3A_1468 = tpu.vector_load %arg5[%get3A_1466, %get3A_1467] {strides = array<i32>} : memref<16x128xi32, #tpu.memory_space<vmem>>, vector<1x16xi32>,
    %get3A_1469 = vector.shape_cast %get3A_1468 : vector<1x16xi32> to vector<16xi32>
    %add3A_1470 = vector.broadcast %mul3A_1399 : i32 to vector<16xi32>
    %add3A_1471 = arith.addi %get3A_1469, %add3A_1470 : vector<16xi32>
    %swap3A_1472 = arith.constant 11 : i32
    %swap3A_1473 = arith.index_cast %swap3A_1472 : i32 to index
    %swap3A_1474 = arith.constant 80 : index
    %swap3A_1475 = tpu.vector_load %arg5[%swap3A_1473, %swap3A_1474] {strides = array<i32>} : memref<16x128xi32, #tpu.memory_space<vmem>>, vector<1x16xi32>,
    %swap3A_1476 = vector.shape_cast %swap3A_1475 : vector<1x16xi32> to vector<16xi32>
    %swap3A_1477 = vector.shape_cast %add3A_1471 : vector<16xi32> to vector<1x16xi32>
    tpu.vector_store %arg5[%swap3A_1473, %swap3A_1474], %swap3A_1477 {strides = array<i32>} : memref<16x128xi32, #tpu.memory_space<vmem>>, vector<1x16xi32>,
    %get3A_1478 = arith.constant 11 : i32
    %get3A_1479 = arith.index_cast %get3A_1478 : i32 to index
    %get3A_1480 = arith.constant 96 : index
    %get3A_1481 = tpu.vector_load %arg5[%get3A_1479, %get3A_1480] {strides = array<i32>} : memref<16x128xi32, #tpu.memory_space<vmem>>, vector<1x16xi32>,
    %get3A_1482 = vector.shape_cast %get3A_1481 : vector<1x16xi32> to vector<16xi32>
    %add3A_1483 = vector.broadcast %mul3A_1399 : i32 to vector<16xi32>
    %add3A_1484 = arith.addi %get3A_1482, %add3A_1483 : vector<16xi32>
    %swap3A_1485 = arith.constant 11 : i32
    %swap3A_1486 = arith.index_cast %swap3A_1485 : i32 to index
    %swap3A_1487 = arith.constant 96 : index
    %swap3A_1488 = tpu.vector_load %arg5[%swap3A_1486, %swap3A_1487] {strides = array<i32>} : memref<16x128xi32, #tpu.memory_space<vmem>>, vector<1x16xi32>,
    %swap3A_1489 = vector.shape_cast %swap3A_1488 : vector<1x16xi32> to vector<16xi32>
    %swap3A_1490 = vector.shape_cast %add3A_1484 : vector<16xi32> to vector<1x16xi32>
    tpu.vector_store %arg5[%swap3A_1486, %swap3A_1487], %swap3A_1490 {strides = array<i32>} : memref<16x128xi32, #tpu.memory_space<vmem>>, vector<1x16xi32>,
    %get3A_1491 = arith.constant 11 : i32
    %get3A_1492 = arith.index_cast %get3A_1491 : i32 to index
    %get3A_1493 = arith.constant 112 : index
    %get3A_1494 = tpu.vector_load %arg5[%get3A_1492, %get3A_1493] {strides = array<i32>} : memref<16x128xi32, #tpu.memory_space<vmem>>, vector<1x16xi32>,
    %get3A_1495 = vector.shape_cast %get3A_1494 : vector<1x16xi32> to vector<16xi32>
    %add3A_1496 = vector.broadcast %mul3A_1399 : i32 to vector<16xi32>
    %add3A_1497 = arith.addi %get3A_1495, %add3A_1496 : vector<16xi32>
    %swap3A_1498 = arith.constant 11 : i32
    %swap3A_1499 = arith.index_cast %swap3A_1498 : i32 to index
    %swap3A_1500 = arith.constant 112 : index
    %swap3A_1501 = tpu.vector_load %arg5[%swap3A_1499, %swap3A_1500] {strides = array<i32>} : memref<16x128xi32, #tpu.memory_space<vmem>>, vector<1x16xi32>,
    %swap3A_1502 = vector.shape_cast %swap3A_1501 : vector<1x16xi32> to vector<16xi32>
    %swap3A_1503 = vector.shape_cast %add3A_1497 : vector<16xi32> to vector<1x16xi32>
    tpu.vector_store %arg5[%swap3A_1499, %swap3A_1500], %swap3A_1503 {strides = array<i32>} : memref<16x128xi32, #tpu.memory_space<vmem>>, vector<1x16xi32>,
    %dma_wait3A_1504 = arith.constant 6 : i32
    %dma_wait3A_1505 = arith.constant 0 : i32
    %dma_wait3A_1506 = tpu.memref_slice %arg5[%dma_wait3A_1504, %dma_wait3A_1505] : memref<16x128xi32, #tpu.memory_space<vmem>> -> memref<1x128xi32, #tpu.memory_space<vmem>>
    %dma_wait3A_1507 = tpu.memref_squeeze %dma_wait3A_1506 : memref<1x128xi32, #tpu.memory_space<vmem>> -> memref<128xi32, #tpu.memory_space<vmem>>
    %dma_wait3A_1508 = arith.constant 0 : i32
    %dma_wait3A_1509 = arith.constant 0 : i32
    %dma_wait3A_1510 = tpu.memref_slice %arg2[%dma_wait3A_1508, %dma_wait3A_1509] : memref<524288x128xf32, #tpu.memory_space<hbm>> -> memref<524288x128xf32, #tpu.memory_space<hbm>>
    tpu.wait_indirect_dma semaphore(%arg19 : memref<!tpu.dma_semaphore, #tpu.memory_space<semaphore_mem>>) src(%dma_wait3A_1510 : memref<524288x128xf32, #tpu.memory_space<hbm>>) dst(%arg12 : memref<128x128xf32, #tpu.memory_space<vmem>>)
    %add3A_1511 = arith.constant 6 : i32
    %add3A_1512 = arith.addi %mul3A_2, %add3A_1511 : i32
    %mul3A_1513 = arith.constant 128 : i32
    %mul3A_1514 = arith.muli %add3A_1512, %mul3A_1513 : i32
    %dma_start3A_1515 = arith.constant 0 : i32
    %dma_start3A_1516 = tpu.memref_slice %arg4[%mul3A_1514, %dma_start3A_1515] : memref<65536x128xf32, #tpu.memory_space<hbm>> -> memref<128x128xf32, #tpu.memory_space<hbm>>
    %dma_start3A_1517 = arith.constant 0 : i32
    %dma_start3A_1518 = tpu.memref_slice %arg4[%mul3A_1514, %dma_start3A_1517] : memref<65536x128xf32, #tpu.memory_space<hbm>> -> memref<128x128xf32, #tpu.memory_space<hbm>>
    tpu.enqueue_dma source(%arg12 : memref<128x128xf32, #tpu.memory_space<vmem>>) target(%dma_start3A_1518 : memref<128x128xf32, #tpu.memory_space<hbm>>) target_semaphore(%arg26 : memref<!tpu.dma_semaphore, #tpu.memory_space<semaphore_mem>>)
    %dma_wait3A_1519 = arith.constant 0 : i32
    %dma_wait3A_1520 = tpu.memref_slice %arg4[%mul3A_1242, %dma_wait3A_1519] : memref<65536x128xf32, #tpu.memory_space<hbm>> -> memref<128x128xf32, #tpu.memory_space<hbm>>
    %dma_wait3A_1521 = arith.constant 0 : i32
    %dma_wait3A_1522 = tpu.memref_slice %arg4[%mul3A_1242, %dma_wait3A_1521] : memref<65536x128xf32, #tpu.memory_space<hbm>> -> memref<128x128xf32, #tpu.memory_space<hbm>>
    tpu.wait_dma2 semaphore(%arg24 : memref<!tpu.dma_semaphore, #tpu.memory_space<semaphore_mem>>) src(%arg10 : memref<128x128xf32, #tpu.memory_space<vmem>>) dst(%dma_wait3A_1522 : memref<128x128xf32, #tpu.memory_space<hbm>>)
    %dma_start3A_1523 = arith.constant 11 : i32
    %dma_start3A_1524 = arith.constant 0 : i32
    %dma_start3A_1525 = tpu.memref_slice %arg5[%dma_start3A_1523, %dma_start3A_1524] : memref<16x128xi32, #tpu.memory_space<vmem>> -> memref<1x128xi32, #tpu.memory_space<vmem>>
    %dma_start3A_1526 = tpu.memref_squeeze %dma_start3A_1525 : memref<1x128xi32, #tpu.memory_space<vmem>> -> memref<128xi32, #tpu.memory_space<vmem>>
    %dma_start3A_1527 = arith.constant 0 : i32
    %dma_start3A_1528 = arith.constant 0 : i32
    %dma_start3A_1529 = tpu.memref_slice %arg2[%dma_start3A_1527, %dma_start3A_1528] : memref<524288x128xf32, #tpu.memory_space<hbm>> -> memref<524288x128xf32, #tpu.memory_space<hbm>>
    tpu.enqueue_indirect_dma source(%dma_start3A_1529 : memref<524288x128xf32, #tpu.memory_space<hbm>>) target(%arg10 : memref<128x128xf32, #tpu.memory_space<vmem>>) offsets(%dma_start3A_1526 : memref<128xi32, #tpu.memory_space<vmem>>) semaphore(%arg17 : memref<!tpu.dma_semaphore, #tpu.memory_space<semaphore_mem>>)
    %mul3A_1530 = arith.constant 4 : i32
    %mul3A_1531 = arith.muli %add3A, %mul3A_1530 : i32
    %add3A_1532 = arith.constant 3 : i32
    %add3A_1533 = arith.addi %mul3A_1531, %add3A_1532 : i32
    %mul3A_1534 = arith.constant 4096 : i32
    %mul3A_1535 = arith.muli %add3A_1533, %mul3A_1534 : i32
    %get3A_1536 = arith.constant 12 : i32
    %get3A_1537 = arith.index_cast %get3A_1536 : i32 to index
    %get3A_1538 = arith.constant 0 : index
    %get3A_1539 = tpu.vector_load %arg5[%get3A_1537, %get3A_1538] {strides = array<i32>} : memref<16x128xi32, #tpu.memory_space<vmem>>, vector<1x16xi32>,
    %get3A_1540 = vector.shape_cast %get3A_1539 : vector<1x16xi32> to vector<16xi32>
    %add3A_1541 = vector.broadcast %mul3A_1535 : i32 to vector<16xi32>
    %add3A_1542 = arith.addi %get3A_1540, %add3A_1541 : vector<16xi32>
    %swap3A_1543 = arith.constant 12 : i32
    %swap3A_1544 = arith.index_cast %swap3A_1543 : i32 to index
    %swap3A_1545 = arith.constant 0 : index
    %swap3A_1546 = tpu.vector_load %arg5[%swap3A_1544, %swap3A_1545] {strides = array<i32>} : memref<16x128xi32, #tpu.memory_space<vmem>>, vector<1x16xi32>,
    %swap3A_1547 = vector.shape_cast %swap3A_1546 : vector<1x16xi32> to vector<16xi32>
    %swap3A_1548 = vector.shape_cast %add3A_1542 : vector<16xi32> to vector<1x16xi32>
    tpu.vector_store %arg5[%swap3A_1544, %swap3A_1545], %swap3A_1548 {strides = array<i32>} : memref<16x128xi32, #tpu.memory_space<vmem>>, vector<1x16xi32>,
    %get3A_1549 = arith.constant 12 : i32
    %get3A_1550 = arith.index_cast %get3A_1549 : i32 to index
    %get3A_1551 = arith.constant 16 : index
    %get3A_1552 = tpu.vector_load %arg5[%get3A_1550, %get3A_1551] {strides = array<i32>} : memref<16x128xi32, #tpu.memory_space<vmem>>, vector<1x16xi32>,
    %get3A_1553 = vector.shape_cast %get3A_1552 : vector<1x16xi32> to vector<16xi32>
    %add3A_1554 = vector.broadcast %mul3A_1535 : i32 to vector<16xi32>
    %add3A_1555 = arith.addi %get3A_1553, %add3A_1554 : vector<16xi32>
    %swap3A_1556 = arith.constant 12 : i32
    %swap3A_1557 = arith.index_cast %swap3A_1556 : i32 to index
    %swap3A_1558 = arith.constant 16 : index
    %swap3A_1559 = tpu.vector_load %arg5[%swap3A_1557, %swap3A_1558] {strides = array<i32>} : memref<16x128xi32, #tpu.memory_space<vmem>>, vector<1x16xi32>,
    %swap3A_1560 = vector.shape_cast %swap3A_1559 : vector<1x16xi32> to vector<16xi32>
    %swap3A_1561 = vector.shape_cast %add3A_1555 : vector<16xi32> to vector<1x16xi32>
    tpu.vector_store %arg5[%swap3A_1557, %swap3A_1558], %swap3A_1561 {strides = array<i32>} : memref<16x128xi32, #tpu.memory_space<vmem>>, vector<1x16xi32>,
    %get3A_1562 = arith.constant 12 : i32
    %get3A_1563 = arith.index_cast %get3A_1562 : i32 to index
    %get3A_1564 = arith.constant 32 : index
    %get3A_1565 = tpu.vector_load %arg5[%get3A_1563, %get3A_1564] {strides = array<i32>} : memref<16x128xi32, #tpu.memory_space<vmem>>, vector<1x16xi32>,
    %get3A_1566 = vector.shape_cast %get3A_1565 : vector<1x16xi32> to vector<16xi32>
    %add3A_1567 = vector.broadcast %mul3A_1535 : i32 to vector<16xi32>
    %add3A_1568 = arith.addi %get3A_1566, %add3A_1567 : vector<16xi32>
    %swap3A_1569 = arith.constant 12 : i32
    %swap3A_1570 = arith.index_cast %swap3A_1569 : i32 to index
    %swap3A_1571 = arith.constant 32 : index
    %swap3A_1572 = tpu.vector_load %arg5[%swap3A_1570, %swap3A_1571] {strides = array<i32>} : memref<16x128xi32, #tpu.memory_space<vmem>>, vector<1x16xi32>,
    %swap3A_1573 = vector.shape_cast %swap3A_1572 : vector<1x16xi32> to vector<16xi32>
    %swap3A_1574 = vector.shape_cast %add3A_1568 : vector<16xi32> to vector<1x16xi32>
    tpu.vector_store %arg5[%swap3A_1570, %swap3A_1571], %swap3A_1574 {strides = array<i32>} : memref<16x128xi32, #tpu.memory_space<vmem>>, vector<1x16xi32>,
    %get3A_1575 = arith.constant 12 : i32
    %get3A_1576 = arith.index_cast %get3A_1575 : i32 to index
    %get3A_1577 = arith.constant 48 : index
    %get3A_1578 = tpu.vector_load %arg5[%get3A_1576, %get3A_1577] {strides = array<i32>} : memref<16x128xi32, #tpu.memory_space<vmem>>, vector<1x16xi32>,
    %get3A_1579 = vector.shape_cast %get3A_1578 : vector<1x16xi32> to vector<16xi32>
    %add3A_1580 = vector.broadcast %mul3A_1535 : i32 to vector<16xi32>
    %add3A_1581 = arith.addi %get3A_1579, %add3A_1580 : vector<16xi32>
    %swap3A_1582 = arith.constant 12 : i32
    %swap3A_1583 = arith.index_cast %swap3A_1582 : i32 to index
    %swap3A_1584 = arith.constant 48 : index
    %swap3A_1585 = tpu.vector_load %arg5[%swap3A_1583, %swap3A_1584] {strides = array<i32>} : memref<16x128xi32, #tpu.memory_space<vmem>>, vector<1x16xi32>,
    %swap3A_1586 = vector.shape_cast %swap3A_1585 : vector<1x16xi32> to vector<16xi32>
    %swap3A_1587 = vector.shape_cast %add3A_1581 : vector<16xi32> to vector<1x16xi32>
    tpu.vector_store %arg5[%swap3A_1583, %swap3A_1584], %swap3A_1587 {strides = array<i32>} : memref<16x128xi32, #tpu.memory_space<vmem>>, vector<1x16xi32>,
    %get3A_1588 = arith.constant 12 : i32
    %get3A_1589 = arith.index_cast %get3A_1588 : i32 to index
    %get3A_1590 = arith.constant 64 : index
    %get3A_1591 = tpu.vector_load %arg5[%get3A_1589, %get3A_1590] {strides = array<i32>} : memref<16x128xi32, #tpu.memory_space<vmem>>, vector<1x16xi32>,
    %get3A_1592 = vector.shape_cast %get3A_1591 : vector<1x16xi32> to vector<16xi32>
    %add3A_1593 = vector.broadcast %mul3A_1535 : i32 to vector<16xi32>
    %add3A_1594 = arith.addi %get3A_1592, %add3A_1593 : vector<16xi32>
    %swap3A_1595 = arith.constant 12 : i32
    %swap3A_1596 = arith.index_cast %swap3A_1595 : i32 to index
    %swap3A_1597 = arith.constant 64 : index
    %swap3A_1598 = tpu.vector_load %arg5[%swap3A_1596, %swap3A_1597] {strides = array<i32>} : memref<16x128xi32, #tpu.memory_space<vmem>>, vector<1x16xi32>,
    %swap3A_1599 = vector.shape_cast %swap3A_1598 : vector<1x16xi32> to vector<16xi32>
    %swap3A_1600 = vector.shape_cast %add3A_1594 : vector<16xi32> to vector<1x16xi32>
    tpu.vector_store %arg5[%swap3A_1596, %swap3A_1597], %swap3A_1600 {strides = array<i32>} : memref<16x128xi32, #tpu.memory_space<vmem>>, vector<1x16xi32>,
    %get3A_1601 = arith.constant 12 : i32
    %get3A_1602 = arith.index_cast %get3A_1601 : i32 to index
    %get3A_1603 = arith.constant 80 : index
    %get3A_1604 = tpu.vector_load %arg5[%get3A_1602, %get3A_1603] {strides = array<i32>} : memref<16x128xi32, #tpu.memory_space<vmem>>, vector<1x16xi32>,
    %get3A_1605 = vector.shape_cast %get3A_1604 : vector<1x16xi32> to vector<16xi32>
    %add3A_1606 = vector.broadcast %mul3A_1535 : i32 to vector<16xi32>
    %add3A_1607 = arith.addi %get3A_1605, %add3A_1606 : vector<16xi32>
    %swap3A_1608 = arith.constant 12 : i32
    %swap3A_1609 = arith.index_cast %swap3A_1608 : i32 to index
    %swap3A_1610 = arith.constant 80 : index
    %swap3A_1611 = tpu.vector_load %arg5[%swap3A_1609, %swap3A_1610] {strides = array<i32>} : memref<16x128xi32, #tpu.memory_space<vmem>>, vector<1x16xi32>,
    %swap3A_1612 = vector.shape_cast %swap3A_1611 : vector<1x16xi32> to vector<16xi32>
    %swap3A_1613 = vector.shape_cast %add3A_1607 : vector<16xi32> to vector<1x16xi32>
    tpu.vector_store %arg5[%swap3A_1609, %swap3A_1610], %swap3A_1613 {strides = array<i32>} : memref<16x128xi32, #tpu.memory_space<vmem>>, vector<1x16xi32>,
    %get3A_1614 = arith.constant 12 : i32
    %get3A_1615 = arith.index_cast %get3A_1614 : i32 to index
    %get3A_1616 = arith.constant 96 : index
    %get3A_1617 = tpu.vector_load %arg5[%get3A_1615, %get3A_1616] {strides = array<i32>} : memref<16x128xi32, #tpu.memory_space<vmem>>, vector<1x16xi32>,
    %get3A_1618 = vector.shape_cast %get3A_1617 : vector<1x16xi32> to vector<16xi32>
    %add3A_1619 = vector.broadcast %mul3A_1535 : i32 to vector<16xi32>
    %add3A_1620 = arith.addi %get3A_1618, %add3A_1619 : vector<16xi32>
    %swap3A_1621 = arith.constant 12 : i32
    %swap3A_1622 = arith.index_cast %swap3A_1621 : i32 to index
    %swap3A_1623 = arith.constant 96 : index
    %swap3A_1624 = tpu.vector_load %arg5[%swap3A_1622, %swap3A_1623] {strides = array<i32>} : memref<16x128xi32, #tpu.memory_space<vmem>>, vector<1x16xi32>,
    %swap3A_1625 = vector.shape_cast %swap3A_1624 : vector<1x16xi32> to vector<16xi32>
    %swap3A_1626 = vector.shape_cast %add3A_1620 : vector<16xi32> to vector<1x16xi32>
    tpu.vector_store %arg5[%swap3A_1622, %swap3A_1623], %swap3A_1626 {strides = array<i32>} : memref<16x128xi32, #tpu.memory_space<vmem>>, vector<1x16xi32>,
    %get3A_1627 = arith.constant 12 : i32
    %get3A_1628 = arith.index_cast %get3A_1627 : i32 to index
    %get3A_1629 = arith.constant 112 : index
    %get3A_1630 = tpu.vector_load %arg5[%get3A_1628, %get3A_1629] {strides = array<i32>} : memref<16x128xi32, #tpu.memory_space<vmem>>, vector<1x16xi32>,
    %get3A_1631 = vector.shape_cast %get3A_1630 : vector<1x16xi32> to vector<16xi32>
    %add3A_1632 = vector.broadcast %mul3A_1535 : i32 to vector<16xi32>
    %add3A_1633 = arith.addi %get3A_1631, %add3A_1632 : vector<16xi32>
    %swap3A_1634 = arith.constant 12 : i32
    %swap3A_1635 = arith.index_cast %swap3A_1634 : i32 to index
    %swap3A_1636 = arith.constant 112 : index
    %swap3A_1637 = tpu.vector_load %arg5[%swap3A_1635, %swap3A_1636] {strides = array<i32>} : memref<16x128xi32, #tpu.memory_space<vmem>>, vector<1x16xi32>,
    %swap3A_1638 = vector.shape_cast %swap3A_1637 : vector<1x16xi32> to vector<16xi32>
    %swap3A_1639 = vector.shape_cast %add3A_1633 : vector<16xi32> to vector<1x16xi32>
    tpu.vector_store %arg5[%swap3A_1635, %swap3A_1636], %swap3A_1639 {strides = array<i32>} : memref<16x128xi32, #tpu.memory_space<vmem>>, vector<1x16xi32>,
    %dma_wait3A_1640 = arith.constant 7 : i32
    %dma_wait3A_1641 = arith.constant 0 : i32
    %dma_wait3A_1642 = tpu.memref_slice %arg5[%dma_wait3A_1640, %dma_wait3A_1641] : memref<16x128xi32, #tpu.memory_space<vmem>> -> memref<1x128xi32, #tpu.memory_space<vmem>>
    %dma_wait3A_1643 = tpu.memref_squeeze %dma_wait3A_1642 : memref<1x128xi32, #tpu.memory_space<vmem>> -> memref<128xi32, #tpu.memory_space<vmem>>
    %dma_wait3A_1644 = arith.constant 0 : i32
    %dma_wait3A_1645 = arith.constant 0 : i32
    %dma_wait3A_1646 = tpu.memref_slice %arg2[%dma_wait3A_1644, %dma_wait3A_1645] : memref<524288x128xf32, #tpu.memory_space<hbm>> -> memref<524288x128xf32, #tpu.memory_space<hbm>>
    tpu.wait_indirect_dma semaphore(%arg13 : memref<!tpu.dma_semaphore, #tpu.memory_space<semaphore_mem>>) src(%dma_wait3A_1646 : memref<524288x128xf32, #tpu.memory_space<hbm>>) dst(%arg6 : memref<128x128xf32, #tpu.memory_space<vmem>>)
    %add3A_1647 = arith.constant 7 : i32
    %add3A_1648 = arith.addi %mul3A_2, %add3A_1647 : i32
    %mul3A_1649 = arith.constant 128 : i32
    %mul3A_1650 = arith.muli %add3A_1648, %mul3A_1649 : i32
    %dma_start3A_1651 = arith.constant 0 : i32
    %dma_start3A_1652 = tpu.memref_slice %arg4[%mul3A_1650, %dma_start3A_1651] : memref<65536x128xf32, #tpu.memory_space<hbm>> -> memref<128x128xf32, #tpu.memory_space<hbm>>
    %dma_start3A_1653 = arith.constant 0 : i32
    %dma_start3A_1654 = tpu.memref_slice %arg4[%mul3A_1650, %dma_start3A_1653] : memref<65536x128xf32, #tpu.memory_space<hbm>> -> memref<128x128xf32, #tpu.memory_space<hbm>>
    tpu.enqueue_dma source(%arg6 : memref<128x128xf32, #tpu.memory_space<vmem>>) target(%dma_start3A_1654 : memref<128x128xf32, #tpu.memory_space<hbm>>) target_semaphore(%arg20 : memref<!tpu.dma_semaphore, #tpu.memory_space<semaphore_mem>>)
    %dma_wait3A_1655 = arith.constant 0 : i32
    %dma_wait3A_1656 = tpu.memref_slice %arg4[%mul3A_1378, %dma_wait3A_1655] : memref<65536x128xf32, #tpu.memory_space<hbm>> -> memref<128x128xf32, #tpu.memory_space<hbm>>
    %dma_wait3A_1657 = arith.constant 0 : i32
    %dma_wait3A_1658 = tpu.memref_slice %arg4[%mul3A_1378, %dma_wait3A_1657] : memref<65536x128xf32, #tpu.memory_space<hbm>> -> memref<128x128xf32, #tpu.memory_space<hbm>>
    tpu.wait_dma2 semaphore(%arg25 : memref<!tpu.dma_semaphore, #tpu.memory_space<semaphore_mem>>) src(%arg11 : memref<128x128xf32, #tpu.memory_space<vmem>>) dst(%dma_wait3A_1658 : memref<128x128xf32, #tpu.memory_space<hbm>>)
    %dma_start3A_1659 = arith.constant 12 : i32
    %dma_start3A_1660 = arith.constant 0 : i32
    %dma_start3A_1661 = tpu.memref_slice %arg5[%dma_start3A_1659, %dma_start3A_1660] : memref<16x128xi32, #tpu.memory_space<vmem>> -> memref<1x128xi32, #tpu.memory_space<vmem>>
    %dma_start3A_1662 = tpu.memref_squeeze %dma_start3A_1661 : memref<1x128xi32, #tpu.memory_space<vmem>> -> memref<128xi32, #tpu.memory_space<vmem>>
    %dma_start3A_1663 = arith.constant 0 : i32
    %dma_start3A_1664 = arith.constant 0 : i32
    %dma_start3A_1665 = tpu.memref_slice %arg2[%dma_start3A_1663, %dma_start3A_1664] : memref<524288x128xf32, #tpu.memory_space<hbm>> -> memref<524288x128xf32, #tpu.memory_space<hbm>>
    tpu.enqueue_indirect_dma source(%dma_start3A_1665 : memref<524288x128xf32, #tpu.memory_space<hbm>>) target(%arg11 : memref<128x128xf32, #tpu.memory_space<vmem>>) offsets(%dma_start3A_1662 : memref<128xi32, #tpu.memory_space<vmem>>) semaphore(%arg18 : memref<!tpu.dma_semaphore, #tpu.memory_space<semaphore_mem>>)
    %mul3A_1666 = arith.constant 4 : i32
    %mul3A_1667 = arith.muli %add3A, %mul3A_1666 : i32
    %add3A_1668 = arith.constant 3 : i32
    %add3A_1669 = arith.addi %mul3A_1667, %add3A_1668 : i32
    %mul3A_1670 = arith.constant 4096 : i32
    %mul3A_1671 = arith.muli %add3A_1669, %mul3A_1670 : i32
    %get3A_1672 = arith.constant 13 : i32
    %get3A_1673 = arith.index_cast %get3A_1672 : i32 to index
    %get3A_1674 = arith.constant 0 : index
    %get3A_1675 = tpu.vector_load %arg5[%get3A_1673, %get3A_1674] {strides = array<i32>} : memref<16x128xi32, #tpu.memory_space<vmem>>, vector<1x16xi32>,
    %get3A_1676 = vector.shape_cast %get3A_1675 : vector<1x16xi32> to vector<16xi32>
    %add3A_1677 = vector.broadcast %mul3A_1671 : i32 to vector<16xi32>
    %add3A_1678 = arith.addi %get3A_1676, %add3A_1677 : vector<16xi32>
    %swap3A_1679 = arith.constant 13 : i32
    %swap3A_1680 = arith.index_cast %swap3A_1679 : i32 to index
    %swap3A_1681 = arith.constant 0 : index
    %swap3A_1682 = tpu.vector_load %arg5[%swap3A_1680, %swap3A_1681] {strides = array<i32>} : memref<16x128xi32, #tpu.memory_space<vmem>>, vector<1x16xi32>,
    %swap3A_1683 = vector.shape_cast %swap3A_1682 : vector<1x16xi32> to vector<16xi32>
    %swap3A_1684 = vector.shape_cast %add3A_1678 : vector<16xi32> to vector<1x16xi32>
    tpu.vector_store %arg5[%swap3A_1680, %swap3A_1681], %swap3A_1684 {strides = array<i32>} : memref<16x128xi32, #tpu.memory_space<vmem>>, vector<1x16xi32>,
    %get3A_1685 = arith.constant 13 : i32
    %get3A_1686 = arith.index_cast %get3A_1685 : i32 to index
    %get3A_1687 = arith.constant 16 : index
    %get3A_1688 = tpu.vector_load %arg5[%get3A_1686, %get3A_1687] {strides = array<i32>} : memref<16x128xi32, #tpu.memory_space<vmem>>, vector<1x16xi32>,
    %get3A_1689 = vector.shape_cast %get3A_1688 : vector<1x16xi32> to vector<16xi32>
    %add3A_1690 = vector.broadcast %mul3A_1671 : i32 to vector<16xi32>
    %add3A_1691 = arith.addi %get3A_1689, %add3A_1690 : vector<16xi32>
    %swap3A_1692 = arith.constant 13 : i32
    %swap3A_1693 = arith.index_cast %swap3A_1692 : i32 to index
    %swap3A_1694 = arith.constant 16 : index
    %swap3A_1695 = tpu.vector_load %arg5[%swap3A_1693, %swap3A_1694] {strides = array<i32>} : memref<16x128xi32, #tpu.memory_space<vmem>>, vector<1x16xi32>,
    %swap3A_1696 = vector.shape_cast %swap3A_1695 : vector<1x16xi32> to vector<16xi32>
    %swap3A_1697 = vector.shape_cast %add3A_1691 : vector<16xi32> to vector<1x16xi32>
    tpu.vector_store %arg5[%swap3A_1693, %swap3A_1694], %swap3A_1697 {strides = array<i32>} : memref<16x128xi32, #tpu.memory_space<vmem>>, vector<1x16xi32>,
    %get3A_1698 = arith.constant 13 : i32
    %get3A_1699 = arith.index_cast %get3A_1698 : i32 to index
    %get3A_1700 = arith.constant 32 : index
    %get3A_1701 = tpu.vector_load %arg5[%get3A_1699, %get3A_1700] {strides = array<i32>} : memref<16x128xi32, #tpu.memory_space<vmem>>, vector<1x16xi32>,
    %get3A_1702 = vector.shape_cast %get3A_1701 : vector<1x16xi32> to vector<16xi32>
    %add3A_1703 = vector.broadcast %mul3A_1671 : i32 to vector<16xi32>
    %add3A_1704 = arith.addi %get3A_1702, %add3A_1703 : vector<16xi32>
    %swap3A_1705 = arith.constant 13 : i32
    %swap3A_1706 = arith.index_cast %swap3A_1705 : i32 to index
    %swap3A_1707 = arith.constant 32 : index
    %swap3A_1708 = tpu.vector_load %arg5[%swap3A_1706, %swap3A_1707] {strides = array<i32>} : memref<16x128xi32, #tpu.memory_space<vmem>>, vector<1x16xi32>,
    %swap3A_1709 = vector.shape_cast %swap3A_1708 : vector<1x16xi32> to vector<16xi32>
    %swap3A_1710 = vector.shape_cast %add3A_1704 : vector<16xi32> to vector<1x16xi32>
    tpu.vector_store %arg5[%swap3A_1706, %swap3A_1707], %swap3A_1710 {strides = array<i32>} : memref<16x128xi32, #tpu.memory_space<vmem>>, vector<1x16xi32>,
    %get3A_1711 = arith.constant 13 : i32
    %get3A_1712 = arith.index_cast %get3A_1711 : i32 to index
    %get3A_1713 = arith.constant 48 : index
    %get3A_1714 = tpu.vector_load %arg5[%get3A_1712, %get3A_1713] {strides = array<i32>} : memref<16x128xi32, #tpu.memory_space<vmem>>, vector<1x16xi32>,
    %get3A_1715 = vector.shape_cast %get3A_1714 : vector<1x16xi32> to vector<16xi32>
    %add3A_1716 = vector.broadcast %mul3A_1671 : i32 to vector<16xi32>
    %add3A_1717 = arith.addi %get3A_1715, %add3A_1716 : vector<16xi32>
    %swap3A_1718 = arith.constant 13 : i32
    %swap3A_1719 = arith.index_cast %swap3A_1718 : i32 to index
    %swap3A_1720 = arith.constant 48 : index
    %swap3A_1721 = tpu.vector_load %arg5[%swap3A_1719, %swap3A_1720] {strides = array<i32>} : memref<16x128xi32, #tpu.memory_space<vmem>>, vector<1x16xi32>,
    %swap3A_1722 = vector.shape_cast %swap3A_1721 : vector<1x16xi32> to vector<16xi32>
    %swap3A_1723 = vector.shape_cast %add3A_1717 : vector<16xi32> to vector<1x16xi32>
    tpu.vector_store %arg5[%swap3A_1719, %swap3A_1720], %swap3A_1723 {strides = array<i32>} : memref<16x128xi32, #tpu.memory_space<vmem>>, vector<1x16xi32>,
    %get3A_1724 = arith.constant 13 : i32
    %get3A_1725 = arith.index_cast %get3A_1724 : i32 to index
    %get3A_1726 = arith.constant 64 : index
    %get3A_1727 = tpu.vector_load %arg5[%get3A_1725, %get3A_1726] {strides = array<i32>} : memref<16x128xi32, #tpu.memory_space<vmem>>, vector<1x16xi32>,
    %get3A_1728 = vector.shape_cast %get3A_1727 : vector<1x16xi32> to vector<16xi32>
    %add3A_1729 = vector.broadcast %mul3A_1671 : i32 to vector<16xi32>
    %add3A_1730 = arith.addi %get3A_1728, %add3A_1729 : vector<16xi32>
    %swap3A_1731 = arith.constant 13 : i32
    %swap3A_1732 = arith.index_cast %swap3A_1731 : i32 to index
    %swap3A_1733 = arith.constant 64 : index
    %swap3A_1734 = tpu.vector_load %arg5[%swap3A_1732, %swap3A_1733] {strides = array<i32>} : memref<16x128xi32, #tpu.memory_space<vmem>>, vector<1x16xi32>,
    %swap3A_1735 = vector.shape_cast %swap3A_1734 : vector<1x16xi32> to vector<16xi32>
    %swap3A_1736 = vector.shape_cast %add3A_1730 : vector<16xi32> to vector<1x16xi32>
    tpu.vector_store %arg5[%swap3A_1732, %swap3A_1733], %swap3A_1736 {strides = array<i32>} : memref<16x128xi32, #tpu.memory_space<vmem>>, vector<1x16xi32>,
    %get3A_1737 = arith.constant 13 : i32
    %get3A_1738 = arith.index_cast %get3A_1737 : i32 to index
    %get3A_1739 = arith.constant 80 : index
    %get3A_1740 = tpu.vector_load %arg5[%get3A_1738, %get3A_1739] {strides = array<i32>} : memref<16x128xi32, #tpu.memory_space<vmem>>, vector<1x16xi32>,
    %get3A_1741 = vector.shape_cast %get3A_1740 : vector<1x16xi32> to vector<16xi32>
    %add3A_1742 = vector.broadcast %mul3A_1671 : i32 to vector<16xi32>
    %add3A_1743 = arith.addi %get3A_1741, %add3A_1742 : vector<16xi32>
    %swap3A_1744 = arith.constant 13 : i32
    %swap3A_1745 = arith.index_cast %swap3A_1744 : i32 to index
    %swap3A_1746 = arith.constant 80 : index
    %swap3A_1747 = tpu.vector_load %arg5[%swap3A_1745, %swap3A_1746] {strides = array<i32>} : memref<16x128xi32, #tpu.memory_space<vmem>>, vector<1x16xi32>,
    %swap3A_1748 = vector.shape_cast %swap3A_1747 : vector<1x16xi32> to vector<16xi32>
    %swap3A_1749 = vector.shape_cast %add3A_1743 : vector<16xi32> to vector<1x16xi32>
    tpu.vector_store %arg5[%swap3A_1745, %swap3A_1746], %swap3A_1749 {strides = array<i32>} : memref<16x128xi32, #tpu.memory_space<vmem>>, vector<1x16xi32>,
    %get3A_1750 = arith.constant 13 : i32
    %get3A_1751 = arith.index_cast %get3A_1750 : i32 to index
    %get3A_1752 = arith.constant 96 : index
    %get3A_1753 = tpu.vector_load %arg5[%get3A_1751, %get3A_1752] {strides = array<i32>} : memref<16x128xi32, #tpu.memory_space<vmem>>, vector<1x16xi32>,
    %get3A_1754 = vector.shape_cast %get3A_1753 : vector<1x16xi32> to vector<16xi32>
    %add3A_1755 = vector.broadcast %mul3A_1671 : i32 to vector<16xi32>
    %add3A_1756 = arith.addi %get3A_1754, %add3A_1755 : vector<16xi32>
    %swap3A_1757 = arith.constant 13 : i32
    %swap3A_1758 = arith.index_cast %swap3A_1757 : i32 to index
    %swap3A_1759 = arith.constant 96 : index
    %swap3A_1760 = tpu.vector_load %arg5[%swap3A_1758, %swap3A_1759] {strides = array<i32>} : memref<16x128xi32, #tpu.memory_space<vmem>>, vector<1x16xi32>,
    %swap3A_1761 = vector.shape_cast %swap3A_1760 : vector<1x16xi32> to vector<16xi32>
    %swap3A_1762 = vector.shape_cast %add3A_1756 : vector<16xi32> to vector<1x16xi32>
    tpu.vector_store %arg5[%swap3A_1758, %swap3A_1759], %swap3A_1762 {strides = array<i32>} : memref<16x128xi32, #tpu.memory_space<vmem>>, vector<1x16xi32>,
    %get3A_1763 = arith.constant 13 : i32
    %get3A_1764 = arith.index_cast %get3A_1763 : i32 to index
    %get3A_1765 = arith.constant 112 : index
    %get3A_1766 = tpu.vector_load %arg5[%get3A_1764, %get3A_1765] {strides = array<i32>} : memref<16x128xi32, #tpu.memory_space<vmem>>, vector<1x16xi32>,
    %get3A_1767 = vector.shape_cast %get3A_1766 : vector<1x16xi32> to vector<16xi32>
    %add3A_1768 = vector.broadcast %mul3A_1671 : i32 to vector<16xi32>
    %add3A_1769 = arith.addi %get3A_1767, %add3A_1768 : vector<16xi32>
    %swap3A_1770 = arith.constant 13 : i32
    %swap3A_1771 = arith.index_cast %swap3A_1770 : i32 to index
    %swap3A_1772 = arith.constant 112 : index
    %swap3A_1773 = tpu.vector_load %arg5[%swap3A_1771, %swap3A_1772] {strides = array<i32>} : memref<16x128xi32, #tpu.memory_space<vmem>>, vector<1x16xi32>,
    %swap3A_1774 = vector.shape_cast %swap3A_1773 : vector<1x16xi32> to vector<16xi32>
    %swap3A_1775 = vector.shape_cast %add3A_1769 : vector<16xi32> to vector<1x16xi32>
    tpu.vector_store %arg5[%swap3A_1771, %swap3A_1772], %swap3A_1775 {strides = array<i32>} : memref<16x128xi32, #tpu.memory_space<vmem>>, vector<1x16xi32>,
    %dma_wait3A_1776 = arith.constant 8 : i32
    %dma_wait3A_1777 = arith.constant 0 : i32
    %dma_wait3A_1778 = tpu.memref_slice %arg5[%dma_wait3A_1776, %dma_wait3A_1777] : memref<16x128xi32, #tpu.memory_space<vmem>> -> memref<1x128xi32, #tpu.memory_space<vmem>>
    %dma_wait3A_1779 = tpu.memref_squeeze %dma_wait3A_1778 : memref<1x128xi32, #tpu.memory_space<vmem>> -> memref<128xi32, #tpu.memory_space<vmem>>
    %dma_wait3A_1780 = arith.constant 0 : i32
    %dma_wait3A_1781 = arith.constant 0 : i32
    %dma_wait3A_1782 = tpu.memref_slice %arg2[%dma_wait3A_1780, %dma_wait3A_1781] : memref<524288x128xf32, #tpu.memory_space<hbm>> -> memref<524288x128xf32, #tpu.memory_space<hbm>>
    tpu.wait_indirect_dma semaphore(%arg14 : memref<!tpu.dma_semaphore, #tpu.memory_space<semaphore_mem>>) src(%dma_wait3A_1782 : memref<524288x128xf32, #tpu.memory_space<hbm>>) dst(%arg7 : memref<128x128xf32, #tpu.memory_space<vmem>>)
    %add3A_1783 = arith.constant 8 : i32
    %add3A_1784 = arith.addi %mul3A_2, %add3A_1783 : i32
    %mul3A_1785 = arith.constant 128 : i32
    %mul3A_1786 = arith.muli %add3A_1784, %mul3A_1785 : i32
    %dma_start3A_1787 = arith.constant 0 : i32
    %dma_start3A_1788 = tpu.memref_slice %arg4[%mul3A_1786, %dma_start3A_1787] : memref<65536x128xf32, #tpu.memory_space<hbm>> -> memref<128x128xf32, #tpu.memory_space<hbm>>
    %dma_start3A_1789 = arith.constant 0 : i32
    %dma_start3A_1790 = tpu.memref_slice %arg4[%mul3A_1786, %dma_start3A_1789] : memref<65536x128xf32, #tpu.memory_space<hbm>> -> memref<128x128xf32, #tpu.memory_space<hbm>>
    tpu.enqueue_dma source(%arg7 : memref<128x128xf32, #tpu.memory_space<vmem>>) target(%dma_start3A_1790 : memref<128x128xf32, #tpu.memory_space<hbm>>) target_semaphore(%arg21 : memref<!tpu.dma_semaphore, #tpu.memory_space<semaphore_mem>>)
    %dma_wait3A_1791 = arith.constant 0 : i32
    %dma_wait3A_1792 = tpu.memref_slice %arg4[%mul3A_1514, %dma_wait3A_1791] : memref<65536x128xf32, #tpu.memory_space<hbm>> -> memref<128x128xf32, #tpu.memory_space<hbm>>
    %dma_wait3A_1793 = arith.constant 0 : i32
    %dma_wait3A_1794 = tpu.memref_slice %arg4[%mul3A_1514, %dma_wait3A_1793] : memref<65536x128xf32, #tpu.memory_space<hbm>> -> memref<128x128xf32, #tpu.memory_space<hbm>>
    tpu.wait_dma2 semaphore(%arg26 : memref<!tpu.dma_semaphore, #tpu.memory_space<semaphore_mem>>) src(%arg12 : memref<128x128xf32, #tpu.memory_space<vmem>>) dst(%dma_wait3A_1794 : memref<128x128xf32, #tpu.memory_space<hbm>>)
    %dma_start3A_1795 = arith.constant 13 : i32
    %dma_start3A_1796 = arith.constant 0 : i32
    %dma_start3A_1797 = tpu.memref_slice %arg5[%dma_start3A_1795, %dma_start3A_1796] : memref<16x128xi32, #tpu.memory_space<vmem>> -> memref<1x128xi32, #tpu.memory_space<vmem>>
    %dma_start3A_1798 = tpu.memref_squeeze %dma_start3A_1797 : memref<1x128xi32, #tpu.memory_space<vmem>> -> memref<128xi32, #tpu.memory_space<vmem>>
    %dma_start3A_1799 = arith.constant 0 : i32
    %dma_start3A_1800 = arith.constant 0 : i32
    %dma_start3A_1801 = tpu.memref_slice %arg2[%dma_start3A_1799, %dma_start3A_1800] : memref<524288x128xf32, #tpu.memory_space<hbm>> -> memref<524288x128xf32, #tpu.memory_space<hbm>>
    tpu.enqueue_indirect_dma source(%dma_start3A_1801 : memref<524288x128xf32, #tpu.memory_space<hbm>>) target(%arg12 : memref<128x128xf32, #tpu.memory_space<vmem>>) offsets(%dma_start3A_1798 : memref<128xi32, #tpu.memory_space<vmem>>) semaphore(%arg19 : memref<!tpu.dma_semaphore, #tpu.memory_space<semaphore_mem>>)
    %mul3A_1802 = arith.constant 4 : i32
    %mul3A_1803 = arith.muli %add3A, %mul3A_1802 : i32
    %add3A_1804 = arith.constant 3 : i32
    %add3A_1805 = arith.addi %mul3A_1803, %add3A_1804 : i32
    %mul3A_1806 = arith.constant 4096 : i32
    %mul3A_1807 = arith.muli %add3A_1805, %mul3A_1806 : i32
    %get3A_1808 = arith.constant 14 : i32
    %get3A_1809 = arith.index_cast %get3A_1808 : i32 to index
    %get3A_1810 = arith.constant 0 : index
    %get3A_1811 = tpu.vector_load %arg5[%get3A_1809, %get3A_1810] {strides = array<i32>} : memref<16x128xi32, #tpu.memory_space<vmem>>, vector<1x16xi32>,
    %get3A_1812 = vector.shape_cast %get3A_1811 : vector<1x16xi32> to vector<16xi32>
    %add3A_1813 = vector.broadcast %mul3A_1807 : i32 to vector<16xi32>
    %add3A_1814 = arith.addi %get3A_1812, %add3A_1813 : vector<16xi32>
    %swap3A_1815 = arith.constant 14 : i32
    %swap3A_1816 = arith.index_cast %swap3A_1815 : i32 to index
    %swap3A_1817 = arith.constant 0 : index
    %swap3A_1818 = tpu.vector_load %arg5[%swap3A_1816, %swap3A_1817] {strides = array<i32>} : memref<16x128xi32, #tpu.memory_space<vmem>>, vector<1x16xi32>,
    %swap3A_1819 = vector.shape_cast %swap3A_1818 : vector<1x16xi32> to vector<16xi32>
    %swap3A_1820 = vector.shape_cast %add3A_1814 : vector<16xi32> to vector<1x16xi32>
    tpu.vector_store %arg5[%swap3A_1816, %swap3A_1817], %swap3A_1820 {strides = array<i32>} : memref<16x128xi32, #tpu.memory_space<vmem>>, vector<1x16xi32>,
    %get3A_1821 = arith.constant 14 : i32
    %get3A_1822 = arith.index_cast %get3A_1821 : i32 to index
    %get3A_1823 = arith.constant 16 : index
    %get3A_1824 = tpu.vector_load %arg5[%get3A_1822, %get3A_1823] {strides = array<i32>} : memref<16x128xi32, #tpu.memory_space<vmem>>, vector<1x16xi32>,
    %get3A_1825 = vector.shape_cast %get3A_1824 : vector<1x16xi32> to vector<16xi32>
    %add3A_1826 = vector.broadcast %mul3A_1807 : i32 to vector<16xi32>
    %add3A_1827 = arith.addi %get3A_1825, %add3A_1826 : vector<16xi32>
    %swap3A_1828 = arith.constant 14 : i32
    %swap3A_1829 = arith.index_cast %swap3A_1828 : i32 to index
    %swap3A_1830 = arith.constant 16 : index
    %swap3A_1831 = tpu.vector_load %arg5[%swap3A_1829, %swap3A_1830] {strides = array<i32>} : memref<16x128xi32, #tpu.memory_space<vmem>>, vector<1x16xi32>,
    %swap3A_1832 = vector.shape_cast %swap3A_1831 : vector<1x16xi32> to vector<16xi32>
    %swap3A_1833 = vector.shape_cast %add3A_1827 : vector<16xi32> to vector<1x16xi32>
    tpu.vector_store %arg5[%swap3A_1829, %swap3A_1830], %swap3A_1833 {strides = array<i32>} : memref<16x128xi32, #tpu.memory_space<vmem>>, vector<1x16xi32>,
    %get3A_1834 = arith.constant 14 : i32
    %get3A_1835 = arith.index_cast %get3A_1834 : i32 to index
    %get3A_1836 = arith.constant 32 : index
    %get3A_1837 = tpu.vector_load %arg5[%get3A_1835, %get3A_1836] {strides = array<i32>} : memref<16x128xi32, #tpu.memory_space<vmem>>, vector<1x16xi32>,
    %get3A_1838 = vector.shape_cast %get3A_1837 : vector<1x16xi32> to vector<16xi32>
    %add3A_1839 = vector.broadcast %mul3A_1807 : i32 to vector<16xi32>
    %add3A_1840 = arith.addi %get3A_1838, %add3A_1839 : vector<16xi32>
    %swap3A_1841 = arith.constant 14 : i32
    %swap3A_1842 = arith.index_cast %swap3A_1841 : i32 to index
    %swap3A_1843 = arith.constant 32 : index
    %swap3A_1844 = tpu.vector_load %arg5[%swap3A_1842, %swap3A_1843] {strides = array<i32>} : memref<16x128xi32, #tpu.memory_space<vmem>>, vector<1x16xi32>,
    %swap3A_1845 = vector.shape_cast %swap3A_1844 : vector<1x16xi32> to vector<16xi32>
    %swap3A_1846 = vector.shape_cast %add3A_1840 : vector<16xi32> to vector<1x16xi32>
    tpu.vector_store %arg5[%swap3A_1842, %swap3A_1843], %swap3A_1846 {strides = array<i32>} : memref<16x128xi32, #tpu.memory_space<vmem>>, vector<1x16xi32>,
    %get3A_1847 = arith.constant 14 : i32
    %get3A_1848 = arith.index_cast %get3A_1847 : i32 to index
    %get3A_1849 = arith.constant 48 : index
    %get3A_1850 = tpu.vector_load %arg5[%get3A_1848, %get3A_1849] {strides = array<i32>} : memref<16x128xi32, #tpu.memory_space<vmem>>, vector<1x16xi32>,
    %get3A_1851 = vector.shape_cast %get3A_1850 : vector<1x16xi32> to vector<16xi32>
    %add3A_1852 = vector.broadcast %mul3A_1807 : i32 to vector<16xi32>
    %add3A_1853 = arith.addi %get3A_1851, %add3A_1852 : vector<16xi32>
    %swap3A_1854 = arith.constant 14 : i32
    %swap3A_1855 = arith.index_cast %swap3A_1854 : i32 to index
    %swap3A_1856 = arith.constant 48 : index
    %swap3A_1857 = tpu.vector_load %arg5[%swap3A_1855, %swap3A_1856] {strides = array<i32>} : memref<16x128xi32, #tpu.memory_space<vmem>>, vector<1x16xi32>,
    %swap3A_1858 = vector.shape_cast %swap3A_1857 : vector<1x16xi32> to vector<16xi32>
    %swap3A_1859 = vector.shape_cast %add3A_1853 : vector<16xi32> to vector<1x16xi32>
    tpu.vector_store %arg5[%swap3A_1855, %swap3A_1856], %swap3A_1859 {strides = array<i32>} : memref<16x128xi32, #tpu.memory_space<vmem>>, vector<1x16xi32>,
    %get3A_1860 = arith.constant 14 : i32
    %get3A_1861 = arith.index_cast %get3A_1860 : i32 to index
    %get3A_1862 = arith.constant 64 : index
    %get3A_1863 = tpu.vector_load %arg5[%get3A_1861, %get3A_1862] {strides = array<i32>} : memref<16x128xi32, #tpu.memory_space<vmem>>, vector<1x16xi32>,
    %get3A_1864 = vector.shape_cast %get3A_1863 : vector<1x16xi32> to vector<16xi32>
    %add3A_1865 = vector.broadcast %mul3A_1807 : i32 to vector<16xi32>
    %add3A_1866 = arith.addi %get3A_1864, %add3A_1865 : vector<16xi32>
    %swap3A_1867 = arith.constant 14 : i32
    %swap3A_1868 = arith.index_cast %swap3A_1867 : i32 to index
    %swap3A_1869 = arith.constant 64 : index
    %swap3A_1870 = tpu.vector_load %arg5[%swap3A_1868, %swap3A_1869] {strides = array<i32>} : memref<16x128xi32, #tpu.memory_space<vmem>>, vector<1x16xi32>,
    %swap3A_1871 = vector.shape_cast %swap3A_1870 : vector<1x16xi32> to vector<16xi32>
    %swap3A_1872 = vector.shape_cast %add3A_1866 : vector<16xi32> to vector<1x16xi32>
    tpu.vector_store %arg5[%swap3A_1868, %swap3A_1869], %swap3A_1872 {strides = array<i32>} : memref<16x128xi32, #tpu.memory_space<vmem>>, vector<1x16xi32>,
    %get3A_1873 = arith.constant 14 : i32
    %get3A_1874 = arith.index_cast %get3A_1873 : i32 to index
    %get3A_1875 = arith.constant 80 : index
    %get3A_1876 = tpu.vector_load %arg5[%get3A_1874, %get3A_1875] {strides = array<i32>} : memref<16x128xi32, #tpu.memory_space<vmem>>, vector<1x16xi32>,
    %get3A_1877 = vector.shape_cast %get3A_1876 : vector<1x16xi32> to vector<16xi32>
    %add3A_1878 = vector.broadcast %mul3A_1807 : i32 to vector<16xi32>
    %add3A_1879 = arith.addi %get3A_1877, %add3A_1878 : vector<16xi32>
    %swap3A_1880 = arith.constant 14 : i32
    %swap3A_1881 = arith.index_cast %swap3A_1880 : i32 to index
    %swap3A_1882 = arith.constant 80 : index
    %swap3A_1883 = tpu.vector_load %arg5[%swap3A_1881, %swap3A_1882] {strides = array<i32>} : memref<16x128xi32, #tpu.memory_space<vmem>>, vector<1x16xi32>,
    %swap3A_1884 = vector.shape_cast %swap3A_1883 : vector<1x16xi32> to vector<16xi32>
    %swap3A_1885 = vector.shape_cast %add3A_1879 : vector<16xi32> to vector<1x16xi32>
    tpu.vector_store %arg5[%swap3A_1881, %swap3A_1882], %swap3A_1885 {strides = array<i32>} : memref<16x128xi32, #tpu.memory_space<vmem>>, vector<1x16xi32>,
    %get3A_1886 = arith.constant 14 : i32
    %get3A_1887 = arith.index_cast %get3A_1886 : i32 to index
    %get3A_1888 = arith.constant 96 : index
    %get3A_1889 = tpu.vector_load %arg5[%get3A_1887, %get3A_1888] {strides = array<i32>} : memref<16x128xi32, #tpu.memory_space<vmem>>, vector<1x16xi32>,
    %get3A_1890 = vector.shape_cast %get3A_1889 : vector<1x16xi32> to vector<16xi32>
    %add3A_1891 = vector.broadcast %mul3A_1807 : i32 to vector<16xi32>
    %add3A_1892 = arith.addi %get3A_1890, %add3A_1891 : vector<16xi32>
    %swap3A_1893 = arith.constant 14 : i32
    %swap3A_1894 = arith.index_cast %swap3A_1893 : i32 to index
    %swap3A_1895 = arith.constant 96 : index
    %swap3A_1896 = tpu.vector_load %arg5[%swap3A_1894, %swap3A_1895] {strides = array<i32>} : memref<16x128xi32, #tpu.memory_space<vmem>>, vector<1x16xi32>,
    %swap3A_1897 = vector.shape_cast %swap3A_1896 : vector<1x16xi32> to vector<16xi32>
    %swap3A_1898 = vector.shape_cast %add3A_1892 : vector<16xi32> to vector<1x16xi32>
    tpu.vector_store %arg5[%swap3A_1894, %swap3A_1895], %swap3A_1898 {strides = array<i32>} : memref<16x128xi32, #tpu.memory_space<vmem>>, vector<1x16xi32>,
    %get3A_1899 = arith.constant 14 : i32
    %get3A_1900 = arith.index_cast %get3A_1899 : i32 to index
    %get3A_1901 = arith.constant 112 : index
    %get3A_1902 = tpu.vector_load %arg5[%get3A_1900, %get3A_1901] {strides = array<i32>} : memref<16x128xi32, #tpu.memory_space<vmem>>, vector<1x16xi32>,
    %get3A_1903 = vector.shape_cast %get3A_1902 : vector<1x16xi32> to vector<16xi32>
    %add3A_1904 = vector.broadcast %mul3A_1807 : i32 to vector<16xi32>
    %add3A_1905 = arith.addi %get3A_1903, %add3A_1904 : vector<16xi32>
    %swap3A_1906 = arith.constant 14 : i32
    %swap3A_1907 = arith.index_cast %swap3A_1906 : i32 to index
    %swap3A_1908 = arith.constant 112 : index
    %swap3A_1909 = tpu.vector_load %arg5[%swap3A_1907, %swap3A_1908] {strides = array<i32>} : memref<16x128xi32, #tpu.memory_space<vmem>>, vector<1x16xi32>,
    %swap3A_1910 = vector.shape_cast %swap3A_1909 : vector<1x16xi32> to vector<16xi32>
    %swap3A_1911 = vector.shape_cast %add3A_1905 : vector<16xi32> to vector<1x16xi32>
    tpu.vector_store %arg5[%swap3A_1907, %swap3A_1908], %swap3A_1911 {strides = array<i32>} : memref<16x128xi32, #tpu.memory_space<vmem>>, vector<1x16xi32>,
    %dma_wait3A_1912 = arith.constant 9 : i32
    %dma_wait3A_1913 = arith.constant 0 : i32
    %dma_wait3A_1914 = tpu.memref_slice %arg5[%dma_wait3A_1912, %dma_wait3A_1913] : memref<16x128xi32, #tpu.memory_space<vmem>> -> memref<1x128xi32, #tpu.memory_space<vmem>>
    %dma_wait3A_1915 = tpu.memref_squeeze %dma_wait3A_1914 : memref<1x128xi32, #tpu.memory_space<vmem>> -> memref<128xi32, #tpu.memory_space<vmem>>
    %dma_wait3A_1916 = arith.constant 0 : i32
    %dma_wait3A_1917 = arith.constant 0 : i32
    %dma_wait3A_1918 = tpu.memref_slice %arg2[%dma_wait3A_1916, %dma_wait3A_1917] : memref<524288x128xf32, #tpu.memory_space<hbm>> -> memref<524288x128xf32, #tpu.memory_space<hbm>>
    tpu.wait_indirect_dma semaphore(%arg15 : memref<!tpu.dma_semaphore, #tpu.memory_space<semaphore_mem>>) src(%dma_wait3A_1918 : memref<524288x128xf32, #tpu.memory_space<hbm>>) dst(%arg8 : memref<128x128xf32, #tpu.memory_space<vmem>>)
    %add3A_1919 = arith.constant 9 : i32
    %add3A_1920 = arith.addi %mul3A_2, %add3A_1919 : i32
    %mul3A_1921 = arith.constant 128 : i32
    %mul3A_1922 = arith.muli %add3A_1920, %mul3A_1921 : i32
    %dma_start3A_1923 = arith.constant 0 : i32
    %dma_start3A_1924 = tpu.memref_slice %arg4[%mul3A_1922, %dma_start3A_1923] : memref<65536x128xf32, #tpu.memory_space<hbm>> -> memref<128x128xf32, #tpu.memory_space<hbm>>
    %dma_start3A_1925 = arith.constant 0 : i32
    %dma_start3A_1926 = tpu.memref_slice %arg4[%mul3A_1922, %dma_start3A_1925] : memref<65536x128xf32, #tpu.memory_space<hbm>> -> memref<128x128xf32, #tpu.memory_space<hbm>>
    tpu.enqueue_dma source(%arg8 : memref<128x128xf32, #tpu.memory_space<vmem>>) target(%dma_start3A_1926 : memref<128x128xf32, #tpu.memory_space<hbm>>) target_semaphore(%arg22 : memref<!tpu.dma_semaphore, #tpu.memory_space<semaphore_mem>>)
    %dma_wait3A_1927 = arith.constant 0 : i32
    %dma_wait3A_1928 = tpu.memref_slice %arg4[%mul3A_1650, %dma_wait3A_1927] : memref<65536x128xf32, #tpu.memory_space<hbm>> -> memref<128x128xf32, #tpu.memory_space<hbm>>
    %dma_wait3A_1929 = arith.constant 0 : i32
    %dma_wait3A_1930 = tpu.memref_slice %arg4[%mul3A_1650, %dma_wait3A_1929] : memref<65536x128xf32, #tpu.memory_space<hbm>> -> memref<128x128xf32, #tpu.memory_space<hbm>>
    tpu.wait_dma2 semaphore(%arg20 : memref<!tpu.dma_semaphore, #tpu.memory_space<semaphore_mem>>) src(%arg6 : memref<128x128xf32, #tpu.memory_space<vmem>>) dst(%dma_wait3A_1930 : memref<128x128xf32, #tpu.memory_space<hbm>>)
    %dma_start3A_1931 = arith.constant 14 : i32
    %dma_start3A_1932 = arith.constant 0 : i32
    %dma_start3A_1933 = tpu.memref_slice %arg5[%dma_start3A_1931, %dma_start3A_1932] : memref<16x128xi32, #tpu.memory_space<vmem>> -> memref<1x128xi32, #tpu.memory_space<vmem>>
    %dma_start3A_1934 = tpu.memref_squeeze %dma_start3A_1933 : memref<1x128xi32, #tpu.memory_space<vmem>> -> memref<128xi32, #tpu.memory_space<vmem>>
    %dma_start3A_1935 = arith.constant 0 : i32
    %dma_start3A_1936 = arith.constant 0 : i32
    %dma_start3A_1937 = tpu.memref_slice %arg2[%dma_start3A_1935, %dma_start3A_1936] : memref<524288x128xf32, #tpu.memory_space<hbm>> -> memref<524288x128xf32, #tpu.memory_space<hbm>>
    tpu.enqueue_indirect_dma source(%dma_start3A_1937 : memref<524288x128xf32, #tpu.memory_space<hbm>>) target(%arg6 : memref<128x128xf32, #tpu.memory_space<vmem>>) offsets(%dma_start3A_1934 : memref<128xi32, #tpu.memory_space<vmem>>) semaphore(%arg13 : memref<!tpu.dma_semaphore, #tpu.memory_space<semaphore_mem>>)
    %mul3A_1938 = arith.constant 4 : i32
    %mul3A_1939 = arith.muli %add3A, %mul3A_1938 : i32
    %add3A_1940 = arith.constant 3 : i32
    %add3A_1941 = arith.addi %mul3A_1939, %add3A_1940 : i32
    %mul3A_1942 = arith.constant 4096 : i32
    %mul3A_1943 = arith.muli %add3A_1941, %mul3A_1942 : i32
    %get3A_1944 = arith.constant 15 : i32
    %get3A_1945 = arith.index_cast %get3A_1944 : i32 to index
    %get3A_1946 = arith.constant 0 : index
    %get3A_1947 = tpu.vector_load %arg5[%get3A_1945, %get3A_1946] {strides = array<i32>} : memref<16x128xi32, #tpu.memory_space<vmem>>, vector<1x16xi32>,
    %get3A_1948 = vector.shape_cast %get3A_1947 : vector<1x16xi32> to vector<16xi32>
    %add3A_1949 = vector.broadcast %mul3A_1943 : i32 to vector<16xi32>
    %add3A_1950 = arith.addi %get3A_1948, %add3A_1949 : vector<16xi32>
    %swap3A_1951 = arith.constant 15 : i32
    %swap3A_1952 = arith.index_cast %swap3A_1951 : i32 to index
    %swap3A_1953 = arith.constant 0 : index
    %swap3A_1954 = tpu.vector_load %arg5[%swap3A_1952, %swap3A_1953] {strides = array<i32>} : memref<16x128xi32, #tpu.memory_space<vmem>>, vector<1x16xi32>,
    %swap3A_1955 = vector.shape_cast %swap3A_1954 : vector<1x16xi32> to vector<16xi32>
    %swap3A_1956 = vector.shape_cast %add3A_1950 : vector<16xi32> to vector<1x16xi32>
    tpu.vector_store %arg5[%swap3A_1952, %swap3A_1953], %swap3A_1956 {strides = array<i32>} : memref<16x128xi32, #tpu.memory_space<vmem>>, vector<1x16xi32>,
    %get3A_1957 = arith.constant 15 : i32
    %get3A_1958 = arith.index_cast %get3A_1957 : i32 to index
    %get3A_1959 = arith.constant 16 : index
    %get3A_1960 = tpu.vector_load %arg5[%get3A_1958, %get3A_1959] {strides = array<i32>} : memref<16x128xi32, #tpu.memory_space<vmem>>, vector<1x16xi32>,
    %get3A_1961 = vector.shape_cast %get3A_1960 : vector<1x16xi32> to vector<16xi32>
    %add3A_1962 = vector.broadcast %mul3A_1943 : i32 to vector<16xi32>
    %add3A_1963 = arith.addi %get3A_1961, %add3A_1962 : vector<16xi32>
    %swap3A_1964 = arith.constant 15 : i32
    %swap3A_1965 = arith.index_cast %swap3A_1964 : i32 to index
    %swap3A_1966 = arith.constant 16 : index
    %swap3A_1967 = tpu.vector_load %arg5[%swap3A_1965, %swap3A_1966] {strides = array<i32>} : memref<16x128xi32, #tpu.memory_space<vmem>>, vector<1x16xi32>,
    %swap3A_1968 = vector.shape_cast %swap3A_1967 : vector<1x16xi32> to vector<16xi32>
    %swap3A_1969 = vector.shape_cast %add3A_1963 : vector<16xi32> to vector<1x16xi32>
    tpu.vector_store %arg5[%swap3A_1965, %swap3A_1966], %swap3A_1969 {strides = array<i32>} : memref<16x128xi32, #tpu.memory_space<vmem>>, vector<1x16xi32>,
    %get3A_1970 = arith.constant 15 : i32
    %get3A_1971 = arith.index_cast %get3A_1970 : i32 to index
    %get3A_1972 = arith.constant 32 : index
    %get3A_1973 = tpu.vector_load %arg5[%get3A_1971, %get3A_1972] {strides = array<i32>} : memref<16x128xi32, #tpu.memory_space<vmem>>, vector<1x16xi32>,
    %get3A_1974 = vector.shape_cast %get3A_1973 : vector<1x16xi32> to vector<16xi32>
    %add3A_1975 = vector.broadcast %mul3A_1943 : i32 to vector<16xi32>
    %add3A_1976 = arith.addi %get3A_1974, %add3A_1975 : vector<16xi32>
    %swap3A_1977 = arith.constant 15 : i32
    %swap3A_1978 = arith.index_cast %swap3A_1977 : i32 to index
    %swap3A_1979 = arith.constant 32 : index
    %swap3A_1980 = tpu.vector_load %arg5[%swap3A_1978, %swap3A_1979] {strides = array<i32>} : memref<16x128xi32, #tpu.memory_space<vmem>>, vector<1x16xi32>,
    %swap3A_1981 = vector.shape_cast %swap3A_1980 : vector<1x16xi32> to vector<16xi32>
    %swap3A_1982 = vector.shape_cast %add3A_1976 : vector<16xi32> to vector<1x16xi32>
    tpu.vector_store %arg5[%swap3A_1978, %swap3A_1979], %swap3A_1982 {strides = array<i32>} : memref<16x128xi32, #tpu.memory_space<vmem>>, vector<1x16xi32>,
    %get3A_1983 = arith.constant 15 : i32
    %get3A_1984 = arith.index_cast %get3A_1983 : i32 to index
    %get3A_1985 = arith.constant 48 : index
    %get3A_1986 = tpu.vector_load %arg5[%get3A_1984, %get3A_1985] {strides = array<i32>} : memref<16x128xi32, #tpu.memory_space<vmem>>, vector<1x16xi32>,
    %get3A_1987 = vector.shape_cast %get3A_1986 : vector<1x16xi32> to vector<16xi32>
    %add3A_1988 = vector.broadcast %mul3A_1943 : i32 to vector<16xi32>
    %add3A_1989 = arith.addi %get3A_1987, %add3A_1988 : vector<16xi32>
    %swap3A_1990 = arith.constant 15 : i32
    %swap3A_1991 = arith.index_cast %swap3A_1990 : i32 to index
    %swap3A_1992 = arith.constant 48 : index
    %swap3A_1993 = tpu.vector_load %arg5[%swap3A_1991, %swap3A_1992] {strides = array<i32>} : memref<16x128xi32, #tpu.memory_space<vmem>>, vector<1x16xi32>,
    %swap3A_1994 = vector.shape_cast %swap3A_1993 : vector<1x16xi32> to vector<16xi32>
    %swap3A_1995 = vector.shape_cast %add3A_1989 : vector<16xi32> to vector<1x16xi32>
    tpu.vector_store %arg5[%swap3A_1991, %swap3A_1992], %swap3A_1995 {strides = array<i32>} : memref<16x128xi32, #tpu.memory_space<vmem>>, vector<1x16xi32>,
    %get3A_1996 = arith.constant 15 : i32
    %get3A_1997 = arith.index_cast %get3A_1996 : i32 to index
    %get3A_1998 = arith.constant 64 : index
    %get3A_1999 = tpu.vector_load %arg5[%get3A_1997, %get3A_1998] {strides = array<i32>} : memref<16x128xi32, #tpu.memory_space<vmem>>, vector<1x16xi32>,
    %get3A_2000 = vector.shape_cast %get3A_1999 : vector<1x16xi32> to vector<16xi32>
    %add3A_2001 = vector.broadcast %mul3A_1943 : i32 to vector<16xi32>
    %add3A_2002 = arith.addi %get3A_2000, %add3A_2001 : vector<16xi32>
    %swap3A_2003 = arith.constant 15 : i32
    %swap3A_2004 = arith.index_cast %swap3A_2003 : i32 to index
    %swap3A_2005 = arith.constant 64 : index
    %swap3A_2006 = tpu.vector_load %arg5[%swap3A_2004, %swap3A_2005] {strides = array<i32>} : memref<16x128xi32, #tpu.memory_space<vmem>>, vector<1x16xi32>,
    %swap3A_2007 = vector.shape_cast %swap3A_2006 : vector<1x16xi32> to vector<16xi32>
    %swap3A_2008 = vector.shape_cast %add3A_2002 : vector<16xi32> to vector<1x16xi32>
    tpu.vector_store %arg5[%swap3A_2004, %swap3A_2005], %swap3A_2008 {strides = array<i32>} : memref<16x128xi32, #tpu.memory_space<vmem>>, vector<1x16xi32>,
    %get3A_2009 = arith.constant 15 : i32
    %get3A_2010 = arith.index_cast %get3A_2009 : i32 to index
    %get3A_2011 = arith.constant 80 : index
    %get3A_2012 = tpu.vector_load %arg5[%get3A_2010, %get3A_2011] {strides = array<i32>} : memref<16x128xi32, #tpu.memory_space<vmem>>, vector<1x16xi32>,
    %get3A_2013 = vector.shape_cast %get3A_2012 : vector<1x16xi32> to vector<16xi32>
    %add3A_2014 = vector.broadcast %mul3A_1943 : i32 to vector<16xi32>
    %add3A_2015 = arith.addi %get3A_2013, %add3A_2014 : vector<16xi32>
    %swap3A_2016 = arith.constant 15 : i32
    %swap3A_2017 = arith.index_cast %swap3A_2016 : i32 to index
    %swap3A_2018 = arith.constant 80 : index
    %swap3A_2019 = tpu.vector_load %arg5[%swap3A_2017, %swap3A_2018] {strides = array<i32>} : memref<16x128xi32, #tpu.memory_space<vmem>>, vector<1x16xi32>,
    %swap3A_2020 = vector.shape_cast %swap3A_2019 : vector<1x16xi32> to vector<16xi32>
    %swap3A_2021 = vector.shape_cast %add3A_2015 : vector<16xi32> to vector<1x16xi32>
    tpu.vector_store %arg5[%swap3A_2017, %swap3A_2018], %swap3A_2021 {strides = array<i32>} : memref<16x128xi32, #tpu.memory_space<vmem>>, vector<1x16xi32>,
    %get3A_2022 = arith.constant 15 : i32
    %get3A_2023 = arith.index_cast %get3A_2022 : i32 to index
    %get3A_2024 = arith.constant 96 : index
    %get3A_2025 = tpu.vector_load %arg5[%get3A_2023, %get3A_2024] {strides = array<i32>} : memref<16x128xi32, #tpu.memory_space<vmem>>, vector<1x16xi32>,
    %get3A_2026 = vector.shape_cast %get3A_2025 : vector<1x16xi32> to vector<16xi32>
    %add3A_2027 = vector.broadcast %mul3A_1943 : i32 to vector<16xi32>
    %add3A_2028 = arith.addi %get3A_2026, %add3A_2027 : vector<16xi32>
    %swap3A_2029 = arith.constant 15 : i32
    %swap3A_2030 = arith.index_cast %swap3A_2029 : i32 to index
    %swap3A_2031 = arith.constant 96 : index
    %swap3A_2032 = tpu.vector_load %arg5[%swap3A_2030, %swap3A_2031] {strides = array<i32>} : memref<16x128xi32, #tpu.memory_space<vmem>>, vector<1x16xi32>,
    %swap3A_2033 = vector.shape_cast %swap3A_2032 : vector<1x16xi32> to vector<16xi32>
    %swap3A_2034 = vector.shape_cast %add3A_2028 : vector<16xi32> to vector<1x16xi32>
    tpu.vector_store %arg5[%swap3A_2030, %swap3A_2031], %swap3A_2034 {strides = array<i32>} : memref<16x128xi32, #tpu.memory_space<vmem>>, vector<1x16xi32>,
    %get3A_2035 = arith.constant 15 : i32
    %get3A_2036 = arith.index_cast %get3A_2035 : i32 to index
    %get3A_2037 = arith.constant 112 : index
    %get3A_2038 = tpu.vector_load %arg5[%get3A_2036, %get3A_2037] {strides = array<i32>} : memref<16x128xi32, #tpu.memory_space<vmem>>, vector<1x16xi32>,
    %get3A_2039 = vector.shape_cast %get3A_2038 : vector<1x16xi32> to vector<16xi32>
    %add3A_2040 = vector.broadcast %mul3A_1943 : i32 to vector<16xi32>
    %add3A_2041 = arith.addi %get3A_2039, %add3A_2040 : vector<16xi32>
    %swap3A_2042 = arith.constant 15 : i32
    %swap3A_2043 = arith.index_cast %swap3A_2042 : i32 to index
    %swap3A_2044 = arith.constant 112 : index
    %swap3A_2045 = tpu.vector_load %arg5[%swap3A_2043, %swap3A_2044] {strides = array<i32>} : memref<16x128xi32, #tpu.memory_space<vmem>>, vector<1x16xi32>,
    %swap3A_2046 = vector.shape_cast %swap3A_2045 : vector<1x16xi32> to vector<16xi32>
    %swap3A_2047 = vector.shape_cast %add3A_2041 : vector<16xi32> to vector<1x16xi32>
    tpu.vector_store %arg5[%swap3A_2043, %swap3A_2044], %swap3A_2047 {strides = array<i32>} : memref<16x128xi32, #tpu.memory_space<vmem>>, vector<1x16xi32>,
    %dma_wait3A_2048 = arith.constant 10 : i32
    %dma_wait3A_2049 = arith.constant 0 : i32
    %dma_wait3A_2050 = tpu.memref_slice %arg5[%dma_wait3A_2048, %dma_wait3A_2049] : memref<16x128xi32, #tpu.memory_space<vmem>> -> memref<1x128xi32, #tpu.memory_space<vmem>>
    %dma_wait3A_2051 = tpu.memref_squeeze %dma_wait3A_2050 : memref<1x128xi32, #tpu.memory_space<vmem>> -> memref<128xi32, #tpu.memory_space<vmem>>
    %dma_wait3A_2052 = arith.constant 0 : i32
    %dma_wait3A_2053 = arith.constant 0 : i32
    %dma_wait3A_2054 = tpu.memref_slice %arg2[%dma_wait3A_2052, %dma_wait3A_2053] : memref<524288x128xf32, #tpu.memory_space<hbm>> -> memref<524288x128xf32, #tpu.memory_space<hbm>>
    tpu.wait_indirect_dma semaphore(%arg16 : memref<!tpu.dma_semaphore, #tpu.memory_space<semaphore_mem>>) src(%dma_wait3A_2054 : memref<524288x128xf32, #tpu.memory_space<hbm>>) dst(%arg9 : memref<128x128xf32, #tpu.memory_space<vmem>>)
    %add3A_2055 = arith.constant 10 : i32
    %add3A_2056 = arith.addi %mul3A_2, %add3A_2055 : i32
    %mul3A_2057 = arith.constant 128 : i32
    %mul3A_2058 = arith.muli %add3A_2056, %mul3A_2057 : i32
    %dma_start3A_2059 = arith.constant 0 : i32
    %dma_start3A_2060 = tpu.memref_slice %arg4[%mul3A_2058, %dma_start3A_2059] : memref<65536x128xf32, #tpu.memory_space<hbm>> -> memref<128x128xf32, #tpu.memory_space<hbm>>
    %dma_start3A_2061 = arith.constant 0 : i32
    %dma_start3A_2062 = tpu.memref_slice %arg4[%mul3A_2058, %dma_start3A_2061] : memref<65536x128xf32, #tpu.memory_space<hbm>> -> memref<128x128xf32, #tpu.memory_space<hbm>>
    tpu.enqueue_dma source(%arg9 : memref<128x128xf32, #tpu.memory_space<vmem>>) target(%dma_start3A_2062 : memref<128x128xf32, #tpu.memory_space<hbm>>) target_semaphore(%arg23 : memref<!tpu.dma_semaphore, #tpu.memory_space<semaphore_mem>>)
    %dma_wait3A_2063 = arith.constant 0 : i32
    %dma_wait3A_2064 = tpu.memref_slice %arg4[%mul3A_1786, %dma_wait3A_2063] : memref<65536x128xf32, #tpu.memory_space<hbm>> -> memref<128x128xf32, #tpu.memory_space<hbm>>
    %dma_wait3A_2065 = arith.constant 0 : i32
    %dma_wait3A_2066 = tpu.memref_slice %arg4[%mul3A_1786, %dma_wait3A_2065] : memref<65536x128xf32, #tpu.memory_space<hbm>> -> memref<128x128xf32, #tpu.memory_space<hbm>>
    tpu.wait_dma2 semaphore(%arg21 : memref<!tpu.dma_semaphore, #tpu.memory_space<semaphore_mem>>) src(%arg7 : memref<128x128xf32, #tpu.memory_space<vmem>>) dst(%dma_wait3A_2066 : memref<128x128xf32, #tpu.memory_space<hbm>>)
    %dma_start3A_2067 = arith.constant 15 : i32
    %dma_start3A_2068 = arith.constant 0 : i32
    %dma_start3A_2069 = tpu.memref_slice %arg5[%dma_start3A_2067, %dma_start3A_2068] : memref<16x128xi32, #tpu.memory_space<vmem>> -> memref<1x128xi32, #tpu.memory_space<vmem>>
    %dma_start3A_2070 = tpu.memref_squeeze %dma_start3A_2069 : memref<1x128xi32, #tpu.memory_space<vmem>> -> memref<128xi32, #tpu.memory_space<vmem>>
    %dma_start3A_2071 = arith.constant 0 : i32
    %dma_start3A_2072 = arith.constant 0 : i32
    %dma_start3A_2073 = tpu.memref_slice %arg2[%dma_start3A_2071, %dma_start3A_2072] : memref<524288x128xf32, #tpu.memory_space<hbm>> -> memref<524288x128xf32, #tpu.memory_space<hbm>>
    tpu.enqueue_indirect_dma source(%dma_start3A_2073 : memref<524288x128xf32, #tpu.memory_space<hbm>>) target(%arg7 : memref<128x128xf32, #tpu.memory_space<vmem>>) offsets(%dma_start3A_2070 : memref<128xi32, #tpu.memory_space<vmem>>) semaphore(%arg14 : memref<!tpu.dma_semaphore, #tpu.memory_space<semaphore_mem>>)
    %dma_wait3A_2074 = arith.constant 11 : i32
    %dma_wait3A_2075 = arith.constant 0 : i32
    %dma_wait3A_2076 = tpu.memref_slice %arg5[%dma_wait3A_2074, %dma_wait3A_2075] : memref<16x128xi32, #tpu.memory_space<vmem>> -> memref<1x128xi32, #tpu.memory_space<vmem>>
    %dma_wait3A_2077 = tpu.memref_squeeze %dma_wait3A_2076 : memref<1x128xi32, #tpu.memory_space<vmem>> -> memref<128xi32, #tpu.memory_space<vmem>>
    %dma_wait3A_2078 = arith.constant 0 : i32
    %dma_wait3A_2079 = arith.constant 0 : i32
    %dma_wait3A_2080 = tpu.memref_slice %arg2[%dma_wait3A_2078, %dma_wait3A_2079] : memref<524288x128xf32, #tpu.memory_space<hbm>> -> memref<524288x128xf32, #tpu.memory_space<hbm>>
    tpu.wait_indirect_dma semaphore(%arg17 : memref<!tpu.dma_semaphore, #tpu.memory_space<semaphore_mem>>) src(%dma_wait3A_2080 : memref<524288x128xf32, #tpu.memory_space<hbm>>) dst(%arg10 : memref<128x128xf32, #tpu.memory_space<vmem>>)
    %add3A_2081 = arith.constant 11 : i32
    %add3A_2082 = arith.addi %mul3A_2, %add3A_2081 : i32
    %mul3A_2083 = arith.constant 128 : i32
    %mul3A_2084 = arith.muli %add3A_2082, %mul3A_2083 : i32
    %dma_start3A_2085 = arith.constant 0 : i32
    %dma_start3A_2086 = tpu.memref_slice %arg4[%mul3A_2084, %dma_start3A_2085] : memref<65536x128xf32, #tpu.memory_space<hbm>> -> memref<128x128xf32, #tpu.memory_space<hbm>>
    %dma_start3A_2087 = arith.constant 0 : i32
    %dma_start3A_2088 = tpu.memref_slice %arg4[%mul3A_2084, %dma_start3A_2087] : memref<65536x128xf32, #tpu.memory_space<hbm>> -> memref<128x128xf32, #tpu.memory_space<hbm>>
    tpu.enqueue_dma source(%arg10 : memref<128x128xf32, #tpu.memory_space<vmem>>) target(%dma_start3A_2088 : memref<128x128xf32, #tpu.memory_space<hbm>>) target_semaphore(%arg24 : memref<!tpu.dma_semaphore, #tpu.memory_space<semaphore_mem>>)
    %dma_wait3A_2089 = arith.constant 12 : i32
    %dma_wait3A_2090 = arith.constant 0 : i32
    %dma_wait3A_2091 = tpu.memref_slice %arg5[%dma_wait3A_2089, %dma_wait3A_2090] : memref<16x128xi32, #tpu.memory_space<vmem>> -> memref<1x128xi32, #tpu.memory_space<vmem>>
    %dma_wait3A_2092 = tpu.memref_squeeze %dma_wait3A_2091 : memref<1x128xi32, #tpu.memory_space<vmem>> -> memref<128xi32, #tpu.memory_space<vmem>>
    %dma_wait3A_2093 = arith.constant 0 : i32
    %dma_wait3A_2094 = arith.constant 0 : i32
    %dma_wait3A_2095 = tpu.memref_slice %arg2[%dma_wait3A_2093, %dma_wait3A_2094] : memref<524288x128xf32, #tpu.memory_space<hbm>> -> memref<524288x128xf32, #tpu.memory_space<hbm>>
    tpu.wait_indirect_dma semaphore(%arg18 : memref<!tpu.dma_semaphore, #tpu.memory_space<semaphore_mem>>) src(%dma_wait3A_2095 : memref<524288x128xf32, #tpu.memory_space<hbm>>) dst(%arg11 : memref<128x128xf32, #tpu.memory_space<vmem>>)
    %add3A_2096 = arith.constant 12 : i32
    %add3A_2097 = arith.addi %mul3A_2, %add3A_2096 : i32
    %mul3A_2098 = arith.constant 128 : i32
    %mul3A_2099 = arith.muli %add3A_2097, %mul3A_2098 : i32
    %dma_start3A_2100 = arith.constant 0 : i32
    %dma_start3A_2101 = tpu.memref_slice %arg4[%mul3A_2099, %dma_start3A_2100] : memref<65536x128xf32, #tpu.memory_space<hbm>> -> memref<128x128xf32, #tpu.memory_space<hbm>>
    %dma_start3A_2102 = arith.constant 0 : i32
    %dma_start3A_2103 = tpu.memref_slice %arg4[%mul3A_2099, %dma_start3A_2102] : memref<65536x128xf32, #tpu.memory_space<hbm>> -> memref<128x128xf32, #tpu.memory_space<hbm>>
    tpu.enqueue_dma source(%arg11 : memref<128x128xf32, #tpu.memory_space<vmem>>) target(%dma_start3A_2103 : memref<128x128xf32, #tpu.memory_space<hbm>>) target_semaphore(%arg25 : memref<!tpu.dma_semaphore, #tpu.memory_space<semaphore_mem>>)
    %dma_wait3A_2104 = arith.constant 13 : i32
    %dma_wait3A_2105 = arith.constant 0 : i32
    %dma_wait3A_2106 = tpu.memref_slice %arg5[%dma_wait3A_2104, %dma_wait3A_2105] : memref<16x128xi32, #tpu.memory_space<vmem>> -> memref<1x128xi32, #tpu.memory_space<vmem>>
    %dma_wait3A_2107 = tpu.memref_squeeze %dma_wait3A_2106 : memref<1x128xi32, #tpu.memory_space<vmem>> -> memref<128xi32, #tpu.memory_space<vmem>>
    %dma_wait3A_2108 = arith.constant 0 : i32
    %dma_wait3A_2109 = arith.constant 0 : i32
    %dma_wait3A_2110 = tpu.memref_slice %arg2[%dma_wait3A_2108, %dma_wait3A_2109] : memref<524288x128xf32, #tpu.memory_space<hbm>> -> memref<524288x128xf32, #tpu.memory_space<hbm>>
    tpu.wait_indirect_dma semaphore(%arg19 : memref<!tpu.dma_semaphore, #tpu.memory_space<semaphore_mem>>) src(%dma_wait3A_2110 : memref<524288x128xf32, #tpu.memory_space<hbm>>) dst(%arg12 : memref<128x128xf32, #tpu.memory_space<vmem>>)
    %add3A_2111 = arith.constant 13 : i32
    %add3A_2112 = arith.addi %mul3A_2, %add3A_2111 : i32
    %mul3A_2113 = arith.constant 128 : i32
    %mul3A_2114 = arith.muli %add3A_2112, %mul3A_2113 : i32
    %dma_start3A_2115 = arith.constant 0 : i32
    %dma_start3A_2116 = tpu.memref_slice %arg4[%mul3A_2114, %dma_start3A_2115] : memref<65536x128xf32, #tpu.memory_space<hbm>> -> memref<128x128xf32, #tpu.memory_space<hbm>>
    %dma_start3A_2117 = arith.constant 0 : i32
    %dma_start3A_2118 = tpu.memref_slice %arg4[%mul3A_2114, %dma_start3A_2117] : memref<65536x128xf32, #tpu.memory_space<hbm>> -> memref<128x128xf32, #tpu.memory_space<hbm>>
    tpu.enqueue_dma source(%arg12 : memref<128x128xf32, #tpu.memory_space<vmem>>) target(%dma_start3A_2118 : memref<128x128xf32, #tpu.memory_space<hbm>>) target_semaphore(%arg26 : memref<!tpu.dma_semaphore, #tpu.memory_space<semaphore_mem>>)
    %dma_wait3A_2119 = arith.constant 14 : i32
    %dma_wait3A_2120 = arith.constant 0 : i32
    %dma_wait3A_2121 = tpu.memref_slice %arg5[%dma_wait3A_2119, %dma_wait3A_2120] : memref<16x128xi32, #tpu.memory_space<vmem>> -> memref<1x128xi32, #tpu.memory_space<vmem>>
    %dma_wait3A_2122 = tpu.memref_squeeze %dma_wait3A_2121 : memref<1x128xi32, #tpu.memory_space<vmem>> -> memref<128xi32, #tpu.memory_space<vmem>>
    %dma_wait3A_2123 = arith.constant 0 : i32
    %dma_wait3A_2124 = arith.constant 0 : i32
    %dma_wait3A_2125 = tpu.memref_slice %arg2[%dma_wait3A_2123, %dma_wait3A_2124] : memref<524288x128xf32, #tpu.memory_space<hbm>> -> memref<524288x128xf32, #tpu.memory_space<hbm>>
    tpu.wait_indirect_dma semaphore(%arg13 : memref<!tpu.dma_semaphore, #tpu.memory_space<semaphore_mem>>) src(%dma_wait3A_2125 : memref<524288x128xf32, #tpu.memory_space<hbm>>) dst(%arg6 : memref<128x128xf32, #tpu.memory_space<vmem>>)
    %add3A_2126 = arith.constant 14 : i32
    %add3A_2127 = arith.addi %mul3A_2, %add3A_2126 : i32
    %mul3A_2128 = arith.constant 128 : i32
    %mul3A_2129 = arith.muli %add3A_2127, %mul3A_2128 : i32
    %dma_start3A_2130 = arith.constant 0 : i32
    %dma_start3A_2131 = tpu.memref_slice %arg4[%mul3A_2129, %dma_start3A_2130] : memref<65536x128xf32, #tpu.memory_space<hbm>> -> memref<128x128xf32, #tpu.memory_space<hbm>>
    %dma_start3A_2132 = arith.constant 0 : i32
    %dma_start3A_2133 = tpu.memref_slice %arg4[%mul3A_2129, %dma_start3A_2132] : memref<65536x128xf32, #tpu.memory_space<hbm>> -> memref<128x128xf32, #tpu.memory_space<hbm>>
    tpu.enqueue_dma source(%arg6 : memref<128x128xf32, #tpu.memory_space<vmem>>) target(%dma_start3A_2133 : memref<128x128xf32, #tpu.memory_space<hbm>>) target_semaphore(%arg20 : memref<!tpu.dma_semaphore, #tpu.memory_space<semaphore_mem>>)
    %dma_wait3A_2134 = arith.constant 15 : i32
    %dma_wait3A_2135 = arith.constant 0 : i32
    %dma_wait3A_2136 = tpu.memref_slice %arg5[%dma_wait3A_2134, %dma_wait3A_2135] : memref<16x128xi32, #tpu.memory_space<vmem>> -> memref<1x128xi32, #tpu.memory_space<vmem>>
    %dma_wait3A_2137 = tpu.memref_squeeze %dma_wait3A_2136 : memref<1x128xi32, #tpu.memory_space<vmem>> -> memref<128xi32, #tpu.memory_space<vmem>>
    %dma_wait3A_2138 = arith.constant 0 : i32
    %dma_wait3A_2139 = arith.constant 0 : i32
    %dma_wait3A_2140 = tpu.memref_slice %arg2[%dma_wait3A_2138, %dma_wait3A_2139] : memref<524288x128xf32, #tpu.memory_space<hbm>> -> memref<524288x128xf32, #tpu.memory_space<hbm>>
    tpu.wait_indirect_dma semaphore(%arg14 : memref<!tpu.dma_semaphore, #tpu.memory_space<semaphore_mem>>) src(%dma_wait3A_2140 : memref<524288x128xf32, #tpu.memory_space<hbm>>) dst(%arg7 : memref<128x128xf32, #tpu.memory_space<vmem>>)
    %add3A_2141 = arith.constant 15 : i32
    %add3A_2142 = arith.addi %mul3A_2, %add3A_2141 : i32
    %mul3A_2143 = arith.constant 128 : i32
    %mul3A_2144 = arith.muli %add3A_2142, %mul3A_2143 : i32
    %dma_start3A_2145 = arith.constant 0 : i32
    %dma_start3A_2146 = tpu.memref_slice %arg4[%mul3A_2144, %dma_start3A_2145] : memref<65536x128xf32, #tpu.memory_space<hbm>> -> memref<128x128xf32, #tpu.memory_space<hbm>>
    %dma_start3A_2147 = arith.constant 0 : i32
    %dma_start3A_2148 = tpu.memref_slice %arg4[%mul3A_2144, %dma_start3A_2147] : memref<65536x128xf32, #tpu.memory_space<hbm>> -> memref<128x128xf32, #tpu.memory_space<hbm>>
    tpu.enqueue_dma source(%arg7 : memref<128x128xf32, #tpu.memory_space<vmem>>) target(%dma_start3A_2148 : memref<128x128xf32, #tpu.memory_space<hbm>>) target_semaphore(%arg21 : memref<!tpu.dma_semaphore, #tpu.memory_space<semaphore_mem>>)
    %dma_wait3A_2149 = arith.constant 0 : i32
    %dma_wait3A_2150 = tpu.memref_slice %arg4[%mul3A_1922, %dma_wait3A_2149] : memref<65536x128xf32, #tpu.memory_space<hbm>> -> memref<128x128xf32, #tpu.memory_space<hbm>>
    %dma_wait3A_2151 = arith.constant 0 : i32
    %dma_wait3A_2152 = tpu.memref_slice %arg4[%mul3A_1922, %dma_wait3A_2151] : memref<65536x128xf32, #tpu.memory_space<hbm>> -> memref<128x128xf32, #tpu.memory_space<hbm>>
    tpu.wait_dma2 semaphore(%arg22 : memref<!tpu.dma_semaphore, #tpu.memory_space<semaphore_mem>>) src(%arg8 : memref<128x128xf32, #tpu.memory_space<vmem>>) dst(%dma_wait3A_2152 : memref<128x128xf32, #tpu.memory_space<hbm>>)
    %dma_wait3A_2153 = arith.constant 0 : i32
    %dma_wait3A_2154 = tpu.memref_slice %arg4[%mul3A_2058, %dma_wait3A_2153] : memref<65536x128xf32, #tpu.memory_space<hbm>> -> memref<128x128xf32, #tpu.memory_space<hbm>>
    %dma_wait3A_2155 = arith.constant 0 : i32
    %dma_wait3A_2156 = tpu.memref_slice %arg4[%mul3A_2058, %dma_wait3A_2155] : memref<65536x128xf32, #tpu.memory_space<hbm>> -> memref<128x128xf32, #tpu.memory_space<hbm>>
    tpu.wait_dma2 semaphore(%arg23 : memref<!tpu.dma_semaphore, #tpu.memory_space<semaphore_mem>>) src(%arg9 : memref<128x128xf32, #tpu.memory_space<vmem>>) dst(%dma_wait3A_2156 : memref<128x128xf32, #tpu.memory_space<hbm>>)
    %dma_wait3A_2157 = arith.constant 0 : i32
    %dma_wait3A_2158 = tpu.memref_slice %arg4[%mul3A_2084, %dma_wait3A_2157] : memref<65536x128xf32, #tpu.memory_space<hbm>> -> memref<128x128xf32, #tpu.memory_space<hbm>>
    %dma_wait3A_2159 = arith.constant 0 : i32
    %dma_wait3A_2160 = tpu.memref_slice %arg4[%mul3A_2084, %dma_wait3A_2159] : memref<65536x128xf32, #tpu.memory_space<hbm>> -> memref<128x128xf32, #tpu.memory_space<hbm>>
    tpu.wait_dma2 semaphore(%arg24 : memref<!tpu.dma_semaphore, #tpu.memory_space<semaphore_mem>>) src(%arg10 : memref<128x128xf32, #tpu.memory_space<vmem>>) dst(%dma_wait3A_2160 : memref<128x128xf32, #tpu.memory_space<hbm>>)
    %dma_wait3A_2161 = arith.constant 0 : i32
    %dma_wait3A_2162 = tpu.memref_slice %arg4[%mul3A_2099, %dma_wait3A_2161] : memref<65536x128xf32, #tpu.memory_space<hbm>> -> memref<128x128xf32, #tpu.memory_space<hbm>>
    %dma_wait3A_2163 = arith.constant 0 : i32
    %dma_wait3A_2164 = tpu.memref_slice %arg4[%mul3A_2099, %dma_wait3A_2163] : memref<65536x128xf32, #tpu.memory_space<hbm>> -> memref<128x128xf32, #tpu.memory_space<hbm>>
    tpu.wait_dma2 semaphore(%arg25 : memref<!tpu.dma_semaphore, #tpu.memory_space<semaphore_mem>>) src(%arg11 : memref<128x128xf32, #tpu.memory_space<vmem>>) dst(%dma_wait3A_2164 : memref<128x128xf32, #tpu.memory_space<hbm>>)
    %dma_wait3A_2165 = arith.constant 0 : i32
    %dma_wait3A_2166 = tpu.memref_slice %arg4[%mul3A_2114, %dma_wait3A_2165] : memref<65536x128xf32, #tpu.memory_space<hbm>> -> memref<128x128xf32, #tpu.memory_space<hbm>>
    %dma_wait3A_2167 = arith.constant 0 : i32
    %dma_wait3A_2168 = tpu.memref_slice %arg4[%mul3A_2114, %dma_wait3A_2167] : memref<65536x128xf32, #tpu.memory_space<hbm>> -> memref<128x128xf32, #tpu.memory_space<hbm>>
    tpu.wait_dma2 semaphore(%arg26 : memref<!tpu.dma_semaphore, #tpu.memory_space<semaphore_mem>>) src(%arg12 : memref<128x128xf32, #tpu.memory_space<vmem>>) dst(%dma_wait3A_2168 : memref<128x128xf32, #tpu.memory_space<hbm>>)
    %dma_wait3A_2169 = arith.constant 0 : i32
    %dma_wait3A_2170 = tpu.memref_slice %arg4[%mul3A_2129, %dma_wait3A_2169] : memref<65536x128xf32, #tpu.memory_space<hbm>> -> memref<128x128xf32, #tpu.memory_space<hbm>>
    %dma_wait3A_2171 = arith.constant 0 : i32
    %dma_wait3A_2172 = tpu.memref_slice %arg4[%mul3A_2129, %dma_wait3A_2171] : memref<65536x128xf32, #tpu.memory_space<hbm>> -> memref<128x128xf32, #tpu.memory_space<hbm>>
    tpu.wait_dma2 semaphore(%arg20 : memref<!tpu.dma_semaphore, #tpu.memory_space<semaphore_mem>>) src(%arg6 : memref<128x128xf32, #tpu.memory_space<vmem>>) dst(%dma_wait3A_2172 : memref<128x128xf32, #tpu.memory_space<hbm>>)
    %dma_wait3A_2173 = arith.constant 0 : i32
    %dma_wait3A_2174 = tpu.memref_slice %arg4[%mul3A_2144, %dma_wait3A_2173] : memref<65536x128xf32, #tpu.memory_space<hbm>> -> memref<128x128xf32, #tpu.memory_space<hbm>>
    %dma_wait3A_2175 = arith.constant 0 : i32
    %dma_wait3A_2176 = tpu.memref_slice %arg4[%mul3A_2144, %dma_wait3A_2175] : memref<65536x128xf32, #tpu.memory_space<hbm>> -> memref<128x128xf32, #tpu.memory_space<hbm>>
    tpu.wait_dma2 semaphore(%arg21 : memref<!tpu.dma_semaphore, #tpu.memory_space<semaphore_mem>>) src(%arg7 : memref<128x128xf32, #tpu.memory_space<vmem>>) dst(%dma_wait3A_2176 : memref<128x128xf32, #tpu.memory_space<hbm>>)
    return
  }
}

</mosaic_0001>

<sc_bundles>
// kernel: kernel.3.cloned.1.call-start
scs
__scs_entry_jumppad:
0x0: {  	(pc) =	sbr.rel $0x88, $3  }
0x1: {  	(tag) =	ssettag $0x0;
	lr =	simm.s32 $0x1  }
0x2: {  	[smem:$0x3F9F] =	sst lr;
	_ =	strace $0xD0000000  }
0x3: {  	_ = 	snop  }
0x4: {  	_ = 	snop  }
0x5: {  	_ = 	snop  }
0x6: {  	_ = 	snop  }
0x7: {  	_ = 	snop  }
__scs_overlays_trampoline_lowered:
0x8: {  	[smem:$0x3FAE] =	sst s0  }
0x9: {  	[smem:$0x3FAF] =	sst s1  }
0xa: {  	[smem:$0x3FB0] =	sst s2  }
0xb: {  	[smem:$0x3FB1] =	sst s3  }
0xc: {  	[smem:$0x3FB2] =	sst s4  }
0xd: {  	[smem:$0x3FB3] =	sst s5  }
0xe: {  	[smem:$0x3FB4] =	sst s6  }
0xf: {  	[smem:$0x3FB5] =	sst s7  }
0x10: {  	[smem:$0x3FB6] =	sst s8  }
0x11: {  	[smem:$0x3FB7] =	sst s9;
	s0 =	simm.s32 @!p0 $0x0  }
0x12: {  	s1 =	sld [smem:$0x3F9D];
	s0 =	simm.s32 @p0 $0x1  }
0x13: {  	[smem:$0x3FB8] =	sst s0;
	s0 =	simm.s32 @!p1 $0x0  }
0x14: {  	s2 =	sld [smem:$0x3F9C];
	s0 =	simm.s32 @p1 $0x1  }
0x15: {  	[smem:$0x3FB9] =	sst s0;
	s0 =	simm.s32 @!p2 $0x0  }
0x16: {  	s3 =	sld [smem:$0x3FDB];
	s0 =	simm.s32 @p2 $0x1  }
0x17: {  	s4 =	simm.s32 $0x1BF5;
	[smem:$0x3FBB] =	sst s0  }
0x18: {  	s0 =	sld [smem:$0x3F9E];
	_ =	swait.ge [sflag:s4], $0x0  }
0x19: {  	s7 =	sld [smem:$0x3F9F]  }
0x1a: {  	s8 =	sadd.s32 $0xFFFFE003, lr  }
0x1b: {  	s9 =	sadd.s32 $0xFFFFFEF7, lr;
	s5 =	simm.s32 $0xFFFFFFFF;
	p2 =	slt.u32 s8, $0xFFFFF086  }
0x1c: {  	p1 =	slt.u32 s9, $0xF7A;
	s5 =	simm.s32 @!p2 $0x0  }
0x1d: {  	s5 =	simm.s32 @p1 $0x1;
	p0 =	seq.s32 s7, s2  }
0x1e: {  	s7 =	smul.u32 @!p0 $0xF7A, s2;
	p2 =	seq.s32 @!p0 s5, $0x0  }
0x1f: {  	s9 =	smul.u32 $0xF7A, s1;
	s8 =	simm.s32 @!p0 $0x1BF5;
	p2 =	por !p2, p0  }
0x20: {  	[sflag:s8] =	ssyncset.s32 @!p0 $0xFFFFF086;
	s6 =	sadd.s32 @!p0 s3, s7;
	s7 =	simm.s32 @!p0 $0x108  }
0x21: {  	s3 =	sadd.s32 s3, s9;
	s6 =	sadd.s32 @!p0 $0x88, s6;
	s7 =	simm.s32 @p2 $0x1082  }
0x22: {  	[simem:s7], [sflag:s8] =	dma.local @!p0 [hbm:s6], $0xF7A  }
0x23: {  	s9 =	sor.u32 $0xD0000000, s2;
	s6 =	simm.s32 $0x108;
	_ =	swait.ge @!p0 [sflag:s8], $0x0  }
0x24: {  	s3 =	sadd.s32 $0x88, s3;
	s6 =	simm.s32 @!p1 $0x1082;
	[sflag:s4] =	ssyncset.s32 $0xFFFFF086  }
0x25: {  	[simem:s6], [sflag:s4] =	dma.local [hbm:s3], $0xF7A  }
0x26: {  	[smem:$0x3F9F] =	sst s1;
	(tag) =	ssettag s2;
	_ =	strace s9  }
0x27: {  	s1 =	sld [smem:$0x3FAF]  }
0x28: {  	s2 =	sld [smem:$0x3FB0]  }
0x29: {  	s4 =	sld [smem:$0x3FB2]  }
0x2a: {  	p0 =	seq.s32 s5, $0x0;
	s5 =	sld [smem:$0x3FB3]  }
0x2b: {  	s6 =	sld [smem:$0x3FB4]  }
0x2c: {  	s7 =	sld [smem:$0x3FB5]  }
0x2d: {  	s3 =	simm.s32 $0x108;
	s8 =	sld [smem:$0x3FB6]  }
0x2e: {  	s3 =	simm.s32 @!p0 $0x1082;
	s9 =	sld [smem:$0x3FB7]  }
0x2f: {  	lr =	sadd.s32 s0, s3;
	s0 =	sld [smem:$0x3FAE]  }
0x30: {  	s3 =	sld [smem:$0x3FB1]  }
0x31: {  	[smem:$0x3FBA] =	sst s10  }
0x32: {  	s10 =	sld [smem:$0x3FB8];
	_ =	sdelay $0x3  }
0x33: {  	p0 =	seq.s32 s10, $0x1;
	s10 =	sld [smem:$0x3FBA];
	_ =	sdelay $0x3  }
0x34: {  	[smem:$0x3FBA] =	sst s10  }
0x35: {  	s10 =	sld [smem:$0x3FB9];
	_ =	sdelay $0x3  }
0x36: {  	p1 =	seq.s32 s10, $0x1;
	s10 =	sld [smem:$0x3FBA];
	_ =	sdelay $0x3  }
0x37: {  	[smem:$0x3FBA] =	sst s10  }
0x38: {  	s10 =	sld [smem:$0x3FBB]  }
0x39: {  	_ = 	snop;
	(pc) =	sbr.ind lr, $3  }
0x3a: {  	_ = 	snop  }
0x3b: {  	_ = 	snop  }
0x3c: {  	p2 =	seq.s32 s10, $0x1;
	s10 =	sld [smem:$0x3FBA]  }
0x3d: {  	_ =	shalt  }
0x3e: {  	_ =	shalt  }
0x3f: {  	_ =	shalt  }
0x40: {  	_ =	shalt  }
0x41: {  	_ =	shalt  }
0x42: {  	_ =	shalt  }
0x43: {  	_ =	shalt  }
0x44: {  	_ =	shalt  }
0x45: {  	_ =	shalt  }
0x46: {  	_ =	shalt  }
0x47: {  	_ =	shalt  }
0x48: {  	_ =	shalt  }
0x49: {  	_ =	shalt  }
0x4a: {  	_ =	shalt  }
0x4b: {  	_ =	shalt  }
0x4c: {  	_ =	shalt  }
0x4d: {  	_ =	shalt  }
0x4e: {  	_ =	shalt  }
0x4f: {  	_ =	shalt  }
0x50: {  	_ =	shalt  }
0x51: {  	_ =	shalt  }
0x52: {  	_ =	shalt  }
0x53: {  	_ =	shalt  }
0x54: {  	_ =	shalt  }
0x55: {  	_ =	shalt  }
0x56: {  	_ =	shalt  }
0x57: {  	_ =	shalt  }
0x58: {  	_ =	shalt  }
0x59: {  	_ =	shalt  }
0x5a: {  	_ =	shalt  }
0x5b: {  	_ =	shalt  }
0x5c: {  	_ =	shalt  }
0x5d: {  	_ =	shalt  }
0x5e: {  	_ =	shalt  }
0x5f: {  	_ =	shalt  }
0x60: {  	_ =	shalt  }
0x61: {  	_ =	shalt  }
0x62: {  	_ =	shalt  }
0x63: {  	_ =	shalt  }
0x64: {  	_ =	shalt  }
0x65: {  	_ =	shalt  }
0x66: {  	_ =	shalt  }
0x67: {  	_ =	shalt  }
0x68: {  	_ =	shalt  }
0x69: {  	_ =	shalt  }
0x6a: {  	_ =	shalt  }
0x6b: {  	_ =	shalt  }
0x6c: {  	_ =	shalt  }
0x6d: {  	_ =	shalt  }
0x6e: {  	_ =	shalt  }
0x6f: {  	_ =	shalt  }
0x70: {  	_ =	shalt  }
0x71: {  	_ =	shalt  }
0x72: {  	_ =	shalt  }
0x73: {  	_ =	shalt  }
0x74: {  	_ =	shalt  }
0x75: {  	_ =	shalt  }
0x76: {  	_ =	shalt  }
0x77: {  	_ =	shalt  }
0x78: {  	_ =	shalt  }
0x79: {  	_ =	shalt  }
0x7a: {  	_ =	shalt  }
0x7b: {  	_ =	shalt  }
0x7c: {  	_ =	shalt  }
0x7d: {  	_ =	shalt  }
0x7e: {  	_ =	shalt  }
0x7f: {  	_ =	shalt  }
0x80: {  	_ =	shalt  }
0x81: {  	_ =	shalt  }
0x82: {  	_ =	shalt  }
0x83: {  	_ =	shalt  }
0x84: {  	_ =	shalt  }
0x85: {  	_ =	shalt  }
0x86: {  	_ =	shalt  }
0x87: {  	_ =	shalt  }
.Lfunc_end0:
.L_simem_size_0:
called_computation_lowered:
.L_overlay_start_0:
0x88: {  	s2 =	sld [smem:$0x3FD9]  }
0x89: {  	s3 =	sld [smem:$0x3FFE];
	_ =	sdelay $0x1  }
0x8a: {  	s1 =	srdreg.scid  }
0x8b: {  	s0 =	sand.u32 $0x1, s1  }
0x8c: {  	s17 =	sshll.u32 s0, $0xA;
	s2 =	sadd.s32 s3, s2  }
0x8d: {  	s2 =	sadd.s32 s2, s17  }
0x8e: {  	[smem:$0x3FC6] =	sst s2  }
0x8f: {  	_ = 	snop  }
0x90: {  	s2 =	sld [smem:$0x3FC9]  }
0x91: {  	s18 =	sld [smem:$0x3FD0];
	(tm) =	ssettm $0x1  }
0x92: {  	s4 =	sld [smem:$0x3FFB];
	_ =	sdelay $0x3  }
0x93: {  	_ =	strace s4  }
0x94: {  	s4 =	sld [smem:$0x3FFC];
	_ =	sdelay $0x3  }
0x95: {  	_ =	strace s4  }
0x96: {  	s4 =	sld [smem:$0x3FFD];
	_ =	sdelay $0x3  }
0x97: {  	_ =	strace s4  }
0x98: {  	_ =	strace $0x8FFFFFFF  }
0x99: {  	s19 =	sld [smem:$0x3FDB];
	_ =	sdelay $0x1  }
0x9a: {  	s5 =	simm.s32 $_scs_section_size  }
0x9b: {  	s6 =	simm.s32 $_size__tile_overlayer_lowered;
	s7 =	simm.s32 $_tile_overlayer_lowered  }
0x9c: {  	s22 =	simm.s32 $0x1BFF;
	s21 =	sshll.u32 s7, $0x1;
	s4 =	sadd.s32 s5, s19  }
0x9d: {  	s8 =	simm.s32 $0x0;
	s20 =	sshll.u32 s6, $0x1;
	s6 =	sadd.s32 s21, s4  }
0x9e: {  	[timem:s8], [sflag:s22] =	dma.local [hbm:s6], s20  }
0x9f: {  	_ =	swait.ge [sflag:s22], s20  }
0xa0: {  	s5 =	ssub.s32 $0x0, s20;
	[sflag:s22] =	ssyncset.done $0x0  }
0xa1: {  	[sflag:s22] =	ssyncadd.s32 s5;
	_ =	sdelay $0x1  }
0xa2: {  	s23 =	simm.s32 $0x1B8B  }
0xa3: {  	_ =	swait.ge [sflag:s23], $0x1  }
0xa4: {  	[sflag:s23] =	ssyncset.done $0x0  }
0xa5: {  	s25 =	simm.s32 $0x1B8E;
	s24 =	sld [smem:$0x3FFE];
	[sflag:s23] =	ssyncadd.s32 $0xFFFFFFFF  }
0xa6: {  	s26 =	simm.s32 $execute0_lowered;
	[smem:$0x3FD2] =	sst s25  }
0xa7: {  	s6 =	sshll.u32 s26, $0x1;
	_ =	strace $0x80000046;
	[dreg:$0x1] =	wrdreg $0xFFFFFFFF  }
0xa8: {  	s28 =	simm.s32 $_size_execute0_lowered;
	s4 =	sadd.s32 s4, s6;
	[dreg:$0x0] =	wrdreg $0x0  }
0xa9: {  	s6 =	sshll.u32 s28, $0x1;
	[dreg:$0x2] =	wrdreg s4  }
0xaa: {  	[dreg:$0x3] =	wrdreg s6  }
0xab: {  	[dreg:$0x4] =	wrdreg $0xC0  }
0xac: {  	_ =	task [dreg:s8], $0x5FFFF  }
0xad: {  	[dreg:$0x1] =	wrdreg $0xFFFFFFFF  }
0xae: {  	[dreg:$0x0] =	wrdreg $0x60  }
0xaf: {  	[dreg:$0x2] =	wrdreg s2  }
0xb0: {  	[dreg:$0x3] =	wrdreg s24  }
0xb1: {  	[dreg:$0x4] =	wrdreg s18  }
0xb2: {  	[dreg:$0x5] =	wrdreg $0x9  }
0xb3: {  	_ =	task.clear_ibuf [dreg:s8], $0x6FFFF;
	_ =	strace $0x90000046  }
0xb4: {  	s29 =	simm.s32 $0x9;
	_ =	strace $0x80000048  }
0xb5: {  	_ =	swait.ge [sflag:s29], $0x1  }
0xb6: {  	[sflag:s29] =	ssyncadd.s32 $0xFFFFFFFF  }
0xb7: {  	_ =	strace $0x90000048  }
0xb8: {  	_ =	sfence  }
0xb9: {  	s30 =	sld [smem:$0x0];
	_ =	sdelay $0x2  }
0xba: {  	s31 =	sshll.u32 s1, $0xD;
	s1 =	sshrl.u32 s1, $0x2  }
0xbb: {  	s3 =	sand.u32 $0x4000, s31;
	s1 =	sadd.s32 s1, s30  }
0xbc: {  	s0 =	sor.u32 s3, s0;
	s1 =	sshll.u32 s1, $0x11  }
0xbd: {  	s0 =	sor.u32 s1, s0  }
0xbe: {  	s0 =	sadd.s32 $0x8F2B, s0  }
0xbf: {  	[sflag:s0] =	ssyncadd.remote.s32 $0x1  }
0xc0: {  	_ =	sfence.sel $0xFFFF  }
0xc1: {  	[dreg:$0x0] =	wrdreg $0xFFFFFFFF;
	(pc) =	sbr.abs _section_cstart, $3  }
0xc2: {  	[dreg:$0x1] =	wrdreg $0xFFFFFFFF  }
0xc3: {  	_ =	task.clear_ibuf [dreg:s8], $0x2FFFF;
	_ =	strace $0x9FFFFFFF  }
0xc4: {  	(tm) =	ssettm $0x7FFFFFFF  }
0xc5: {  	_ =	shalt  }
tec
execute0_lowered:
.L_overlay_start_1:
0x0: {  	(tag) =	ssettag $0x1  }
0x1: {  	s1 =	rddreg [dreg:$0x0]  }
0x2: {  	s0 =	rddreg [dreg:$0x1]  }
0x3: {  	s5 =	rddreg [dreg:$0x2]  }
0x4: {  	s4 =	srdreg.scid;
	s2 =	stileid.u32;
	s3 =	simm.s32 $0x0  }
0x5: {  	s15 =	simm.s32 $0x100;
	s16 =	simm.s32 $0x180;
	s6 =	sand.u32 $0x1, s4  }
0x6: {  	s17 =	sshll.u32 s2, $0x1;
	[smem:$0x7FF] =	sst s3;
	s0 =	sadd.s32 $0x400, s0  }
0x7: {  	s7 =	sor.u32 s6, s17;
	_ =	strace $0x80000047;
	[dreg:$0x15] =	wrdreg s15  }
0x8: {  	[dreg:$0x16] =	wrdreg s16;
	s17 =	simm.s32 $0x200;
	s4 =	sshll.u32 s7, $0x4  }
0x9: {  	s8 =	sshll.u32 s7, $0x8;
	s10 =	sshll.u32 s7, $0xF;
	[dreg:$0x17] =	wrdreg s17  }
0xa: {  	s9 =	sor.u32 $0x8, s4;
	s18 =	sadd.s32 s0, s8;
	s4 =	sadd.s32 s5, s10  }
0xb: {  	s28 =	simm.s32 $0xC;
	[dreg:$0x4] =	wrdreg s18;
	s20 =	sadd.s32 $0x800, s4  }
0xc: {  	s29 =	simm.s32 $0xD;
	s21 =	sadd.s32 $0x1000, s4;
	[dreg:$0x6] =	wrdreg s20  }
0xd: {  	s15 =	simm.s32 $0x14800;
	s22 =	sadd.s32 $0x1800, s4;
	[dreg:$0x7] =	wrdreg s21  }
0xe: {  	s16 =	simm.s32 $0x2;
	s23 =	sadd.s32 $0x2000, s4;
	[dreg:$0x8] =	wrdreg s22  }
0xf: {  	s17 =	simm.s32 $0x18800;
	s24 =	sadd.s32 $0x2800, s4;
	[dreg:$0x9] =	wrdreg s23  }
0x10: {  	s8 =	ssub.s32 $0x2, s6;
	s25 =	sadd.s32 $0x3000, s4;
	[dreg:$0xa] =	wrdreg s24  }
0x11: {  	s19 =	sshll.u32 s9, $0x4;
	s26 =	sadd.s32 $0x3800, s4;
	[dreg:$0xb] =	wrdreg s25  }
0x12: {  	s31 =	sshll.u32 s9, $0xB;
	s9 =	sadd.s32 $0x5000, s4;
	[dreg:$0xc] =	wrdreg s26  }
0x13: {  	s6 =	sshrl.u32 s8, $0x1;
	s10 =	sadd.s32 $0x5800, s4;
	[dreg:$0xf] =	wrdreg s9  }
0x14: {  	s11 =	sadd.s32 $0x6000, s4;
	s12 =	sadd.s32 $0x6800, s4;
	[dreg:$0x10] =	wrdreg s10  }
0x15: {  	s13 =	sadd.s32 $0x7000, s4;
	s14 =	sadd.s32 $0x7800, s4;
	[dreg:$0x11] =	wrdreg s11  }
0x16: {  	s18 =	simm.s32 $0x280;
	s0 =	sadd.s32 s0, s19;
	[dreg:$0x12] =	wrdreg s12  }
0x17: {  	s2 =	sadd.s32 s5, s31;
	s5 =	sadd.s32 $0x4800, s4;
	[dreg:$0x13] =	wrdreg s13  }
0x18: {  	s26 =	sshll.u32 s7, $0xE;
	[dreg:$0x14] =	wrdreg s14;
	s7 =	simm.s32 $0x80  }
0x19: {  	s9 =	simm.s32 $0x4800;
	s10 =	simm.s32 $0x8800;
	[dreg:$0x18] =	wrdreg s18  }
0x1a: {  	s11 =	simm.s32 $0xC800;
	s12 =	simm.s32 $0x10800;
	[dreg:$0x5] =	wrdreg s0  }
0x1b: {  	s13 =	simm.s32 $0x400;
	s14 =	simm.s32 $0x1;
	[dreg:$0xd] =	wrdreg s2  }
0x1c: {  	s19 =	simm.s32 $0x300;
	s20 =	simm.s32 $0x380;
	[dreg:$0xe] =	wrdreg s5  }
0x1d: {  	s21 =	simm.s32 $0x480;
	s22 =	simm.s32 $0x500;
	[dreg:$0x19] =	wrdreg s19  }
0x1e: {  	s18 =	simm.s32 $0x3;
	s23 =	simm.s32 $0x580;
	[dreg:$0x1a] =	wrdreg s20  }
0x1f: {  	s24 =	simm.s32 $0x600;
	s25 =	simm.s32 $0x680;
	[dreg:$0x1b] =	wrdreg s21  }
0x20: {  	s5 =	ssub.s32 s8, s6;
	s30 =	sor.u32 $0x1000, s26;
	[dreg:$0x1c] =	wrdreg s22  }
0x21: {  	s31 =	sor.u32 $0x2000, s26;
	s2 =	sor.u32 $0x3000, s26;
	[dreg:$0x1d] =	wrdreg s23  }
0x22: {  	s6 =	simm.s32 $0xF;
	s8 =	simm.s32 $0x800;
	[dreg:$0x1e] =	wrdreg s24  }
0x23: {  	s19 =	simm.s32 $0x8;
	s20 =	simm.s32 $0x4;
	[dreg:$0x1f] =	wrdreg s25  }
0x24: {  	s21 =	simm.s32 $0x9;
	s22 =	simm.s32 $0x5;
	s23 =	simm.s32 $0xA  }
0x25: {  	s24 =	simm.s32 $0x6;
	s25 =	simm.s32 $0xB;
	v0 =	vmov s26;
	s26 =	simm.s32 $0x7  }
0x26: {  	s0 =	simm.s32 $0x780;
	s5 =	smax.u32 s5, $0x1;
	v1 =	vmov s30;
	v2 =	vmov s31;
	v3 =	vmov s2;
	s30 =	simm.s32 $0xE  }
.LBB2_1:
0x27: {  	s2 =	rddreg [dreg:$0x4]  }
0x28: {  	[tilespmem:s3], [sflag:$0xF] =	stream.linear.gather [hbm4b:s2+s3], $0x400, $0x38;
	[tilespmem:$0x1C800] =	vst v63  }
0x29: {  	_ =	swait.ge [sflag:s6], $0x400  }
0x2a: {  	[sflag:s6] =	ssyncset.done $0x0  }
0x2b: {  	[sflag:s6] =	ssyncadd.s32 $0xFFFFFC00  }
0x2c: {  	v4 =	vld [tilespmem:$0x0]  }
0x2d: {  	v5 =	vld [tilespmem:$0x10]  }
0x2e: {  	v6 =	vld [tilespmem:$0x20]  }
0x2f: {  	v7 =	vld [tilespmem:$0x30]  }
0x30: {  	v8 =	vld [tilespmem:$0x40]  }
0x31: {  	v9 =	vld [tilespmem:$0x50];
	v4 =	vadd.s32 v0, v4  }
0x32: {  	[tilespmem:$0x0] =	vst v4;
	v4 =	vadd.s32 v0, v5;
	v5 =	vld [tilespmem:$0x60]  }
0x33: {  	v40 =	vld [tilespmem:$0x70];
	[tilespmem:$0x10] =	vst v4;
	v4 =	vadd.s32 v0, v6  }
0x34: {  	[tilespmem:$0x20] =	vst v4;
	v4 =	vadd.s32 v0, v7  }
0x35: {  	[tilespmem:$0x30] =	vst v4;
	v4 =	vadd.s32 v0, v8  }
0x36: {  	[tilespmem:$0x40] =	vst v4;
	v4 =	vadd.s32 v0, v9  }
0x37: {  	[tilespmem:$0x50] =	vst v4;
	v4 =	vadd.s32 v0, v5  }
0x38: {  	[tilespmem:$0x60] =	vst v4;
	v4 =	vadd.s32 v0, v40  }
0x39: {  	[tilespmem:$0x70] =	vst v4  }
0x3a: {  	[tilespmem:s8], [sflag:$0x1] =	stream.indirect.gather [hbm4b:s1+s7], $0x80, s3, s7, $0xb8;
	[tilespmem:$0x1C800] =	vst v63  }
0x3b: {  	v4 =	vld [tilespmem:$0x80]  }
0x3c: {  	v5 =	vld [tilespmem:$0x90]  }
0x3d: {  	v41 =	vld [tilespmem:$0xA0]  }
0x3e: {  	v42 =	vld [tilespmem:$0xB0]  }
0x3f: {  	v43 =	vld [tilespmem:$0xC0]  }
0x40: {  	v44 =	vld [tilespmem:$0xD0];
	v4 =	vadd.s32 v0, v4  }
0x41: {  	[tilespmem:$0x80] =	vst v4;
	v4 =	vadd.s32 v0, v5;
	v5 =	vld [tilespmem:$0xE0]  }
0x42: {  	v45 =	vld [tilespmem:$0xF0];
	[tilespmem:$0x90] =	vst v4;
	v4 =	vadd.s32 v0, v41  }
0x43: {  	[tilespmem:$0xA0] =	vst v4;
	v4 =	vadd.s32 v0, v42  }
0x44: {  	[tilespmem:$0xB0] =	vst v4;
	v4 =	vadd.s32 v0, v43  }
0x45: {  	[tilespmem:$0xC0] =	vst v4;
	v4 =	vadd.s32 v0, v44  }
0x46: {  	[tilespmem:$0xD0] =	vst v4;
	v4 =	vadd.s32 v0, v5  }
0x47: {  	[tilespmem:$0xE0] =	vst v4;
	v4 =	vadd.s32 v0, v45  }
0x48: {  	[tilespmem:$0xF0] =	vst v4  }
0x49: {  	[tilespmem:s9], [sflag:$0x2] =	stream.indirect.gather [hbm4b:s1+s7], $0x80, s7, s7, $0xb8;
	[tilespmem:$0x1C800] =	vst v63  }
0x4a: {  	v4 =	vld [tilespmem:$0x100]  }
0x4b: {  	v5 =	vld [tilespmem:$0x110]  }
0x4c: {  	v46 =	vld [tilespmem:$0x120]  }
0x4d: {  	v47 =	vld [tilespmem:$0x130]  }
0x4e: {  	v48 =	vld [tilespmem:$0x140]  }
0x4f: {  	v49 =	vld [tilespmem:$0x150];
	v4 =	vadd.s32 v0, v4  }
0x50: {  	[tilespmem:$0x100] =	vst v4;
	v4 =	vadd.s32 v0, v5;
	v5 =	vld [tilespmem:$0x160]  }
0x51: {  	v50 =	vld [tilespmem:$0x170];
	[tilespmem:$0x110] =	vst v4;
	v4 =	vadd.s32 v0, v46  }
0x52: {  	[tilespmem:$0x120] =	vst v4;
	v4 =	vadd.s32 v0, v47  }
0x53: {  	[tilespmem:$0x130] =	vst v4;
	v4 =	vadd.s32 v0, v48  }
0x54: {  	[tilespmem:$0x140] =	vst v4;
	v4 =	vadd.s32 v0, v49  }
0x55: {  	[tilespmem:$0x150] =	vst v4;
	v4 =	vadd.s32 v0, v5  }
0x56: {  	[tilespmem:$0x160] =	vst v4;
	v4 =	vadd.s32 v0, v50  }
0x57: {  	s31 =	rddreg [dreg:$0x15];
	[tilespmem:$0x170] =	vst v4  }
0x58: {  	[tilespmem:s10], [sflag:$0x3] =	stream.indirect.gather [hbm4b:s1+s7], $0x80, s31, s7, $0xb8;
	[tilespmem:$0x1C800] =	vst v63  }
0x59: {  	v4 =	vld [tilespmem:$0x180]  }
0x5a: {  	v5 =	vld [tilespmem:$0x190]  }
0x5b: {  	v51 =	vld [tilespmem:$0x1A0]  }
0x5c: {  	v52 =	vld [tilespmem:$0x1B0]  }
0x5d: {  	v53 =	vld [tilespmem:$0x1C0]  }
0x5e: {  	v54 =	vld [tilespmem:$0x1D0];
	v4 =	vadd.s32 v0, v4  }
0x5f: {  	[tilespmem:$0x180] =	vst v4;
	v4 =	vadd.s32 v0, v5;
	v5 =	vld [tilespmem:$0x1E0]  }
0x60: {  	v55 =	vld [tilespmem:$0x1F0];
	[tilespmem:$0x190] =	vst v4;
	v4 =	vadd.s32 v0, v51  }
0x61: {  	[tilespmem:$0x1A0] =	vst v4;
	v4 =	vadd.s32 v0, v52  }
0x62: {  	[tilespmem:$0x1B0] =	vst v4;
	v4 =	vadd.s32 v0, v53  }
0x63: {  	[tilespmem:$0x1C0] =	vst v4;
	v4 =	vadd.s32 v0, v54  }
0x64: {  	[tilespmem:$0x1D0] =	vst v4;
	v4 =	vadd.s32 v0, v5  }
0x65: {  	[tilespmem:$0x1E0] =	vst v4;
	v4 =	vadd.s32 v0, v55  }
0x66: {  	s31 =	rddreg [dreg:$0x16];
	[tilespmem:$0x1F0] =	vst v4  }
0x67: {  	[tilespmem:s11], [sflag:$0x4] =	stream.indirect.gather [hbm4b:s1+s7], $0x80, s31, s7, $0xb8;
	[tilespmem:$0x1C800] =	vst v63  }
0x68: {  	v4 =	vld [tilespmem:$0x200]  }
0x69: {  	v5 =	vld [tilespmem:$0x210]  }
0x6a: {  	v56 =	vld [tilespmem:$0x220]  }
0x6b: {  	v57 =	vld [tilespmem:$0x230]  }
0x6c: {  	v58 =	vld [tilespmem:$0x240]  }
0x6d: {  	v59 =	vld [tilespmem:$0x250];
	v4 =	vadd.s32 v1, v4  }
0x6e: {  	[tilespmem:$0x200] =	vst v4;
	v4 =	vadd.s32 v1, v5;
	v5 =	vld [tilespmem:$0x260]  }
0x6f: {  	v60 =	vld [tilespmem:$0x270];
	[tilespmem:$0x210] =	vst v4;
	v4 =	vadd.s32 v1, v56  }
0x70: {  	[tilespmem:$0x220] =	vst v4;
	v4 =	vadd.s32 v1, v57  }
0x71: {  	[tilespmem:$0x230] =	vst v4;
	v4 =	vadd.s32 v1, v58  }
0x72: {  	[tilespmem:$0x240] =	vst v4;
	v4 =	vadd.s32 v1, v59  }
0x73: {  	[tilespmem:$0x250] =	vst v4;
	v4 =	vadd.s32 v1, v5  }
0x74: {  	[tilespmem:$0x260] =	vst v4;
	v4 =	vadd.s32 v1, v60  }
0x75: {  	s2 =	rddreg [dreg:$0x17];
	[tilespmem:$0x270] =	vst v4  }
0x76: {  	[tilespmem:s12], [sflag:$0x5] =	stream.indirect.gather [hbm4b:s1+s7], $0x80, s2, s7, $0xb8;
	[tilespmem:$0x1C800] =	vst v63  }
0x77: {  	s31 =	rddreg [dreg:$0x5]  }
0x78: {  	[tilespmem:s13], [sflag:$0xF] =	stream.linear.gather [hbm4b:s31+s3], $0x400, $0x38;
	[tilespmem:$0x1C800] =	vst v63  }
0x79: {  	_ =	swait.ge [sflag:s6], $0x400  }
0x7a: {  	[sflag:s6] =	ssyncset.done $0x0  }
0x7b: {  	[sflag:s6] =	ssyncadd.s32 $0xFFFFFC00  }
0x7c: {  	v4 =	vld [tilespmem:$0x280]  }
0x7d: {  	v5 =	vld [tilespmem:$0x290]  }
0x7e: {  	v61 =	vld [tilespmem:$0x2A0]  }
0x7f: {  	v62 =	vld [tilespmem:$0x2B0]  }
0x80: {  	v63 =	vld [tilespmem:$0x2C0]  }
0x81: {  	v12 =	vld [tilespmem:$0x2D0];
	v4 =	vadd.s32 v1, v4  }
0x82: {  	[tilespmem:$0x280] =	vst v4;
	v4 =	vadd.s32 v1, v5;
	v5 =	vld [tilespmem:$0x2E0]  }
0x83: {  	v13 =	vld [tilespmem:$0x2F0];
	[tilespmem:$0x290] =	vst v4;
	v4 =	vadd.s32 v1, v61  }
0x84: {  	[tilespmem:$0x2A0] =	vst v4;
	v4 =	vadd.s32 v1, v62  }
0x85: {  	[tilespmem:$0x2B0] =	vst v4;
	v4 =	vadd.s32 v1, v63  }
0x86: {  	[tilespmem:$0x2C0] =	vst v4;
	v4 =	vadd.s32 v1, v12  }
0x87: {  	[tilespmem:$0x2D0] =	vst v4;
	v4 =	vadd.s32 v1, v5  }
0x88: {  	[tilespmem:$0x2E0] =	vst v4;
	v4 =	vadd.s32 v1, v13  }
0x89: {  	[tilespmem:$0x2F0] =	vst v4  }
0x8a: {  	_ =	swait.ge [sflag:s14], $0x4000  }
0x8b: {  	[sflag:s14] =	ssyncset.done $0x0  }
0x8c: {  	[sflag:s14] =	ssyncadd.s32 $0xFFFFC000  }
0x8d: {  	[hbm4b:s4+s3] =	stream.linear.scatter [tilespmem:s8], [sflag:$0x8], $0x4000, $0x38;
	[tilespmem:$0x1C800] =	vst v63  }
0x8e: {  	s31 =	rddreg [dreg:$0x18]  }
0x8f: {  	[tilespmem:s15], [sflag:$0x6] =	stream.indirect.gather [hbm4b:s1+s7], $0x80, s31, s7, $0xb8;
	[tilespmem:$0x1C800] =	vst v63  }
0x90: {  	v4 =	vld [tilespmem:$0x300]  }
0x91: {  	v5 =	vld [tilespmem:$0x310]  }
0x92: {  	v14 =	vld [tilespmem:$0x320]  }
0x93: {  	v15 =	vld [tilespmem:$0x330]  }
0x94: {  	v16 =	vld [tilespmem:$0x340]  }
0x95: {  	v17 =	vld [tilespmem:$0x350];
	v4 =	vadd.s32 v1, v4  }
0x96: {  	[tilespmem:$0x300] =	vst v4;
	v4 =	vadd.s32 v1, v5;
	v5 =	vld [tilespmem:$0x360]  }
0x97: {  	v18 =	vld [tilespmem:$0x370];
	[tilespmem:$0x310] =	vst v4;
	v4 =	vadd.s32 v1, v14  }
0x98: {  	[tilespmem:$0x320] =	vst v4;
	v4 =	vadd.s32 v1, v15  }
0x99: {  	[tilespmem:$0x330] =	vst v4;
	v4 =	vadd.s32 v1, v16  }
0x9a: {  	[tilespmem:$0x340] =	vst v4;
	v4 =	vadd.s32 v1, v17  }
0x9b: {  	[tilespmem:$0x350] =	vst v4;
	v4 =	vadd.s32 v1, v5  }
0x9c: {  	[tilespmem:$0x360] =	vst v4;
	v4 =	vadd.s32 v1, v18  }
0x9d: {  	[tilespmem:$0x370] =	vst v4  }
0x9e: {  	_ =	swait.ge [sflag:s16], $0x4000  }
0x9f: {  	[sflag:s16] =	ssyncset.done $0x0  }
0xa0: {  	s2 =	rddreg [dreg:$0x6];
	[sflag:s16] =	ssyncadd.s32 $0xFFFFC000  }
0xa1: {  	[hbm4b:s2+s3] =	stream.linear.scatter [tilespmem:s9], [sflag:$0x9], $0x4000, $0x38;
	[tilespmem:$0x1C800] =	vst v63  }
0xa2: {  	s31 =	rddreg [dreg:$0x19]  }
0xa3: {  	[tilespmem:s17], [sflag:$0x7] =	stream.indirect.gather [hbm4b:s1+s7], $0x80, s31, s7, $0xb8;
	[tilespmem:$0x1C800] =	vst v63  }
0xa4: {  	v4 =	vld [tilespmem:$0x380]  }
0xa5: {  	v5 =	vld [tilespmem:$0x390]  }
0xa6: {  	v19 =	vld [tilespmem:$0x3A0]  }
0xa7: {  	v20 =	vld [tilespmem:$0x3B0]  }
0xa8: {  	v21 =	vld [tilespmem:$0x3C0]  }
0xa9: {  	v22 =	vld [tilespmem:$0x3D0];
	v4 =	vadd.s32 v1, v4  }
0xaa: {  	[tilespmem:$0x380] =	vst v4;
	v4 =	vadd.s32 v1, v5;
	v5 =	vld [tilespmem:$0x3E0]  }
0xab: {  	v23 =	vld [tilespmem:$0x3F0];
	[tilespmem:$0x390] =	vst v4;
	v4 =	vadd.s32 v1, v19  }
0xac: {  	[tilespmem:$0x3A0] =	vst v4;
	v4 =	vadd.s32 v1, v20  }
0xad: {  	[tilespmem:$0x3B0] =	vst v4;
	v4 =	vadd.s32 v1, v21  }
0xae: {  	[tilespmem:$0x3C0] =	vst v4;
	v4 =	vadd.s32 v1, v22  }
0xaf: {  	[tilespmem:$0x3D0] =	vst v4;
	v4 =	vadd.s32 v1, v5  }
0xb0: {  	[tilespmem:$0x3E0] =	vst v4;
	v4 =	vadd.s32 v1, v23  }
0xb1: {  	[tilespmem:$0x3F0] =	vst v4  }
0xb2: {  	_ =	swait.ge [sflag:s18], $0x4000  }
0xb3: {  	[sflag:s18] =	ssyncset.done $0x0  }
0xb4: {  	s31 =	rddreg [dreg:$0x7];
	[sflag:s18] =	ssyncadd.s32 $0xFFFFC000  }
0xb5: {  	[hbm4b:s31+s3] =	stream.linear.scatter [tilespmem:s10], [sflag:$0xA], $0x4000, $0x38;
	[tilespmem:$0x1C800] =	vst v63  }
0xb6: {  	_ =	swait.ge [sflag:s19], $0x4000  }
0xb7: {  	[sflag:s19] =	ssyncset.done $0x0  }
0xb8: {  	s31 =	rddreg [dreg:$0x1a];
	[sflag:s19] =	ssyncadd.s32 $0xFFFFC000  }
0xb9: {  	[tilespmem:s8], [sflag:$0x1] =	stream.indirect.gather [hbm4b:s1+s7], $0x80, s31, s7, $0xb8;
	[tilespmem:$0x1C800] =	vst v63  }
0xba: {  	v4 =	vld [tilespmem:$0x400]  }
0xbb: {  	v5 =	vld [tilespmem:$0x410]  }
0xbc: {  	v24 =	vld [tilespmem:$0x420]  }
0xbd: {  	v25 =	vld [tilespmem:$0x430]  }
0xbe: {  	v26 =	vld [tilespmem:$0x440]  }
0xbf: {  	v27 =	vld [tilespmem:$0x450];
	v4 =	vadd.s32 v2, v4  }
0xc0: {  	[tilespmem:$0x400] =	vst v4;
	v4 =	vadd.s32 v2, v5;
	v5 =	vld [tilespmem:$0x460]  }
0xc1: {  	v28 =	vld [tilespmem:$0x470];
	[tilespmem:$0x410] =	vst v4;
	v4 =	vadd.s32 v2, v24  }
0xc2: {  	[tilespmem:$0x420] =	vst v4;
	v4 =	vadd.s32 v2, v25  }
0xc3: {  	[tilespmem:$0x430] =	vst v4;
	v4 =	vadd.s32 v2, v26  }
0xc4: {  	[tilespmem:$0x440] =	vst v4;
	v4 =	vadd.s32 v2, v27  }
0xc5: {  	[tilespmem:$0x450] =	vst v4;
	v4 =	vadd.s32 v2, v5  }
0xc6: {  	[tilespmem:$0x460] =	vst v4;
	v4 =	vadd.s32 v2, v28  }
0xc7: {  	[tilespmem:$0x470] =	vst v4  }
0xc8: {  	_ =	swait.ge [sflag:s20], $0x4000  }
0xc9: {  	[sflag:s20] =	ssyncset.done $0x0  }
0xca: {  	s31 =	rddreg [dreg:$0x8];
	[sflag:s20] =	ssyncadd.s32 $0xFFFFC000  }
0xcb: {  	[hbm4b:s31+s3] =	stream.linear.scatter [tilespmem:s11], [sflag:$0xB], $0x4000, $0x38;
	[tilespmem:$0x1C800] =	vst v63  }
0xcc: {  	_ =	swait.ge [sflag:s21], $0x4000  }
0xcd: {  	[sflag:s21] =	ssyncset.done $0x0  }
0xce: {  	[sflag:s21] =	ssyncadd.s32 $0xFFFFC000  }
0xcf: {  	[tilespmem:s9], [sflag:$0x2] =	stream.indirect.gather [hbm4b:s1+s7], $0x80, s13, s7, $0xb8;
	[tilespmem:$0x1C800] =	vst v63  }
0xd0: {  	v4 =	vld [tilespmem:$0x480]  }
0xd1: {  	v5 =	vld [tilespmem:$0x490]  }
0xd2: {  	v29 =	vld [tilespmem:$0x4A0]  }
0xd3: {  	v30 =	vld [tilespmem:$0x4B0]  }
0xd4: {  	v31 =	vld [tilespmem:$0x4C0]  }
0xd5: {  	v32 =	vld [tilespmem:$0x4D0];
	v4 =	vadd.s32 v2, v4  }
0xd6: {  	[tilespmem:$0x480] =	vst v4;
	v4 =	vadd.s32 v2, v5;
	v5 =	vld [tilespmem:$0x4E0]  }
0xd7: {  	v33 =	vld [tilespmem:$0x4F0];
	[tilespmem:$0x490] =	vst v4;
	v4 =	vadd.s32 v2, v29  }
0xd8: {  	[tilespmem:$0x4A0] =	vst v4;
	v4 =	vadd.s32 v2, v30  }
0xd9: {  	[tilespmem:$0x4B0] =	vst v4;
	v4 =	vadd.s32 v2, v31  }
0xda: {  	[tilespmem:$0x4C0] =	vst v4;
	v4 =	vadd.s32 v2, v32  }
0xdb: {  	[tilespmem:$0x4D0] =	vst v4;
	v4 =	vadd.s32 v2, v5  }
0xdc: {  	[tilespmem:$0x4E0] =	vst v4;
	v4 =	vadd.s32 v2, v33  }
0xdd: {  	[tilespmem:$0x4F0] =	vst v4  }
0xde: {  	_ =	swait.ge [sflag:s22], $0x4000  }
0xdf: {  	[sflag:s22] =	ssyncset.done $0x0  }
0xe0: {  	s31 =	rddreg [dreg:$0x9];
	[sflag:s22] =	ssyncadd.s32 $0xFFFFC000  }
0xe1: {  	[hbm4b:s31+s3] =	stream.linear.scatter [tilespmem:s12], [sflag:$0xC], $0x4000, $0x38;
	[tilespmem:$0x1C800] =	vst v63  }
0xe2: {  	_ =	swait.ge [sflag:s23], $0x4000  }
0xe3: {  	[sflag:s23] =	ssyncset.done $0x0  }
0xe4: {  	s31 =	rddreg [dreg:$0x1b];
	[sflag:s23] =	ssyncadd.s32 $0xFFFFC000  }
0xe5: {  	[tilespmem:s10], [sflag:$0x3] =	stream.indirect.gather [hbm4b:s1+s7], $0x80, s31, s7, $0xb8;
	[tilespmem:$0x1C800] =	vst v63  }
0xe6: {  	v4 =	vld [tilespmem:$0x500]  }
0xe7: {  	v5 =	vld [tilespmem:$0x510]  }
0xe8: {  	v34 =	vld [tilespmem:$0x520]  }
0xe9: {  	v35 =	vld [tilespmem:$0x530]  }
0xea: {  	v36 =	vld [tilespmem:$0x540]  }
0xeb: {  	v37 =	vld [tilespmem:$0x550];
	v4 =	vadd.s32 v2, v4  }
0xec: {  	[tilespmem:$0x500] =	vst v4;
	v4 =	vadd.s32 v2, v5;
	v5 =	vld [tilespmem:$0x560]  }
0xed: {  	v38 =	vld [tilespmem:$0x570];
	[tilespmem:$0x510] =	vst v4;
	v4 =	vadd.s32 v2, v34  }
0xee: {  	[tilespmem:$0x520] =	vst v4;
	v4 =	vadd.s32 v2, v35  }
0xef: {  	[tilespmem:$0x530] =	vst v4;
	v4 =	vadd.s32 v2, v36  }
0xf0: {  	[tilespmem:$0x540] =	vst v4;
	v4 =	vadd.s32 v2, v37  }
0xf1: {  	[tilespmem:$0x550] =	vst v4;
	v4 =	vadd.s32 v2, v5  }
0xf2: {  	[tilespmem:$0x560] =	vst v4;
	v4 =	vadd.s32 v2, v38  }
0xf3: {  	[tilespmem:$0x570] =	vst v4  }
0xf4: {  	_ =	swait.ge [sflag:s24], $0x4000  }
0xf5: {  	[sflag:s24] =	ssyncset.done $0x0  }
0xf6: {  	s31 =	rddreg [dreg:$0xa];
	[sflag:s24] =	ssyncadd.s32 $0xFFFFC000  }
0xf7: {  	[hbm4b:s31+s3] =	stream.linear.scatter [tilespmem:s15], [sflag:$0xD], $0x4000, $0x38;
	[tilespmem:$0x1C800] =	vst v63  }
0xf8: {  	_ =	swait.ge [sflag:s25], $0x4000  }
0xf9: {  	[sflag:s25] =	ssyncset.done $0x0  }
0xfa: {  	s31 =	rddreg [dreg:$0x1c];
	[sflag:s25] =	ssyncadd.s32 $0xFFFFC000  }
0xfb: {  	[tilespmem:s11], [sflag:$0x4] =	stream.indirect.gather [hbm4b:s1+s7], $0x80, s31, s7, $0xb8;
	[tilespmem:$0x1C800] =	vst v63  }
0xfc: {  	v4 =	vld [tilespmem:$0x580]  }
0xfd: {  	v5 =	vld [tilespmem:$0x590]  }
0xfe: {  	v39 =	vld [tilespmem:$0x5A0]  }
0xff: {  	v40 =	vld [tilespmem:$0x5B0]  }
0x100: {  	v41 =	vld [tilespmem:$0x5C0]  }
0x101: {  	v42 =	vld [tilespmem:$0x5D0];
	v4 =	vadd.s32 v2, v4  }
0x102: {  	[tilespmem:$0x580] =	vst v4;
	v4 =	vadd.s32 v2, v5;
	v5 =	vld [tilespmem:$0x5E0]  }
0x103: {  	v43 =	vld [tilespmem:$0x5F0];
	[tilespmem:$0x590] =	vst v4;
	v4 =	vadd.s32 v2, v39  }
0x104: {  	[tilespmem:$0x5A0] =	vst v4;
	v4 =	vadd.s32 v2, v40  }
0x105: {  	[tilespmem:$0x5B0] =	vst v4;
	v4 =	vadd.s32 v2, v41  }
0x106: {  	[tilespmem:$0x5C0] =	vst v4;
	v4 =	vadd.s32 v2, v42  }
0x107: {  	[tilespmem:$0x5D0] =	vst v4;
	v4 =	vadd.s32 v2, v5  }
0x108: {  	[tilespmem:$0x5E0] =	vst v4;
	v4 =	vadd.s32 v2, v43  }
0x109: {  	[tilespmem:$0x5F0] =	vst v4  }
0x10a: {  	_ =	swait.ge [sflag:s26], $0x4000  }
0x10b: {  	[sflag:s26] =	ssyncset.done $0x0  }
0x10c: {  	s31 =	rddreg [dreg:$0xb];
	[sflag:s26] =	ssyncadd.s32 $0xFFFFC000  }
0x10d: {  	[hbm4b:s31+s3] =	stream.linear.scatter [tilespmem:s17], [sflag:$0xE], $0x4000, $0x38;
	[tilespmem:$0x1C800] =	vst v63  }
0x10e: {  	_ =	swait.ge [sflag:s28], $0x4000  }
0x10f: {  	[sflag:s28] =	ssyncset.done $0x0  }
0x110: {  	s31 =	rddreg [dreg:$0x1d];
	[sflag:s28] =	ssyncadd.s32 $0xFFFFC000  }
0x111: {  	[tilespmem:s12], [sflag:$0x5] =	stream.indirect.gather [hbm4b:s1+s7], $0x80, s31, s7, $0xb8;
	[tilespmem:$0x1C800] =	vst v63  }
0x112: {  	v4 =	vld [tilespmem:$0x600]  }
0x113: {  	v5 =	vld [tilespmem:$0x610]  }
0x114: {  	v44 =	vld [tilespmem:$0x620]  }
0x115: {  	v45 =	vld [tilespmem:$0x630]  }
0x116: {  	v46 =	vld [tilespmem:$0x640]  }
0x117: {  	v47 =	vld [tilespmem:$0x650];
	v4 =	vadd.s32 v3, v4  }
0x118: {  	[tilespmem:$0x600] =	vst v4;
	v4 =	vadd.s32 v3, v5;
	v5 =	vld [tilespmem:$0x660]  }
0x119: {  	v48 =	vld [tilespmem:$0x670];
	[tilespmem:$0x610] =	vst v4;
	v4 =	vadd.s32 v3, v44  }
0x11a: {  	[tilespmem:$0x620] =	vst v4;
	v4 =	vadd.s32 v3, v45  }
0x11b: {  	[tilespmem:$0x630] =	vst v4;
	v4 =	vadd.s32 v3, v46  }
0x11c: {  	[tilespmem:$0x640] =	vst v4;
	v4 =	vadd.s32 v3, v47  }
0x11d: {  	[tilespmem:$0x650] =	vst v4;
	v4 =	vadd.s32 v3, v5  }
0x11e: {  	[tilespmem:$0x660] =	vst v4;
	v4 =	vadd.s32 v3, v48  }
0x11f: {  	[tilespmem:$0x670] =	vst v4  }
0x120: {  	_ =	swait.ge [sflag:s14], $0x4000  }
0x121: {  	[sflag:s14] =	ssyncset.done $0x0  }
0x122: {  	s31 =	rddreg [dreg:$0xc];
	[sflag:s14] =	ssyncadd.s32 $0xFFFFC000  }
0x123: {  	[hbm4b:s31+s3] =	stream.linear.scatter [tilespmem:s8], [sflag:$0x8], $0x4000, $0x38;
	[tilespmem:$0x1C800] =	vst v63  }
0x124: {  	_ =	swait.ge [sflag:s29], $0x4000  }
0x125: {  	[sflag:s29] =	ssyncset.done $0x0  }
0x126: {  	s31 =	rddreg [dreg:$0x1e];
	[sflag:s29] =	ssyncadd.s32 $0xFFFFC000  }
0x127: {  	[tilespmem:s15], [sflag:$0x6] =	stream.indirect.gather [hbm4b:s1+s7], $0x80, s31, s7, $0xb8;
	[tilespmem:$0x1C800] =	vst v63  }
0x128: {  	v4 =	vld [tilespmem:$0x680]  }
0x129: {  	v5 =	vld [tilespmem:$0x690]  }
0x12a: {  	v49 =	vld [tilespmem:$0x6A0]  }
0x12b: {  	v50 =	vld [tilespmem:$0x6B0]  }
0x12c: {  	v51 =	vld [tilespmem:$0x6C0]  }
0x12d: {  	v52 =	vld [tilespmem:$0x6D0];
	v4 =	vadd.s32 v3, v4  }
0x12e: {  	[tilespmem:$0x680] =	vst v4;
	v4 =	vadd.s32 v3, v5;
	v5 =	vld [tilespmem:$0x6E0]  }
0x12f: {  	v53 =	vld [tilespmem:$0x6F0];
	[tilespmem:$0x690] =	vst v4;
	v4 =	vadd.s32 v3, v49  }
0x130: {  	[tilespmem:$0x6A0] =	vst v4;
	v4 =	vadd.s32 v3, v50  }
0x131: {  	[tilespmem:$0x6B0] =	vst v4;
	v4 =	vadd.s32 v3, v51  }
0x132: {  	[tilespmem:$0x6C0] =	vst v4;
	v4 =	vadd.s32 v3, v52  }
0x133: {  	[tilespmem:$0x6D0] =	vst v4;
	v4 =	vadd.s32 v3, v5  }
0x134: {  	[tilespmem:$0x6E0] =	vst v4;
	v4 =	vadd.s32 v3, v53  }
0x135: {  	[tilespmem:$0x6F0] =	vst v4  }
0x136: {  	_ =	swait.ge [sflag:s16], $0x4000  }
0x137: {  	[sflag:s16] =	ssyncset.done $0x0  }
0x138: {  	s31 =	rddreg [dreg:$0xd];
	[sflag:s16] =	ssyncadd.s32 $0xFFFFC000  }
0x139: {  	[hbm4b:s31+s3] =	stream.linear.scatter [tilespmem:s9], [sflag:$0x9], $0x4000, $0x38;
	[tilespmem:$0x1C800] =	vst v63  }
0x13a: {  	_ =	swait.ge [sflag:s30], $0x4000  }
0x13b: {  	[sflag:s30] =	ssyncset.done $0x0  }
0x13c: {  	s31 =	rddreg [dreg:$0x1f];
	[sflag:s30] =	ssyncadd.s32 $0xFFFFC000  }
0x13d: {  	[tilespmem:s17], [sflag:$0x7] =	stream.indirect.gather [hbm4b:s1+s7], $0x80, s31, s7, $0xb8;
	[tilespmem:$0x1C800] =	vst v63  }
0x13e: {  	v4 =	vld [tilespmem:$0x700]  }
0x13f: {  	v5 =	vld [tilespmem:$0x710]  }
0x140: {  	v54 =	vld [tilespmem:$0x720]  }
0x141: {  	v55 =	vld [tilespmem:$0x730]  }
0x142: {  	v56 =	vld [tilespmem:$0x740]  }
0x143: {  	v57 =	vld [tilespmem:$0x750];
	v4 =	vadd.s32 v3, v4  }
0x144: {  	[tilespmem:$0x700] =	vst v4;
	v4 =	vadd.s32 v3, v5;
	v5 =	vld [tilespmem:$0x760]  }
0x145: {  	v58 =	vld [tilespmem:$0x770];
	[tilespmem:$0x710] =	vst v4;
	v4 =	vadd.s32 v3, v54  }
0x146: {  	[tilespmem:$0x720] =	vst v4;
	v4 =	vadd.s32 v3, v55  }
0x147: {  	[tilespmem:$0x730] =	vst v4;
	v4 =	vadd.s32 v3, v56  }
0x148: {  	[tilespmem:$0x740] =	vst v4;
	v4 =	vadd.s32 v3, v57  }
0x149: {  	[tilespmem:$0x750] =	vst v4;
	v4 =	vadd.s32 v3, v5  }
0x14a: {  	[tilespmem:$0x760] =	vst v4;
	v4 =	vadd.s32 v3, v58  }
0x14b: {  	[tilespmem:$0x770] =	vst v4  }
0x14c: {  	_ =	swait.ge [sflag:s18], $0x4000  }
0x14d: {  	[sflag:s18] =	ssyncset.done $0x0  }
0x14e: {  	s31 =	rddreg [dreg:$0xe];
	[sflag:s18] =	ssyncadd.s32 $0xFFFFC000  }
0x14f: {  	[hbm4b:s31+s3] =	stream.linear.scatter [tilespmem:s10], [sflag:$0xA], $0x4000, $0x38;
	[tilespmem:$0x1C800] =	vst v63  }
0x150: {  	_ =	swait.ge [sflag:s19], $0x4000  }
0x151: {  	[sflag:s19] =	ssyncset.done $0x0  }
0x152: {  	s31 =	simm.s32 $0x700;
	[sflag:s19] =	ssyncadd.s32 $0xFFFFC000  }
0x153: {  	[tilespmem:s8], [sflag:$0x1] =	stream.indirect.gather [hbm4b:s1+s7], $0x80, s31, s7, $0xb8;
	[tilespmem:$0x1C800] =	vst v63  }
0x154: {  	v4 =	vld [tilespmem:$0x780]  }
0x155: {  	v5 =	vld [tilespmem:$0x790]  }
0x156: {  	v59 =	vld [tilespmem:$0x7A0]  }
0x157: {  	v60 =	vld [tilespmem:$0x7B0]  }
0x158: {  	v61 =	vld [tilespmem:$0x7C0]  }
0x159: {  	v62 =	vld [tilespmem:$0x7D0];
	v4 =	vadd.s32 v3, v4  }
0x15a: {  	[tilespmem:$0x780] =	vst v4;
	v4 =	vadd.s32 v3, v5;
	v5 =	vld [tilespmem:$0x7E0]  }
0x15b: {  	v63 =	vld [tilespmem:$0x7F0];
	[tilespmem:$0x790] =	vst v4;
	v4 =	vadd.s32 v3, v59  }
0x15c: {  	[tilespmem:$0x7A0] =	vst v4;
	v4 =	vadd.s32 v3, v60  }
0x15d: {  	[tilespmem:$0x7B0] =	vst v4;
	v4 =	vadd.s32 v3, v61  }
0x15e: {  	[tilespmem:$0x7C0] =	vst v4;
	v4 =	vadd.s32 v3, v62  }
0x15f: {  	[tilespmem:$0x7D0] =	vst v4;
	v4 =	vadd.s32 v3, v5  }
0x160: {  	[tilespmem:$0x7E0] =	vst v4;
	v4 =	vadd.s32 v3, v63  }
0x161: {  	[tilespmem:$0x7F0] =	vst v4  }
0x162: {  	_ =	swait.ge [sflag:s20], $0x4000  }
0x163: {  	[sflag:s20] =	ssyncset.done $0x0  }
0x164: {  	s31 =	rddreg [dreg:$0xf];
	[sflag:s20] =	ssyncadd.s32 $0xFFFFC000  }
0x165: {  	[hbm4b:s31+s3] =	stream.linear.scatter [tilespmem:s11], [sflag:$0xB], $0x4000, $0x38;
	[tilespmem:$0x1C800] =	vst v63  }
0x166: {  	_ =	swait.ge [sflag:s21], $0x4000  }
0x167: {  	[sflag:s21] =	ssyncset.done $0x0  }
0x168: {  	[sflag:s21] =	ssyncadd.s32 $0xFFFFC000  }
0x169: {  	[tilespmem:s9], [sflag:$0x2] =	stream.indirect.gather [hbm4b:s1+s7], $0x80, s0, s7, $0xb8;
	[tilespmem:$0x1C800] =	vst v63  }
0x16a: {  	_ =	swait.ge [sflag:s22], $0x4000  }
0x16b: {  	[sflag:s22] =	ssyncset.done $0x0  }
0x16c: {  	s31 =	rddreg [dreg:$0x10];
	[sflag:s22] =	ssyncadd.s32 $0xFFFFC000  }
0x16d: {  	[hbm4b:s31+s3] =	stream.linear.scatter [tilespmem:s12], [sflag:$0xC], $0x4000, $0x38;
	[tilespmem:$0x1C800] =	vst v63  }
0x16e: {  	_ =	swait.ge [sflag:s24], $0x4000  }
0x16f: {  	[sflag:s24] =	ssyncset.done $0x0  }
0x170: {  	s31 =	rddreg [dreg:$0x11];
	[sflag:s24] =	ssyncadd.s32 $0xFFFFC000  }
0x171: {  	[hbm4b:s31+s3] =	stream.linear.scatter [tilespmem:s15], [sflag:$0xD], $0x4000, $0x38;
	[tilespmem:$0x1C800] =	vst v63  }
0x172: {  	_ =	swait.ge [sflag:s26], $0x4000  }
0x173: {  	[sflag:s26] =	ssyncset.done $0x0  }
0x174: {  	s31 =	rddreg [dreg:$0x12];
	[sflag:s26] =	ssyncadd.s32 $0xFFFFC000  }
0x175: {  	[hbm4b:s31+s3] =	stream.linear.scatter [tilespmem:s17], [sflag:$0xE], $0x4000, $0x38;
	[tilespmem:$0x1C800] =	vst v63  }
0x176: {  	_ =	swait.ge [sflag:s14], $0x4000  }
0x177: {  	[sflag:s14] =	ssyncset.done $0x0  }
0x178: {  	s31 =	rddreg [dreg:$0x13];
	[sflag:s14] =	ssyncadd.s32 $0xFFFFC000  }
0x179: {  	[hbm4b:s31+s3] =	stream.linear.scatter [tilespmem:s8], [sflag:$0x8], $0x4000, $0x38;
	[tilespmem:$0x1C800] =	vst v63  }
0x17a: {  	_ =	swait.ge [sflag:s16], $0x4000  }
0x17b: {  	[sflag:s16] =	ssyncset.done $0x0  }
0x17c: {  	s31 =	rddreg [dreg:$0x14];
	[sflag:s16] =	ssyncadd.s32 $0xFFFFC000  }
0x17d: {  	[hbm4b:s31+s3] =	stream.linear.scatter [tilespmem:s9], [sflag:$0x9], $0x4000, $0x38;
	[tilespmem:$0x1C800] =	vst v63  }
0x17e: {  	_ =	swait.ge [sflag:s23], $0x4000  }
0x17f: {  	[sflag:s23] =	ssyncset.done $0x0  }
0x180: {  	[sflag:s23] =	ssyncadd.s32 $0xFFFFC000  }
0x181: {  	_ =	swait.ge [sflag:s25], $0x4000  }
0x182: {  	[sflag:s25] =	ssyncset.done $0x0  }
0x183: {  	[sflag:s25] =	ssyncadd.s32 $0xFFFFC000  }
0x184: {  	_ =	swait.ge [sflag:s28], $0x4000  }
0x185: {  	[sflag:s28] =	ssyncset.done $0x0  }
0x186: {  	[sflag:s28] =	ssyncadd.s32 $0xFFFFC000  }
0x187: {  	_ =	swait.ge [sflag:s29], $0x4000  }
0x188: {  	[sflag:s29] =	ssyncset.done $0x0  }
0x189: {  	[sflag:s29] =	ssyncadd.s32 $0xFFFFC000  }
0x18a: {  	_ =	swait.ge [sflag:s30], $0x4000  }
0x18b: {  	[sflag:s30] =	ssyncset.done $0x0  }
0x18c: {  	[sflag:s30] =	ssyncadd.s32 $0xFFFFC000  }
0x18d: {  	p0 =	sne.s32 s5, $0x1;
	_ =	swait.ge [sflag:s19], $0x4000  }
.Ltmp0:
0x18e: {  	[sflag:s19] =	ssyncset.done $0x0;
	(pc) =	sbr.rel @p0 .LBB2_1-.Ltmp0, $4  }
0x18f: {  	[sflag:s19] =	ssyncadd.s32 $0xFFFFC000  }
0x190: {  	_ =	swait.ge [sflag:s21], $0x4000  }
0x191: {  	[sflag:s21] =	ssyncset.done $0x0  }
0x192: {  	s5 =	sadd.s32 $0xFFFFFFFF, s5;
	[sflag:s21] =	ssyncadd.s32 $0xFFFFC000  }
0x193: {  	_ =	sfence.sel $0x180000  }
0x194: {  	[bflag:$0x0] =	sbarrier.arrive $0xFFFF  }
0x195: {  	_ =	strace $0x90000047  }
0x196: {  	s0 =	stileid.u32;
	[bflag:$0x2] =	sbarrier.arrive $0xFFFF  }
0x197: {  	p0 =	sne.s32 s0, $0x0;
	s0 =	rddreg [dreg:$0x3]  }
0x198: {  	s0 =	sadd.s32 @!p0 $0x100000, s0  }
0x199: {  	[sflag:s0] =	ssyncadd.tile.s32 @!p0 $0x1;
	_ =	shalt  }
.Lfunc_end2:
_tile_overlayer_lowered:
.L_overlay_start_2:
0x19a: {  	(tag) =	ssettag $0x2  }
0x19b: {  	s0 =	rddreg [dreg:$0x0];
	s2 =	stileid.u32  }
0x19c: {  	s1 =	rddreg [dreg:$0x1];
	p0 =	sne.s32 s2, $0x0  }
0x19d: {  	s3 =	rddreg [dreg:$0x2];
	[bflag:$0x3] =	sbarrier.arrive $0xFFFF;
	s2 =	simm.s32 @!p0 $0x1C0F  }
0x19e: {  	[timem:s3], [sflag:s2] =	dma.local @!p0 [hbm:s0], s1  }
0x19f: {  	s0 =	simm.s32 @!p0 $0xF  }
0x1a0: {  	_ =	swait.ge @!p0 [sflag:s0], s1  }
0x1a1: {  	s1 =	ssub.s32 @!p0 $0x0, s1;
	[sflag:s0] =	ssyncset.done @!p0 $0x0  }
0x1a2: {  	[sflag:s0] =	ssyncadd.s32 @!p0 s1  }
0x1a3: {  	[bflag:$0x3] =	sbarrier.arrive $0xFFFF  }
0x1a4: {  	_ =	shalt  }

</sc_bundles>
